<compile_context>
chip_gen: v7x
topology: tpu7x:2x2x1
jax: 0.10.2.dev20260603
libtpu: 0.0.44.dev20260713+nightly
codegen_flags: <defaults>
</compile_context>

<pallas_src>
import functools

import jax
import jax.numpy as jnp
from jax import lax
from jax.experimental import pallas as pl
from jax.experimental.pallas import tpu as pltpu
from jax.experimental.pallas import tpu_sc as plsc

_N = 10000
_E = 640000
_G = 8
_EPS = 1e-5
_RATIO = 0.7


def _make_segmax(C, CPT, ESPLIT, ECH=2000):
    NCG = C // CPT
    ESH = _E // ESPLIT
    NCHUNK = ESH // ECH
    NV = ECH // 16
    assert NCG * ESPLIT == 32

    mesh = plsc.VectorSubcoreMesh(core_axis_name="c", subcore_axis_name="s")

    @functools.partial(
        pl.kernel,
        out_type=jax.ShapeDtypeStruct((ESPLIT * C * _N,), jnp.float32),
        mesh=mesh,
        compiler_params=pltpu.CompilerParams(needs_layout_passes=False),
        scratch_types=[
            pltpu.VMEM((CPT * _N,), jnp.float32),
            pltpu.VMEM((CPT * _N,), jnp.float32),
            pltpu.VMEM((ECH,), jnp.int32),
            pltpu.VMEM((ECH,), jnp.int32),
        ],
    )
    def segmax(h_hbm, src_hbm, dst_hbm, out_hbm, hv, acc, sidx, didx):
        wid = lax.axis_index("s") * 2 + lax.axis_index("c")
        shard = wid // NCG
        cb = (wid % NCG) * CPT
        ebase = shard * ESH

        for c in range(CPT):
            pltpu.sync_copy(h_hbm.at[pl.ds((cb + c) * _N, _N)],
                            hv.at[pl.ds(c * _N, _N)])

        ninf = jnp.full((16,), -jnp.inf, jnp.float32)

        def init_body(i, carry):
            for c in range(CPT):
                acc[pl.ds(c * _N + i * 16, 16)] = ninf
            return carry

        lax.fori_loop(0, _N // 16, init_body, 0)

        def chunk_body(k, carry):
            off = ebase + k * ECH
            pltpu.sync_copy(src_hbm.at[pl.ds(off, ECH)], sidx)
            pltpu.sync_copy(dst_hbm.at[pl.ds(off, ECH)], didx)

            def vec_body(j, c2):
                s = sidx[pl.ds(j * 16, 16)]
                d = didx[pl.ds(j * 16, 16)]
                for c in range(CPT):
                    sc = s + (c * _N) if c else s
                    dc = d + (c * _N) if c else d
                    val = plsc.load_gather(hv, [sc])

                    def rbody(p):
                        cur = plsc.load_gather(acc, [dc])
                        new = jnp.maximum(cur, val)
                        plsc.store_scatter(acc, [dc], new, mask=p)
                        chk = plsc.load_gather(acc, [dc])
                        return p & (chk < val)

                    lax.while_loop(lambda p: jnp.any(p), rbody,
                                   jnp.full((16,), True))
                return c2

            lax.fori_loop(0, NV, vec_body, 0)
            return carry

        lax.fori_loop(0, NCHUNK, chunk_body, 0)

        for c in range(CPT):
            pltpu.sync_copy(acc.at[pl.ds(c * _N, _N)],
                            out_hbm.at[pl.ds((shard * C + cb + c) * _N, _N)])

    return segmax


def _block_tc(h_t, M, W, b, g, be, res_t):
    C = W.shape[1]

    def body(h_ref, m_ref, w_ref, b_ref, g_ref, be_ref, *rest):
        if res_t is None:
            out_ref = rest[0]
            r_ref = None
        else:
            r_ref, out_ref = rest
        h = h_ref[...]
        mm = jnp.max(m_ref[...], axis=0)
        agg = jnp.where(mm == -jnp.inf, 0.0, mm - h)
        con = jnp.concatenate([h, agg], axis=0)
        hp = lax.dot_general(w_ref[...], con, (((0,), (0,)), ((), ())),
                             preferred_element_type=jnp.float32) + b_ref[...]
        mu = jnp.mean(hp, axis=1, keepdims=True)
        var = jnp.mean((hp - mu) ** 2, axis=1, keepdims=True)
        o = jnp.maximum((hp - mu) / jnp.sqrt(var + _EPS) * g_ref[...]
                        + be_ref[...], 0.0)
        if r_ref is not None:
            o = o + r_ref[...]
        out_ref[...] = o

    args = [h_t, M, W, b.reshape(C, 1), g.reshape(C, 1), be.reshape(C, 1)]
    if res_t is not None:
        args.append(res_t)
    return pl.pallas_call(
        body, out_shape=jax.ShapeDtypeStruct((C, _N), jnp.float32))(*args)


def _fusion_pre(feats_t, W, b):
    BN = 1024
    grid = (-(-_N // BN),)

    def body(f_ref, w_ref, b_ref, o_ref):
        o_ref[...] = lax.dot_general(
            w_ref[...], f_ref[...], (((0,), (0,)), ((), ())),
            preferred_element_type=jnp.float32) + b_ref[...]

    return pl.pallas_call(
        body,
        grid=grid,
        in_specs=[pl.BlockSpec((256, BN), lambda i: (0, i)),
                  pl.BlockSpec((256, 1024), lambda i: (0, 0)),
                  pl.BlockSpec((1024, 1), lambda i: (0, 0))],
        out_specs=pl.BlockSpec((1024, BN), lambda i: (0, i)),
        out_shape=jax.ShapeDtypeStruct((1024, _N), jnp.float32),
    )(feats_t, W, b.reshape(-1, 1))


def _fusion_stats(hp):
    def body(h_ref, o_ref):
        h = h_ref[...]
        mu = jnp.mean(h, axis=1, keepdims=True)
        var = jnp.mean((h - mu) ** 2, axis=1, keepdims=True)
        o_ref[0] = mu
        o_ref[1] = var

    return pl.pallas_call(
        body,
        grid=(4,),
        in_specs=[pl.BlockSpec((256, _N), lambda i: (i, 0))],
        out_specs=pl.BlockSpec((2, 256, 1), lambda i: (0, i, 0)),
        out_shape=jax.ShapeDtypeStruct((2, 1024, 1), jnp.float32))(hp)


def _fusion_post(hp, st, g, be, w):
    BN = 1024
    grid = (-(-_N // BN),)

    def body(h_ref, st_ref, g_ref, be_ref, w_ref, f_ref, s_ref):
        mu = st_ref[0]
        var = st_ref[1]
        f = jnp.maximum((h_ref[...] - mu) / jnp.sqrt(var + _EPS) * g_ref[...]
                        + be_ref[...], 0.0)
        f_ref[...] = f
        wv = w_ref[...]
        wn = jnp.sqrt(jnp.sum(wv * wv))
        s_ref[...] = jnp.tanh(jnp.sum(f * wv, axis=0, keepdims=True) / wn)

    return pl.pallas_call(
        body,
        grid=grid,
        in_specs=[pl.BlockSpec((1024, BN), lambda i: (0, i)),
                  pl.BlockSpec((2, 1024, 1), lambda i: (0, 0, 0)),
                  pl.BlockSpec((1024, 1), lambda i: (0, 0)),
                  pl.BlockSpec((1024, 1), lambda i: (0, 0)),
                  pl.BlockSpec((1024, 1), lambda i: (0, 0))],
        out_specs=[pl.BlockSpec((1024, BN), lambda i: (0, i)),
                   pl.BlockSpec((1, BN), lambda i: (0, i))],
        out_shape=[jax.ShapeDtypeStruct((1024, _N), jnp.float32),
                   jax.ShapeDtypeStruct((1, _N), jnp.float32)],
    )(hp, st, g.reshape(-1, 1), be.reshape(-1, 1), w.reshape(-1, 1))


def _topk_keep(score_row, score_col, batch_row, batch_col):
    B = 400

    def body(sr_ref, sc_ref, br_ref, bc_ref, keep_ref):
        sr = sr_ref[...]
        br = br_ref[...]
        gidx = lax.broadcasted_iota(jnp.int32, (_G, _N), 0)
        cntg = jnp.sum(jnp.where(br == gidx, 1.0, 0.0), axis=1, keepdims=True)
        kg = jnp.ceil(_RATIO * cntg)
        jrow = lax.broadcasted_iota(jnp.int32, (1, _N), 1)

        def step(t, carry):
            i0 = t * B
            si = sc_ref[pl.ds(i0, B), :]
            bi = bc_ref[pl.ds(i0, B), :]
            irow = lax.broadcasted_iota(jnp.int32, (B, 1), 0) + i0
            before = (sr > si) | ((sr == si) & (jrow < irow))
            cnt = jnp.sum(jnp.where((br == bi) & before, 1.0, 0.0),
                          axis=1, keepdims=True)
            kb = jnp.zeros((B, 1), jnp.float32)
            for g in range(_G):
                kb = kb + jnp.where(bi == g, kg[g:g + 1, 0:1], 0.0)
            keep_ref[pl.ds(i0, B), :] = jnp.where(cnt < kb, 1.0, 0.0)
            return carry

        lax.fori_loop(0, _N // B, step, 0)

    return pl.pallas_call(
        body, out_shape=jax.ShapeDtypeStruct((_N, 1), jnp.float32))(
            score_row, score_col, batch_row, batch_col)


def _pool(fus, score_row, keep_row, batch_row):

    def body(f_ref, s_ref, k_ref, b_ref, o_ref):
        pooled = f_ref[...] * s_ref[...]
        keep = k_ref[...] > 0.0
        br = b_ref[...]
        for g in range(_G):
            m = (br == g) & keep
            gmax = jnp.max(jnp.where(m, pooled, -jnp.inf), axis=1,
                           keepdims=True)
            gsum = jnp.sum(jnp.where(m, pooled, 0.0), axis=1, keepdims=True)
            cnt = jnp.sum(jnp.where(m, 1.0, 0.0))
            gmean = gsum / jnp.maximum(cnt, 1.0)
            gmin = jnp.min(jnp.where(m, pooled, jnp.inf), axis=1,
                           keepdims=True)
            o_ref[0, :, pl.ds(g, 1)] = gmax
            o_ref[1, :, pl.ds(g, 1)] = gmean
            o_ref[2, :, pl.ds(g, 1)] = gmin

    return pl.pallas_call(
        body,
        grid=(4,),
        in_specs=[pl.BlockSpec((256, _N), lambda i: (i, 0)),
                  pl.BlockSpec((1, _N), lambda i: (0, 0)),
                  pl.BlockSpec((1, _N), lambda i: (0, 0)),
                  pl.BlockSpec((1, _N), lambda i: (0, 0))],
        out_specs=pl.BlockSpec((3, 256, _G), lambda i: (0, i, 0)),
        out_shape=jax.ShapeDtypeStruct((3, 1024, _G), jnp.float32))(
            fus, score_row, keep_row, batch_row)


def _pred(feat, p1, p2, p3):
    def body(f_ref, w1, b1, g1, be1, w2, b2, g2, be2, w3, b3, o_ref):
        def mlp(h, w_ref, b_ref, g_ref, be_ref):
            hp = lax.dot_general(h, w_ref[...], (((1,), (0,)), ((), ())),
                                 preferred_element_type=jnp.float32) + b_ref[...]
            mu = jnp.mean(hp, axis=0, keepdims=True)
            var = jnp.mean((hp - mu) ** 2, axis=0, keepdims=True)
            return jnp.maximum((hp - mu) / jnp.sqrt(var + _EPS) * g_ref[...]
                               + be_ref[...], 0.0)

        h1 = mlp(f_ref[...], w1, b1, g1, be1)
        h2 = mlp(h1, w2, b2, g2, be2)
        o_ref[...] = lax.dot_general(h2, w3[...], (((1,), (0,)), ((), ())),
                                     preferred_element_type=jnp.float32) + b3[...]

    r = lambda a: a.reshape(1, -1)
    return pl.pallas_call(
        body, out_shape=jax.ShapeDtypeStruct((_G, 2), jnp.float32))(
            feat, p1["W"], r(p1["b"]), r(p1["g"]), r(p1["be"]),
            p2["W"], r(p2["b"]), r(p2["g"]), r(p2["be"]),
            p3["W"], r(p3["b"]))


def kernel(x, params, edge_index, batch, y):
    src = edge_index[0]
    dst = edge_index[1]

    h0 = jnp.transpose(x[:, :16])
    seg_head = _make_segmax(16, 1, 2)
    M0 = seg_head(h0.reshape(-1), src, dst).reshape(2, 16, _N)
    ph = params["head"]
    feats = [_block_tc(h0, M0, ph["W"], ph["b"], ph["g"], ph["be"], None)]

    seg64 = _make_segmax(64, 2, 1)
    for blk in params["blocks"]:
        Mi = seg64(feats[-1].reshape(-1), src, dst).reshape(1, 64, _N)
        feats.append(_block_tc(feats[-1], Mi, blk["W"], blk["b"], blk["g"],
                               blk["be"], feats[-1]))

    feats_t = jnp.concatenate(feats, axis=0)
    fp = params["fusion"]
    hp = _fusion_pre(feats_t, fp["W"], fp["b"])
    st = _fusion_stats(hp)
    fus, score = _fusion_post(hp, st, fp["g"], fp["be"], params["pool_w"])

    br = batch.reshape(1, _N)
    keep_col = _topk_keep(score, score.reshape(_N, 1), br,
                          batch.reshape(_N, 1))
    po = _pool(fus, score, keep_col.reshape(1, _N), br)
    feat = jnp.concatenate([po[0].T, po[1].T, po[2].T], axis=1)
    return _pred(feat, params["pred1"], params["pred2"], params["pred3"])

# --- scband reference (transcript-rebuilt; emitter-appended) ---
"""Pipeline reference for scband-deep-gcn-base-27891517620234 (READ-ONLY COPY).

The authoritative reference and input builder live on the scoring server;
editing this copy changes nothing except your own understanding.
"""

import jax, jax.numpy as jnp
import numpy as np

N_NODES = 10000
N_EDGES = 640000
IN_CH = 16
CH = 64
N_BLOCKS = 4
POOL_DIM = 1024
RATIO = 0.7
N_GRAPHS = 8
EPS = 1e-5


def _mlp(x, W, b, g, be):
    h = x @ W + b
    mu = jnp.mean(h, axis=0)
    var = jnp.var(h, axis=0)
    h = (h - mu) / jnp.sqrt(var + EPS) * g + be
    return jax.nn.relu(h)


def _mrconv(x, src, dst, W, b, g, be):
    msg = x[src] - x[dst]
    agg = jax.ops.segment_max(msg, dst, num_segments=x.shape[0])
    agg = jnp.where(jnp.isneginf(agg), 0.0, agg)
    return _mlp(jnp.concatenate([x, agg], axis=1), W, b, g, be)


def _mlp_params(key, fan_in, fan_out):
    return {
        "W": jax.random.normal(key, (fan_in, fan_out), dtype=jnp.float32) * float(np.sqrt(2.0 / fan_in)),
        "b": jnp.zeros((fan_out,), dtype=jnp.float32),
        "g": jnp.ones((fan_out,), dtype=jnp.float32),
        "be": jnp.zeros((fan_out,), dtype=jnp.float32),
    }


def setup_inputs(seed: int = 0):
    key = jax.random.key(seed)
    ks = jax.random.split(key, 16)
    x = jax.random.normal(ks[0], (N_NODES, IN_CH), dtype=jnp.float32)
    edge_index = jax.random.randint(ks[1], (2, N_EDGES), 0, N_NODES, dtype=jnp.int32)
    batch = jnp.sort(jax.random.randint(ks[2], (N_NODES,), 0, N_GRAPHS, dtype=jnp.int32))
    y = jax.random.randint(ks[3], (N_GRAPHS,), 1, 3, dtype=jnp.int32)
    fusion_dims = CH * N_BLOCKS
    params = {
        "head": _mlp_params(ks[4], 2 * IN_CH, CH),
        "blocks": [_mlp_params(ks[5 + i], 2 * CH, CH) for i in range(N_BLOCKS - 1)],
        "fusion": _mlp_params(ks[9], fusion_dims, POOL_DIM),
        "pool_w": jax.random.normal(ks[10], (POOL_DIM,), dtype=jnp.float32),
        "pred1": _mlp_params(ks[11], 3 * POOL_DIM, 512),
        "pred2": _mlp_params(ks[12], 512, 256),
        "pred3": {
            "W": jax.random.normal(ks[13], (256, 2), dtype=jnp.float32) * float(np.sqrt(2.0 / 256)),
            "b": jnp.zeros((2,), dtype=jnp.float32),
        },
    }
    return {"x": x, "params": params, "edge_index": edge_index, "batch": batch, "y": y}


def _forward(x, params, edge_index, batch):
    src = edge_index[0]
    dst = edge_index[1]
    h = x[:, :IN_CH]
    feats = [_mrconv(h, src, dst, **params["head"])]
    for blk in params["blocks"]:
        feats.append(_mrconv(feats[-1], src, dst, **blk) + feats[-1])
    feats = jnp.concatenate(feats, axis=1)
    fusion = _mlp(feats, **params["fusion"])
    w = params["pool_w"]
    score = jnp.tanh((fusion @ w) / jnp.linalg.norm(w))
    num_graphs = N_GRAPHS
    n_nodes = batch.shape[0]
    order = jnp.lexsort((-score, batch))
    bo = batch[order]
    counts = jax.ops.segment_sum(jnp.ones((n_nodes,), dtype=jnp.int32), batch, num_segments=num_graphs)
    starts = jnp.cumsum(counts) - counts
    rank = jnp.arange(n_nodes, dtype=jnp.int32) - starts[bo]
    k = jnp.ceil(RATIO * counts.astype(jnp.float32)).astype(jnp.int32)
    keep = rank < k[bo]
    pooled = fusion[order] * score[order][:, None]
    gmax = jax.ops.segment_max(jnp.where(keep[:, None], pooled, -jnp.inf), bo, num_segments=num_graphs)
    gsum = jax.ops.segment_sum(jnp.where(keep[:, None], pooled, 0.0), bo, num_segments=num_graphs)
    cnt = jax.ops.segment_sum(jnp.where(keep, 1.0, 0.0)[:, None], bo, num_segments=num_graphs)
    gmean = gsum / jnp.maximum(cnt, 1.0)
    gmin = jax.ops.segment_min(jnp.where(keep[:, None], pooled, jnp.inf), bo, num_segments=num_graphs)
    feat = jnp.concatenate([gmax, gmean, gmin], axis=1)
    h1 = _mlp(feat, **params["pred1"])
    h2 = _mlp(h1, **params["pred2"])
    out = h2 @ params["pred3"]["W"] + params["pred3"]["b"]
    return out


def reference(x, params, edge_index, batch, y):
    _ = y - 1
    return _forward(x, params, edge_index, batch)

if __name__ == "__main__":
    import jax
    _d = setup_inputs()
    print(jax.jit(kernel)(*tuple(_d.values())))

</pallas_src>

<mosaic_0001>
#map = affine_map<(d0, d1) -> (0)>
module attributes {stable_mosaic.version = 14 : i64} {
  func.func @segmax(%arg0: i32, %arg1: i32, %arg2: memref<640000xf32, #tpu.memory_space<hbm>>, %arg3: memref<640000xi32, #tpu.memory_space<hbm>>, %arg4: memref<640000xi32, #tpu.memory_space<hbm>>, %arg5: memref<640000xf32, #tpu.memory_space<hbm>>, %arg6: memref<20000xf32, #tpu.memory_space<vmem>>, %arg7: memref<20000xf32, #tpu.memory_space<vmem>>, %arg8: memref<2000xi32, #tpu.memory_space<vmem>>, %arg9: memref<2000xi32, #tpu.memory_space<vmem>>) attributes {dimension_semantics = [#tpu.dimension_semantics<core_parallel>, #tpu.dimension_semantics<subcore_parallel>], iteration_bounds = array<i64: 2, 16>, scalar_prefetch = 0 : i64, scratch_operands = 4 : i64, tpu.core_type = #tpu.core_type<sc_vector_subcore>, window_params = [{transform_indices = #map}, {transform_indices = #map}, {transform_indices = #map}, {transform_indices = #map}]} {
    %mul3A = arith.constant 2 : i32
    %mul3A_0 = arith.muli %arg1, %mul3A : i32
    %add3A = arith.addi %mul3A_0, %arg0 : i32
    %jit3A = arith.constant 32 : i32
    %div3A = arith.divsi %add3A, %jit3A : i32
    %sign3A = arith.constant 0 : i32
    %sign3A_1 = arith.cmpi sgt, %add3A, %sign3A : i32
    %sign3A_2 = arith.extui %sign3A_1 : i1 to i32
    %sign3A_3 = arith.constant 0 : i32
    %sign3A_4 = arith.cmpi slt, %add3A, %sign3A_3 : i32
    %sign3A_5 = arith.extui %sign3A_4 : i1 to i32
    %sign3A_6 = arith.subi %sign3A_2, %sign3A_5 : i32
    %sign3A_7 = arith.constant 0 : i32
    %sign3A_8 = arith.cmpi sgt, %jit3A, %sign3A_7 : i32
    %sign3A_9 = arith.extui %sign3A_8 : i1 to i32
    %sign3A_10 = arith.constant 0 : i32
    %sign3A_11 = arith.cmpi slt, %jit3A, %sign3A_10 : i32
    %sign3A_12 = arith.extui %sign3A_11 : i1 to i32
    %sign3A_13 = arith.subi %sign3A_9, %sign3A_12 : i32
    %ne3A = arith.cmpi ne, %sign3A_6, %sign3A_13 : i32
    %rem3A = arith.remsi %add3A, %jit3A : i32
    %ne3A_14 = arith.constant 0 : i32
    %ne3A_15 = arith.cmpi ne, %rem3A, %ne3A_14 : i32
    %and3A = arith.andi %ne3A, %ne3A_15 : i1
    %sub3A = arith.constant 1 : i32
    %sub3A_16 = arith.subi %div3A, %sub3A : i32
    %select_n3A = arith.select %and3A, %sub3A_16, %div3A : i32
    %jit3A_17 = arith.constant 32 : i32
    %eq3A = arith.constant 0 : i32
    %eq3A_18 = arith.cmpi eq, %jit3A_17, %eq3A : i32
    %jit3A_19 = arith.constant 1 : i32
    %select_n3A_20 = arith.select %eq3A_18, %jit3A_19, %jit3A_17 : i32
    %rem3A_21 = arith.remsi %add3A, %select_n3A_20 : i32
    %ne3A_22 = arith.constant 0 : i32
    %ne3A_23 = arith.cmpi ne, %rem3A_21, %ne3A_22 : i32
    %lt3A = arith.constant 0 : i32
    %lt3A_24 = arith.cmpi slt, %rem3A_21, %lt3A : i32
    %lt3A_25 = arith.constant 0 : i32
    %lt3A_26 = arith.cmpi slt, %select_n3A_20, %lt3A_25 : i32
    %ne3A_27 = arith.xori %lt3A_24, %lt3A_26 : i1
    %and3A_28 = arith.andi %ne3A_27, %ne3A_23 : i1
    %add3A_29 = arith.addi %rem3A_21, %select_n3A_20 : i32
    %select_n3A_30 = arith.select %and3A_28, %add3A_29, %rem3A_21 : i32
    %mul3A_31 = arith.constant 2 : i32
    %mul3A_32 = arith.muli %select_n3A_30, %mul3A_31 : i32
    %mul3A_33 = arith.constant 640000 : i32
    %mul3A_34 = arith.muli %select_n3A, %mul3A_33 : i32
    %add3A_35 = arith.constant 0 : i32
    %add3A_36 = arith.addi %mul3A_32, %add3A_35 : i32
    %mul3A_37 = arith.constant 10000 : i32
    %mul3A_38 = arith.muli %add3A_36, %mul3A_37 : i32
    "tpu.region"() ({
      %run_scoped3A = tpu.sem_alloc : memref<!tpu.dma_semaphore, #tpu.memory_space<semaphore_mem>>
      %dma_start3A = arith.constant 0 : i32
      %dma_start3A_69 = tpu.memref_slice %arg6[%dma_start3A] : memref<20000xf32, #tpu.memory_space<vmem>> -> memref<10000xf32, #tpu.memory_space<vmem>>
      %dma_start3A_70 = tpu.memref_slice %arg2[%mul3A_38] : memref<640000xf32, #tpu.memory_space<hbm>> -> memref<10000xf32, #tpu.memory_space<hbm>>
      %dma_start3A_71 = arith.constant 0 : i32
      %dma_start3A_72 = tpu.memref_slice %arg6[%dma_start3A_71] : memref<20000xf32, #tpu.memory_space<vmem>> -> memref<10000xf32, #tpu.memory_space<vmem>>
      %dma_start3A_73 = tpu.memref_slice %arg2[%mul3A_38] : memref<640000xf32, #tpu.memory_space<hbm>> -> memref<10000xf32, #tpu.memory_space<hbm>>
      tpu.enqueue_dma source(%dma_start3A_73 : memref<10000xf32, #tpu.memory_space<hbm>>) target(%dma_start3A_72 : memref<10000xf32, #tpu.memory_space<vmem>>) target_semaphore(%run_scoped3A : memref<!tpu.dma_semaphore, #tpu.memory_space<semaphore_mem>>)
      %dma_wait3A = arith.constant 0 : i32
      %dma_wait3A_74 = tpu.memref_slice %arg6[%dma_wait3A] : memref<20000xf32, #tpu.memory_space<vmem>> -> memref<10000xf32, #tpu.memory_space<vmem>>
      %dma_wait3A_75 = tpu.memref_slice %arg2[%mul3A_38] : memref<640000xf32, #tpu.memory_space<hbm>> -> memref<10000xf32, #tpu.memory_space<hbm>>
      %dma_wait3A_76 = arith.constant 0 : i32
      %dma_wait3A_77 = tpu.memref_slice %arg6[%dma_wait3A_76] : memref<20000xf32, #tpu.memory_space<vmem>> -> memref<10000xf32, #tpu.memory_space<vmem>>
      %dma_wait3A_78 = tpu.memref_slice %arg2[%mul3A_38] : memref<640000xf32, #tpu.memory_space<hbm>> -> memref<10000xf32, #tpu.memory_space<hbm>>
      tpu.wait_dma2 semaphore(%run_scoped3A : memref<!tpu.dma_semaphore, #tpu.memory_space<semaphore_mem>>) src(%dma_wait3A_78 : memref<10000xf32, #tpu.memory_space<hbm>>) dst(%dma_wait3A_77 : memref<10000xf32, #tpu.memory_space<vmem>>)
      tpu.yield
    }) : () -> ()
    %add3A_39 = arith.constant 1 : i32
    %add3A_40 = arith.addi %mul3A_32, %add3A_39 : i32
    %mul3A_41 = arith.constant 10000 : i32
    %mul3A_42 = arith.muli %add3A_40, %mul3A_41 : i32
    "tpu.region"() ({
      %run_scoped3A = tpu.sem_alloc : memref<!tpu.dma_semaphore, #tpu.memory_space<semaphore_mem>>
      %dma_start3A = arith.constant 10000 : i32
      %dma_start3A_69 = tpu.memref_slice %arg6[%dma_start3A] : memref<20000xf32, #tpu.memory_space<vmem>> -> memref<10000xf32, #tpu.memory_space<vmem>>
      %dma_start3A_70 = tpu.memref_slice %arg2[%mul3A_42] : memref<640000xf32, #tpu.memory_space<hbm>> -> memref<10000xf32, #tpu.memory_space<hbm>>
      %dma_start3A_71 = arith.constant 10000 : i32
      %dma_start3A_72 = tpu.memref_slice %arg6[%dma_start3A_71] : memref<20000xf32, #tpu.memory_space<vmem>> -> memref<10000xf32, #tpu.memory_space<vmem>>
      %dma_start3A_73 = tpu.memref_slice %arg2[%mul3A_42] : memref<640000xf32, #tpu.memory_space<hbm>> -> memref<10000xf32, #tpu.memory_space<hbm>>
      tpu.enqueue_dma source(%dma_start3A_73 : memref<10000xf32, #tpu.memory_space<hbm>>) target(%dma_start3A_72 : memref<10000xf32, #tpu.memory_space<vmem>>) target_semaphore(%run_scoped3A : memref<!tpu.dma_semaphore, #tpu.memory_space<semaphore_mem>>)
      %dma_wait3A = arith.constant 10000 : i32
      %dma_wait3A_74 = tpu.memref_slice %arg6[%dma_wait3A] : memref<20000xf32, #tpu.memory_space<vmem>> -> memref<10000xf32, #tpu.memory_space<vmem>>
      %dma_wait3A_75 = tpu.memref_slice %arg2[%mul3A_42] : memref<640000xf32, #tpu.memory_space<hbm>> -> memref<10000xf32, #tpu.memory_space<hbm>>
      %dma_wait3A_76 = arith.constant 10000 : i32
      %dma_wait3A_77 = tpu.memref_slice %arg6[%dma_wait3A_76] : memref<20000xf32, #tpu.memory_space<vmem>> -> memref<10000xf32, #tpu.memory_space<vmem>>
      %dma_wait3A_78 = tpu.memref_slice %arg2[%mul3A_42] : memref<640000xf32, #tpu.memory_space<hbm>> -> memref<10000xf32, #tpu.memory_space<hbm>>
      tpu.wait_dma2 semaphore(%run_scoped3A : memref<!tpu.dma_semaphore, #tpu.memory_space<semaphore_mem>>) src(%dma_wait3A_78 : memref<10000xf32, #tpu.memory_space<hbm>>) dst(%dma_wait3A_77 : memref<10000xf32, #tpu.memory_space<vmem>>)
      tpu.yield
    }) : () -> ()
    %broadcast_in_dim3A = arith.constant 0xFF800000 : f32
    %broadcast_in_dim3A_43 = vector.broadcast %broadcast_in_dim3A : f32 to vector<16xf32>
    %scan3A = arith.constant 0 : i32
    %scan3A_44 = arith.constant 0 : i32
    %scan3A_45 = arith.constant 625 : i32
    %scan3A_46 = arith.addi %scan3A_44, %scan3A_45 : i32
    %scan3A_47 = arith.constant 1 : i32
    scf.for %scan3A_69 = %scan3A_44 to %scan3A_46 step %scan3A_47  : i32 {
      %mul3A_70 = arith.constant 16 : i32
      %mul3A_71 = arith.muli %scan3A_69, %mul3A_70 : i32
      %add3A_72 = arith.constant 0 : i32
      %add3A_73 = arith.addi %add3A_72, %mul3A_71 : i32
      %swap3A = arith.index_cast %add3A_73 : i32 to index
      %swap3A_74 = tpu.vector_load %arg7[%swap3A] {strides = array<i32>} : memref<20000xf32, #tpu.memory_space<vmem>>, vector<16xf32>,
      tpu.vector_store %arg7[%swap3A], %broadcast_in_dim3A_43 {strides = array<i32>} : memref<20000xf32, #tpu.memory_space<vmem>>, vector<16xf32>,
      %mul3A_75 = arith.constant 16 : i32
      %mul3A_76 = arith.muli %scan3A_69, %mul3A_75 : i32
      %add3A_77 = arith.constant 10000 : i32
      %add3A_78 = arith.addi %add3A_77, %mul3A_76 : i32
      %swap3A_79 = arith.index_cast %add3A_78 : i32 to index
      %swap3A_80 = tpu.vector_load %arg7[%swap3A_79] {strides = array<i32>} : memref<20000xf32, #tpu.memory_space<vmem>>, vector<16xf32>,
      tpu.vector_store %arg7[%swap3A_79], %broadcast_in_dim3A_43 {strides = array<i32>} : memref<20000xf32, #tpu.memory_space<vmem>>, vector<16xf32>,
    }
    %scan3A_48 = arith.constant 625 : i32
    %scan3A_49 = arith.constant 0 : i32
    %scan3A_50 = arith.constant 0 : i32
    %scan3A_51 = arith.constant 320 : i32
    %scan3A_52 = arith.addi %scan3A_50, %scan3A_51 : i32
    %scan3A_53 = arith.constant 1 : i32
    scf.for %scan3A_69 = %scan3A_50 to %scan3A_52 step %scan3A_53  : i32 {
      %mul3A_70 = arith.constant 2000 : i32
      %mul3A_71 = arith.muli %scan3A_69, %mul3A_70 : i32
      %add3A_72 = arith.addi %mul3A_34, %mul3A_71 : i32
      "tpu.region"() ({
        %run_scoped3A = tpu.sem_alloc : memref<!tpu.dma_semaphore, #tpu.memory_space<semaphore_mem>>
        %dma_start3A = tpu.memref_slice %arg3[%add3A_72] : memref<640000xi32, #tpu.memory_space<hbm>> -> memref<2000xi32, #tpu.memory_space<hbm>>
        %dma_start3A_79 = tpu.memref_slice %arg3[%add3A_72] : memref<640000xi32, #tpu.memory_space<hbm>> -> memref<2000xi32, #tpu.memory_space<hbm>>
        tpu.enqueue_dma source(%dma_start3A_79 : memref<2000xi32, #tpu.memory_space<hbm>>) target(%arg8 : memref<2000xi32, #tpu.memory_space<vmem>>) target_semaphore(%run_scoped3A : memref<!tpu.dma_semaphore, #tpu.memory_space<semaphore_mem>>)
        %dma_wait3A = tpu.memref_slice %arg3[%add3A_72] : memref<640000xi32, #tpu.memory_space<hbm>> -> memref<2000xi32, #tpu.memory_space<hbm>>
        %dma_wait3A_80 = tpu.memref_slice %arg3[%add3A_72] : memref<640000xi32, #tpu.memory_space<hbm>> -> memref<2000xi32, #tpu.memory_space<hbm>>
        tpu.wait_dma2 semaphore(%run_scoped3A : memref<!tpu.dma_semaphore, #tpu.memory_space<semaphore_mem>>) src(%dma_wait3A_80 : memref<2000xi32, #tpu.memory_space<hbm>>) dst(%arg8 : memref<2000xi32, #tpu.memory_space<vmem>>)
        tpu.yield
      }) : () -> ()
      "tpu.region"() ({
        %run_scoped3A = tpu.sem_alloc : memref<!tpu.dma_semaphore, #tpu.memory_space<semaphore_mem>>
        %dma_start3A = tpu.memref_slice %arg4[%add3A_72] : memref<640000xi32, #tpu.memory_space<hbm>> -> memref<2000xi32, #tpu.memory_space<hbm>>
        %dma_start3A_79 = tpu.memref_slice %arg4[%add3A_72] : memref<640000xi32, #tpu.memory_space<hbm>> -> memref<2000xi32, #tpu.memory_space<hbm>>
        tpu.enqueue_dma source(%dma_start3A_79 : memref<2000xi32, #tpu.memory_space<hbm>>) target(%arg9 : memref<2000xi32, #tpu.memory_space<vmem>>) target_semaphore(%run_scoped3A : memref<!tpu.dma_semaphore, #tpu.memory_space<semaphore_mem>>)
        %dma_wait3A = tpu.memref_slice %arg4[%add3A_72] : memref<640000xi32, #tpu.memory_space<hbm>> -> memref<2000xi32, #tpu.memory_space<hbm>>
        %dma_wait3A_80 = tpu.memref_slice %arg4[%add3A_72] : memref<640000xi32, #tpu.memory_space<hbm>> -> memref<2000xi32, #tpu.memory_space<hbm>>
        tpu.wait_dma2 semaphore(%run_scoped3A : memref<!tpu.dma_semaphore, #tpu.memory_space<semaphore_mem>>) src(%dma_wait3A_80 : memref<2000xi32, #tpu.memory_space<hbm>>) dst(%arg9 : memref<2000xi32, #tpu.memory_space<vmem>>)
        tpu.yield
      }) : () -> ()
      %scan3A_73 = arith.constant 0 : i32
      %scan3A_74 = arith.constant 0 : i32
      %scan3A_75 = arith.constant 125 : i32
      %scan3A_76 = arith.addi %scan3A_74, %scan3A_75 : i32
      %scan3A_77 = arith.constant 1 : i32
      scf.for %scan3A_79 = %scan3A_74 to %scan3A_76 step %scan3A_77  : i32 {
        %mul3A_80 = arith.constant 16 : i32
        %mul3A_81 = arith.muli %scan3A_79, %mul3A_80 : i32
        %get3A = arith.index_cast %mul3A_81 : i32 to index
        %get3A_82 = tpu.vector_load %arg8[%get3A] {strides = array<i32>} : memref<2000xi32, #tpu.memory_space<vmem>>, vector<16xi32>,
        %mul3A_83 = arith.constant 16 : i32
        %mul3A_84 = arith.muli %scan3A_79, %mul3A_83 : i32
        %get3A_85 = arith.index_cast %mul3A_84 : i32 to index
        %get3A_86 = tpu.vector_load %arg9[%get3A_85] {strides = array<i32>} : memref<2000xi32, #tpu.memory_space<vmem>>, vector<16xi32>,
        %gather3A = tpu.vector_load_idx %arg6[%get3A_82] : memref<20000xf32, #tpu.memory_space<vmem>>[vector<16xi32>], vector<16xf32>,
        %broadcast_in_dim3A_87 = arith.constant true
        %broadcast_in_dim3A_88 = vector.broadcast %broadcast_in_dim3A_87 : i1 to vector<16xi1>
        %while3A = scf.while (%while3A_99 = %broadcast_in_dim3A_88) : (vector<16xi1>) -> vector<16xi1> {
          %reduce_or3A = arith.constant 1.000000e+00 : f32
          %reduce_or3A_100 = arith.constant 0.000000e+00 : f32
          %reduce_or3A_101 = vector.broadcast %reduce_or3A : f32 to vector<16xf32>
          %reduce_or3A_102 = vector.broadcast %reduce_or3A_100 : f32 to vector<16xf32>
          %reduce_or3A_103 = arith.select %while3A_99, %reduce_or3A_101, %reduce_or3A_102 : vector<16xi1>, vector<16xf32>
          %reduce_or3A_104 = arith.constant true
          %reduce_or3A_105 = vector.broadcast %reduce_or3A_104 : i1 to vector<16xi1>
          %reduce_or3A_106 = tpu.scan <max>, %reduce_or3A_103 masked %reduce_or3A_105 : vector<16xf32>, vector<16xi1> -> vector<16xf32>
          %reduce_or3A_107 = vector.extract %reduce_or3A_106[15] : f32 from vector<16xf32>
          %reduce_or3A_108 = arith.constant 0.000000e+00 : f32
          %reduce_or3A_109 = arith.cmpf ogt, %reduce_or3A_107, %reduce_or3A_108 : f32
          scf.condition(%reduce_or3A_109) %while3A_99 : vector<16xi1>
        } do {
        ^bb0(%while3A_99: vector<16xi1>):
          %gather3A_100 = tpu.vector_load_idx %arg7[%get3A_86] : memref<20000xf32, #tpu.memory_space<vmem>>[vector<16xi32>], vector<16xf32>,
          %max3A = arith.maximumf %gather3A_100, %gather3A : vector<16xf32>
          tpu.vector_store_idx %arg7[%get3A_86], %max3A masked %while3A_99 : memref<20000xf32, #tpu.memory_space<vmem>>[vector<16xi32>], vector<16xf32>, vector<16xi1>
          %gather3A_101 = tpu.vector_load_idx %arg7[%get3A_86] : memref<20000xf32, #tpu.memory_space<vmem>>[vector<16xi32>], vector<16xf32>,
          %lt3A_102 = arith.cmpf olt, %gather3A_101, %gather3A : vector<16xf32>
          %and3A_103 = arith.andi %while3A_99, %lt3A_102 : vector<16xi1>
          scf.yield %and3A_103 : vector<16xi1>
        }
        %add3A_89 = arith.constant 10000 : i32
        %add3A_90 = vector.broadcast %add3A_89 : i32 to vector<16xi32>
        %add3A_91 = arith.addi %get3A_82, %add3A_90 : vector<16xi32>
        %add3A_92 = arith.constant 10000 : i32
        %add3A_93 = vector.broadcast %add3A_92 : i32 to vector<16xi32>
        %add3A_94 = arith.addi %get3A_86, %add3A_93 : vector<16xi32>
        %gather3A_95 = tpu.vector_load_idx %arg6[%add3A_91] : memref<20000xf32, #tpu.memory_space<vmem>>[vector<16xi32>], vector<16xf32>,
        %broadcast_in_dim3A_96 = arith.constant true
        %broadcast_in_dim3A_97 = vector.broadcast %broadcast_in_dim3A_96 : i1 to vector<16xi1>
        %while3A_98 = scf.while (%while3A_99 = %broadcast_in_dim3A_97) : (vector<16xi1>) -> vector<16xi1> {
          %reduce_or3A = arith.constant 1.000000e+00 : f32
          %reduce_or3A_100 = arith.constant 0.000000e+00 : f32
          %reduce_or3A_101 = vector.broadcast %reduce_or3A : f32 to vector<16xf32>
          %reduce_or3A_102 = vector.broadcast %reduce_or3A_100 : f32 to vector<16xf32>
          %reduce_or3A_103 = arith.select %while3A_99, %reduce_or3A_101, %reduce_or3A_102 : vector<16xi1>, vector<16xf32>
          %reduce_or3A_104 = arith.constant true
          %reduce_or3A_105 = vector.broadcast %reduce_or3A_104 : i1 to vector<16xi1>
          %reduce_or3A_106 = tpu.scan <max>, %reduce_or3A_103 masked %reduce_or3A_105 : vector<16xf32>, vector<16xi1> -> vector<16xf32>
          %reduce_or3A_107 = vector.extract %reduce_or3A_106[15] : f32 from vector<16xf32>
          %reduce_or3A_108 = arith.constant 0.000000e+00 : f32
          %reduce_or3A_109 = arith.cmpf ogt, %reduce_or3A_107, %reduce_or3A_108 : f32
          scf.condition(%reduce_or3A_109) %while3A_99 : vector<16xi1>
        } do {
        ^bb0(%while3A_99: vector<16xi1>):
          %gather3A_100 = tpu.vector_load_idx %arg7[%add3A_94] : memref<20000xf32, #tpu.memory_space<vmem>>[vector<16xi32>], vector<16xf32>,
          %max3A = arith.maximumf %gather3A_100, %gather3A_95 : vector<16xf32>
          tpu.vector_store_idx %arg7[%add3A_94], %max3A masked %while3A_99 : memref<20000xf32, #tpu.memory_space<vmem>>[vector<16xi32>], vector<16xf32>, vector<16xi1>
          %gather3A_101 = tpu.vector_load_idx %arg7[%add3A_94] : memref<20000xf32, #tpu.memory_space<vmem>>[vector<16xi32>], vector<16xf32>,
          %lt3A_102 = arith.cmpf olt, %gather3A_101, %gather3A_95 : vector<16xf32>
          %and3A_103 = arith.andi %while3A_99, %lt3A_102 : vector<16xi1>
          scf.yield %and3A_103 : vector<16xi1>
        }
      }
      %scan3A_78 = arith.constant 125 : i32
    }
    %scan3A_54 = arith.constant 320 : i32
    %mul3A_55 = arith.constant 64 : i32
    %mul3A_56 = arith.muli %select_n3A, %mul3A_55 : i32
    %add3A_57 = arith.addi %mul3A_56, %mul3A_32 : i32
    %add3A_58 = arith.constant 0 : i32
    %add3A_59 = arith.addi %add3A_57, %add3A_58 : i32
    %mul3A_60 = arith.constant 10000 : i32
    %mul3A_61 = arith.muli %add3A_59, %mul3A_60 : i32
    "tpu.region"() ({
      %run_scoped3A = tpu.sem_alloc : memref<!tpu.dma_semaphore, #tpu.memory_space<semaphore_mem>>
      %dma_start3A = arith.constant 0 : i32
      %dma_start3A_69 = tpu.memref_slice %arg7[%dma_start3A] : memref<20000xf32, #tpu.memory_space<vmem>> -> memref<10000xf32, #tpu.memory_space<vmem>>
      %dma_start3A_70 = tpu.memref_slice %arg5[%mul3A_61] : memref<640000xf32, #tpu.memory_space<hbm>> -> memref<10000xf32, #tpu.memory_space<hbm>>
      %dma_start3A_71 = tpu.memref_slice %arg5[%mul3A_61] : memref<640000xf32, #tpu.memory_space<hbm>> -> memref<10000xf32, #tpu.memory_space<hbm>>
      %dma_start3A_72 = arith.constant 0 : i32
      %dma_start3A_73 = tpu.memref_slice %arg7[%dma_start3A_72] : memref<20000xf32, #tpu.memory_space<vmem>> -> memref<10000xf32, #tpu.memory_space<vmem>>
      tpu.enqueue_dma source(%dma_start3A_73 : memref<10000xf32, #tpu.memory_space<vmem>>) target(%dma_start3A_71 : memref<10000xf32, #tpu.memory_space<hbm>>) target_semaphore(%run_scoped3A : memref<!tpu.dma_semaphore, #tpu.memory_space<semaphore_mem>>)
      %dma_wait3A = arith.constant 0 : i32
      %dma_wait3A_74 = tpu.memref_slice %arg7[%dma_wait3A] : memref<20000xf32, #tpu.memory_space<vmem>> -> memref<10000xf32, #tpu.memory_space<vmem>>
      %dma_wait3A_75 = tpu.memref_slice %arg5[%mul3A_61] : memref<640000xf32, #tpu.memory_space<hbm>> -> memref<10000xf32, #tpu.memory_space<hbm>>
      %dma_wait3A_76 = tpu.memref_slice %arg5[%mul3A_61] : memref<640000xf32, #tpu.memory_space<hbm>> -> memref<10000xf32, #tpu.memory_space<hbm>>
      %dma_wait3A_77 = arith.constant 0 : i32
      %dma_wait3A_78 = tpu.memref_slice %arg7[%dma_wait3A_77] : memref<20000xf32, #tpu.memory_space<vmem>> -> memref<10000xf32, #tpu.memory_space<vmem>>
      tpu.wait_dma2 semaphore(%run_scoped3A : memref<!tpu.dma_semaphore, #tpu.memory_space<semaphore_mem>>) src(%dma_wait3A_78 : memref<10000xf32, #tpu.memory_space<vmem>>) dst(%dma_wait3A_76 : memref<10000xf32, #tpu.memory_space<hbm>>)
      tpu.yield
    }) : () -> ()
    %mul3A_62 = arith.constant 64 : i32
    %mul3A_63 = arith.muli %select_n3A, %mul3A_62 : i32
    %add3A_64 = arith.addi %mul3A_63, %mul3A_32 : i32
    %add3A_65 = arith.constant 1 : i32
    %add3A_66 = arith.addi %add3A_64, %add3A_65 : i32
    %mul3A_67 = arith.constant 10000 : i32
    %mul3A_68 = arith.muli %add3A_66, %mul3A_67 : i32
    "tpu.region"() ({
      %run_scoped3A = tpu.sem_alloc : memref<!tpu.dma_semaphore, #tpu.memory_space<semaphore_mem>>
      %dma_start3A = arith.constant 10000 : i32
      %dma_start3A_69 = tpu.memref_slice %arg7[%dma_start3A] : memref<20000xf32, #tpu.memory_space<vmem>> -> memref<10000xf32, #tpu.memory_space<vmem>>
      %dma_start3A_70 = tpu.memref_slice %arg5[%mul3A_68] : memref<640000xf32, #tpu.memory_space<hbm>> -> memref<10000xf32, #tpu.memory_space<hbm>>
      %dma_start3A_71 = tpu.memref_slice %arg5[%mul3A_68] : memref<640000xf32, #tpu.memory_space<hbm>> -> memref<10000xf32, #tpu.memory_space<hbm>>
      %dma_start3A_72 = arith.constant 10000 : i32
      %dma_start3A_73 = tpu.memref_slice %arg7[%dma_start3A_72] : memref<20000xf32, #tpu.memory_space<vmem>> -> memref<10000xf32, #tpu.memory_space<vmem>>
      tpu.enqueue_dma source(%dma_start3A_73 : memref<10000xf32, #tpu.memory_space<vmem>>) target(%dma_start3A_71 : memref<10000xf32, #tpu.memory_space<hbm>>) target_semaphore(%run_scoped3A : memref<!tpu.dma_semaphore, #tpu.memory_space<semaphore_mem>>)
      %dma_wait3A = arith.constant 10000 : i32
      %dma_wait3A_74 = tpu.memref_slice %arg7[%dma_wait3A] : memref<20000xf32, #tpu.memory_space<vmem>> -> memref<10000xf32, #tpu.memory_space<vmem>>
      %dma_wait3A_75 = tpu.memref_slice %arg5[%mul3A_68] : memref<640000xf32, #tpu.memory_space<hbm>> -> memref<10000xf32, #tpu.memory_space<hbm>>
      %dma_wait3A_76 = tpu.memref_slice %arg5[%mul3A_68] : memref<640000xf32, #tpu.memory_space<hbm>> -> memref<10000xf32, #tpu.memory_space<hbm>>
      %dma_wait3A_77 = arith.constant 10000 : i32
      %dma_wait3A_78 = tpu.memref_slice %arg7[%dma_wait3A_77] : memref<20000xf32, #tpu.memory_space<vmem>> -> memref<10000xf32, #tpu.memory_space<vmem>>
      tpu.wait_dma2 semaphore(%run_scoped3A : memref<!tpu.dma_semaphore, #tpu.memory_space<semaphore_mem>>) src(%dma_wait3A_78 : memref<10000xf32, #tpu.memory_space<vmem>>) dst(%dma_wait3A_76 : memref<10000xf32, #tpu.memory_space<hbm>>)
      tpu.yield
    }) : () -> ()
    return
  }
}

#map = affine_map<(d0, d1) -> (0)>
module attributes {stable_mosaic.version = 14 : i64} {
  func.func @segmax(%arg0: i32, %arg1: i32, %arg2: memref<160000xf32, #tpu.memory_space<hbm>>, %arg3: memref<640000xi32, #tpu.memory_space<hbm>>, %arg4: memref<640000xi32, #tpu.memory_space<hbm>>, %arg5: memref<320000xf32, #tpu.memory_space<hbm>>, %arg6: memref<10000xf32, #tpu.memory_space<vmem>>, %arg7: memref<10000xf32, #tpu.memory_space<vmem>>, %arg8: memref<2000xi32, #tpu.memory_space<vmem>>, %arg9: memref<2000xi32, #tpu.memory_space<vmem>>) attributes {dimension_semantics = [#tpu.dimension_semantics<core_parallel>, #tpu.dimension_semantics<subcore_parallel>], iteration_bounds = array<i64: 2, 16>, scalar_prefetch = 0 : i64, scratch_operands = 4 : i64, tpu.core_type = #tpu.core_type<sc_vector_subcore>, window_params = [{transform_indices = #map}, {transform_indices = #map}, {transform_indices = #map}, {transform_indices = #map}]} {
    %mul3A = arith.constant 2 : i32
    %mul3A_0 = arith.muli %arg1, %mul3A : i32
    %add3A = arith.addi %mul3A_0, %arg0 : i32
    %jit3A = arith.constant 16 : i32
    %div3A = arith.divsi %add3A, %jit3A : i32
    %sign3A = arith.constant 0 : i32
    %sign3A_1 = arith.cmpi sgt, %add3A, %sign3A : i32
    %sign3A_2 = arith.extui %sign3A_1 : i1 to i32
    %sign3A_3 = arith.constant 0 : i32
    %sign3A_4 = arith.cmpi slt, %add3A, %sign3A_3 : i32
    %sign3A_5 = arith.extui %sign3A_4 : i1 to i32
    %sign3A_6 = arith.subi %sign3A_2, %sign3A_5 : i32
    %sign3A_7 = arith.constant 0 : i32
    %sign3A_8 = arith.cmpi sgt, %jit3A, %sign3A_7 : i32
    %sign3A_9 = arith.extui %sign3A_8 : i1 to i32
    %sign3A_10 = arith.constant 0 : i32
    %sign3A_11 = arith.cmpi slt, %jit3A, %sign3A_10 : i32
    %sign3A_12 = arith.extui %sign3A_11 : i1 to i32
    %sign3A_13 = arith.subi %sign3A_9, %sign3A_12 : i32
    %ne3A = arith.cmpi ne, %sign3A_6, %sign3A_13 : i32
    %rem3A = arith.remsi %add3A, %jit3A : i32
    %ne3A_14 = arith.constant 0 : i32
    %ne3A_15 = arith.cmpi ne, %rem3A, %ne3A_14 : i32
    %and3A = arith.andi %ne3A, %ne3A_15 : i1
    %sub3A = arith.constant 1 : i32
    %sub3A_16 = arith.subi %div3A, %sub3A : i32
    %select_n3A = arith.select %and3A, %sub3A_16, %div3A : i32
    %jit3A_17 = arith.constant 16 : i32
    %eq3A = arith.constant 0 : i32
    %eq3A_18 = arith.cmpi eq, %jit3A_17, %eq3A : i32
    %jit3A_19 = arith.constant 1 : i32
    %select_n3A_20 = arith.select %eq3A_18, %jit3A_19, %jit3A_17 : i32
    %rem3A_21 = arith.remsi %add3A, %select_n3A_20 : i32
    %ne3A_22 = arith.constant 0 : i32
    %ne3A_23 = arith.cmpi ne, %rem3A_21, %ne3A_22 : i32
    %lt3A = arith.constant 0 : i32
    %lt3A_24 = arith.cmpi slt, %rem3A_21, %lt3A : i32
    %lt3A_25 = arith.constant 0 : i32
    %lt3A_26 = arith.cmpi slt, %select_n3A_20, %lt3A_25 : i32
    %ne3A_27 = arith.xori %lt3A_24, %lt3A_26 : i1
    %and3A_28 = arith.andi %ne3A_27, %ne3A_23 : i1
    %add3A_29 = arith.addi %rem3A_21, %select_n3A_20 : i32
    %select_n3A_30 = arith.select %and3A_28, %add3A_29, %rem3A_21 : i32
    %mul3A_31 = arith.constant 1 : i32
    %mul3A_32 = arith.muli %select_n3A_30, %mul3A_31 : i32
    %mul3A_33 = arith.constant 320000 : i32
    %mul3A_34 = arith.muli %select_n3A, %mul3A_33 : i32
    %add3A_35 = arith.constant 0 : i32
    %add3A_36 = arith.addi %mul3A_32, %add3A_35 : i32
    %mul3A_37 = arith.constant 10000 : i32
    %mul3A_38 = arith.muli %add3A_36, %mul3A_37 : i32
    "tpu.region"() ({
      %run_scoped3A = tpu.sem_alloc : memref<!tpu.dma_semaphore, #tpu.memory_space<semaphore_mem>>
      %dma_start3A = arith.constant 0 : i32
      %dma_start3A_58 = tpu.memref_slice %arg6[%dma_start3A] : memref<10000xf32, #tpu.memory_space<vmem>> -> memref<10000xf32, #tpu.memory_space<vmem>>
      %dma_start3A_59 = tpu.memref_slice %arg2[%mul3A_38] : memref<160000xf32, #tpu.memory_space<hbm>> -> memref<10000xf32, #tpu.memory_space<hbm>>
      %dma_start3A_60 = arith.constant 0 : i32
      %dma_start3A_61 = tpu.memref_slice %arg6[%dma_start3A_60] : memref<10000xf32, #tpu.memory_space<vmem>> -> memref<10000xf32, #tpu.memory_space<vmem>>
      %dma_start3A_62 = tpu.memref_slice %arg2[%mul3A_38] : memref<160000xf32, #tpu.memory_space<hbm>> -> memref<10000xf32, #tpu.memory_space<hbm>>
      tpu.enqueue_dma source(%dma_start3A_62 : memref<10000xf32, #tpu.memory_space<hbm>>) target(%dma_start3A_61 : memref<10000xf32, #tpu.memory_space<vmem>>) target_semaphore(%run_scoped3A : memref<!tpu.dma_semaphore, #tpu.memory_space<semaphore_mem>>)
      %dma_wait3A = arith.constant 0 : i32
      %dma_wait3A_63 = tpu.memref_slice %arg6[%dma_wait3A] : memref<10000xf32, #tpu.memory_space<vmem>> -> memref<10000xf32, #tpu.memory_space<vmem>>
      %dma_wait3A_64 = tpu.memref_slice %arg2[%mul3A_38] : memref<160000xf32, #tpu.memory_space<hbm>> -> memref<10000xf32, #tpu.memory_space<hbm>>
      %dma_wait3A_65 = arith.constant 0 : i32
      %dma_wait3A_66 = tpu.memref_slice %arg6[%dma_wait3A_65] : memref<10000xf32, #tpu.memory_space<vmem>> -> memref<10000xf32, #tpu.memory_space<vmem>>
      %dma_wait3A_67 = tpu.memref_slice %arg2[%mul3A_38] : memref<160000xf32, #tpu.memory_space<hbm>> -> memref<10000xf32, #tpu.memory_space<hbm>>
      tpu.wait_dma2 semaphore(%run_scoped3A : memref<!tpu.dma_semaphore, #tpu.memory_space<semaphore_mem>>) src(%dma_wait3A_67 : memref<10000xf32, #tpu.memory_space<hbm>>) dst(%dma_wait3A_66 : memref<10000xf32, #tpu.memory_space<vmem>>)
      tpu.yield
    }) : () -> ()
    %broadcast_in_dim3A = arith.constant 0xFF800000 : f32
    %broadcast_in_dim3A_39 = vector.broadcast %broadcast_in_dim3A : f32 to vector<16xf32>
    %scan3A = arith.constant 0 : i32
    %scan3A_40 = arith.constant 0 : i32
    %scan3A_41 = arith.constant 625 : i32
    %scan3A_42 = arith.addi %scan3A_40, %scan3A_41 : i32
    %scan3A_43 = arith.constant 1 : i32
    scf.for %scan3A_58 = %scan3A_40 to %scan3A_42 step %scan3A_43  : i32 {
      %mul3A_59 = arith.constant 16 : i32
      %mul3A_60 = arith.muli %scan3A_58, %mul3A_59 : i32
      %add3A_61 = arith.constant 0 : i32
      %add3A_62 = arith.addi %add3A_61, %mul3A_60 : i32
      %swap3A = arith.index_cast %add3A_62 : i32 to index
      %swap3A_63 = tpu.vector_load %arg7[%swap3A] {strides = array<i32>} : memref<10000xf32, #tpu.memory_space<vmem>>, vector<16xf32>,
      tpu.vector_store %arg7[%swap3A], %broadcast_in_dim3A_39 {strides = array<i32>} : memref<10000xf32, #tpu.memory_space<vmem>>, vector<16xf32>,
    }
    %scan3A_44 = arith.constant 625 : i32
    %scan3A_45 = arith.constant 0 : i32
    %scan3A_46 = arith.constant 0 : i32
    %scan3A_47 = arith.constant 160 : i32
    %scan3A_48 = arith.addi %scan3A_46, %scan3A_47 : i32
    %scan3A_49 = arith.constant 1 : i32
    scf.for %scan3A_58 = %scan3A_46 to %scan3A_48 step %scan3A_49  : i32 {
      %mul3A_59 = arith.constant 2000 : i32
      %mul3A_60 = arith.muli %scan3A_58, %mul3A_59 : i32
      %add3A_61 = arith.addi %mul3A_34, %mul3A_60 : i32
      "tpu.region"() ({
        %run_scoped3A = tpu.sem_alloc : memref<!tpu.dma_semaphore, #tpu.memory_space<semaphore_mem>>
        %dma_start3A = tpu.memref_slice %arg3[%add3A_61] : memref<640000xi32, #tpu.memory_space<hbm>> -> memref<2000xi32, #tpu.memory_space<hbm>>
        %dma_start3A_68 = tpu.memref_slice %arg3[%add3A_61] : memref<640000xi32, #tpu.memory_space<hbm>> -> memref<2000xi32, #tpu.memory_space<hbm>>
        tpu.enqueue_dma source(%dma_start3A_68 : memref<2000xi32, #tpu.memory_space<hbm>>) target(%arg8 : memref<2000xi32, #tpu.memory_space<vmem>>) target_semaphore(%run_scoped3A : memref<!tpu.dma_semaphore, #tpu.memory_space<semaphore_mem>>)
        %dma_wait3A = tpu.memref_slice %arg3[%add3A_61] : memref<640000xi32, #tpu.memory_space<hbm>> -> memref<2000xi32, #tpu.memory_space<hbm>>
        %dma_wait3A_69 = tpu.memref_slice %arg3[%add3A_61] : memref<640000xi32, #tpu.memory_space<hbm>> -> memref<2000xi32, #tpu.memory_space<hbm>>
        tpu.wait_dma2 semaphore(%run_scoped3A : memref<!tpu.dma_semaphore, #tpu.memory_space<semaphore_mem>>) src(%dma_wait3A_69 : memref<2000xi32, #tpu.memory_space<hbm>>) dst(%arg8 : memref<2000xi32, #tpu.memory_space<vmem>>)
        tpu.yield
      }) : () -> ()
      "tpu.region"() ({
        %run_scoped3A = tpu.sem_alloc : memref<!tpu.dma_semaphore, #tpu.memory_space<semaphore_mem>>
        %dma_start3A = tpu.memref_slice %arg4[%add3A_61] : memref<640000xi32, #tpu.memory_space<hbm>> -> memref<2000xi32, #tpu.memory_space<hbm>>
        %dma_start3A_68 = tpu.memref_slice %arg4[%add3A_61] : memref<640000xi32, #tpu.memory_space<hbm>> -> memref<2000xi32, #tpu.memory_space<hbm>>
        tpu.enqueue_dma source(%dma_start3A_68 : memref<2000xi32, #tpu.memory_space<hbm>>) target(%arg9 : memref<2000xi32, #tpu.memory_space<vmem>>) target_semaphore(%run_scoped3A : memref<!tpu.dma_semaphore, #tpu.memory_space<semaphore_mem>>)
        %dma_wait3A = tpu.memref_slice %arg4[%add3A_61] : memref<640000xi32, #tpu.memory_space<hbm>> -> memref<2000xi32, #tpu.memory_space<hbm>>
        %dma_wait3A_69 = tpu.memref_slice %arg4[%add3A_61] : memref<640000xi32, #tpu.memory_space<hbm>> -> memref<2000xi32, #tpu.memory_space<hbm>>
        tpu.wait_dma2 semaphore(%run_scoped3A : memref<!tpu.dma_semaphore, #tpu.memory_space<semaphore_mem>>) src(%dma_wait3A_69 : memref<2000xi32, #tpu.memory_space<hbm>>) dst(%arg9 : memref<2000xi32, #tpu.memory_space<vmem>>)
        tpu.yield
      }) : () -> ()
      %scan3A_62 = arith.constant 0 : i32
      %scan3A_63 = arith.constant 0 : i32
      %scan3A_64 = arith.constant 125 : i32
      %scan3A_65 = arith.addi %scan3A_63, %scan3A_64 : i32
      %scan3A_66 = arith.constant 1 : i32
      scf.for %scan3A_68 = %scan3A_63 to %scan3A_65 step %scan3A_66  : i32 {
        %mul3A_69 = arith.constant 16 : i32
        %mul3A_70 = arith.muli %scan3A_68, %mul3A_69 : i32
        %get3A = arith.index_cast %mul3A_70 : i32 to index
        %get3A_71 = tpu.vector_load %arg8[%get3A] {strides = array<i32>} : memref<2000xi32, #tpu.memory_space<vmem>>, vector<16xi32>,
        %mul3A_72 = arith.constant 16 : i32
        %mul3A_73 = arith.muli %scan3A_68, %mul3A_72 : i32
        %get3A_74 = arith.index_cast %mul3A_73 : i32 to index
        %get3A_75 = tpu.vector_load %arg9[%get3A_74] {strides = array<i32>} : memref<2000xi32, #tpu.memory_space<vmem>>, vector<16xi32>,
        %gather3A = tpu.vector_load_idx %arg6[%get3A_71] : memref<10000xf32, #tpu.memory_space<vmem>>[vector<16xi32>], vector<16xf32>,
        %broadcast_in_dim3A_76 = arith.constant true
        %broadcast_in_dim3A_77 = vector.broadcast %broadcast_in_dim3A_76 : i1 to vector<16xi1>
        %while3A = scf.while (%while3A_78 = %broadcast_in_dim3A_77) : (vector<16xi1>) -> vector<16xi1> {
          %reduce_or3A = arith.constant 1.000000e+00 : f32
          %reduce_or3A_79 = arith.constant 0.000000e+00 : f32
          %reduce_or3A_80 = vector.broadcast %reduce_or3A : f32 to vector<16xf32>
          %reduce_or3A_81 = vector.broadcast %reduce_or3A_79 : f32 to vector<16xf32>
          %reduce_or3A_82 = arith.select %while3A_78, %reduce_or3A_80, %reduce_or3A_81 : vector<16xi1>, vector<16xf32>
          %reduce_or3A_83 = arith.constant true
          %reduce_or3A_84 = vector.broadcast %reduce_or3A_83 : i1 to vector<16xi1>
          %reduce_or3A_85 = tpu.scan <max>, %reduce_or3A_82 masked %reduce_or3A_84 : vector<16xf32>, vector<16xi1> -> vector<16xf32>
          %reduce_or3A_86 = vector.extract %reduce_or3A_85[15] : f32 from vector<16xf32>
          %reduce_or3A_87 = arith.constant 0.000000e+00 : f32
          %reduce_or3A_88 = arith.cmpf ogt, %reduce_or3A_86, %reduce_or3A_87 : f32
          scf.condition(%reduce_or3A_88) %while3A_78 : vector<16xi1>
        } do {
        ^bb0(%while3A_78: vector<16xi1>):
          %gather3A_79 = tpu.vector_load_idx %arg7[%get3A_75] : memref<10000xf32, #tpu.memory_space<vmem>>[vector<16xi32>], vector<16xf32>,
          %max3A = arith.maximumf %gather3A_79, %gather3A : vector<16xf32>
          tpu.vector_store_idx %arg7[%get3A_75], %max3A masked %while3A_78 : memref<10000xf32, #tpu.memory_space<vmem>>[vector<16xi32>], vector<16xf32>, vector<16xi1>
          %gather3A_80 = tpu.vector_load_idx %arg7[%get3A_75] : memref<10000xf32, #tpu.memory_space<vmem>>[vector<16xi32>], vector<16xf32>,
          %lt3A_81 = arith.cmpf olt, %gather3A_80, %gather3A : vector<16xf32>
          %and3A_82 = arith.andi %while3A_78, %lt3A_81 : vector<16xi1>
          scf.yield %and3A_82 : vector<16xi1>
        }
      }
      %scan3A_67 = arith.constant 125 : i32
    }
    %scan3A_50 = arith.constant 160 : i32
    %mul3A_51 = arith.constant 16 : i32
    %mul3A_52 = arith.muli %select_n3A, %mul3A_51 : i32
    %add3A_53 = arith.addi %mul3A_52, %mul3A_32 : i32
    %add3A_54 = arith.constant 0 : i32
    %add3A_55 = arith.addi %add3A_53, %add3A_54 : i32
    %mul3A_56 = arith.constant 10000 : i32
    %mul3A_57 = arith.muli %add3A_55, %mul3A_56 : i32
    "tpu.region"() ({
      %run_scoped3A = tpu.sem_alloc : memref<!tpu.dma_semaphore, #tpu.memory_space<semaphore_mem>>
      %dma_start3A = arith.constant 0 : i32
      %dma_start3A_58 = tpu.memref_slice %arg7[%dma_start3A] : memref<10000xf32, #tpu.memory_space<vmem>> -> memref<10000xf32, #tpu.memory_space<vmem>>
      %dma_start3A_59 = tpu.memref_slice %arg5[%mul3A_57] : memref<320000xf32, #tpu.memory_space<hbm>> -> memref<10000xf32, #tpu.memory_space<hbm>>
      %dma_start3A_60 = tpu.memref_slice %arg5[%mul3A_57] : memref<320000xf32, #tpu.memory_space<hbm>> -> memref<10000xf32, #tpu.memory_space<hbm>>
      %dma_start3A_61 = arith.constant 0 : i32
      %dma_start3A_62 = tpu.memref_slice %arg7[%dma_start3A_61] : memref<10000xf32, #tpu.memory_space<vmem>> -> memref<10000xf32, #tpu.memory_space<vmem>>
      tpu.enqueue_dma source(%dma_start3A_62 : memref<10000xf32, #tpu.memory_space<vmem>>) target(%dma_start3A_60 : memref<10000xf32, #tpu.memory_space<hbm>>) target_semaphore(%run_scoped3A : memref<!tpu.dma_semaphore, #tpu.memory_space<semaphore_mem>>)
      %dma_wait3A = arith.constant 0 : i32
      %dma_wait3A_63 = tpu.memref_slice %arg7[%dma_wait3A] : memref<10000xf32, #tpu.memory_space<vmem>> -> memref<10000xf32, #tpu.memory_space<vmem>>
      %dma_wait3A_64 = tpu.memref_slice %arg5[%mul3A_57] : memref<320000xf32, #tpu.memory_space<hbm>> -> memref<10000xf32, #tpu.memory_space<hbm>>
      %dma_wait3A_65 = tpu.memref_slice %arg5[%mul3A_57] : memref<320000xf32, #tpu.memory_space<hbm>> -> memref<10000xf32, #tpu.memory_space<hbm>>
      %dma_wait3A_66 = arith.constant 0 : i32
      %dma_wait3A_67 = tpu.memref_slice %arg7[%dma_wait3A_66] : memref<10000xf32, #tpu.memory_space<vmem>> -> memref<10000xf32, #tpu.memory_space<vmem>>
      tpu.wait_dma2 semaphore(%run_scoped3A : memref<!tpu.dma_semaphore, #tpu.memory_space<semaphore_mem>>) src(%dma_wait3A_67 : memref<10000xf32, #tpu.memory_space<vmem>>) dst(%dma_wait3A_65 : memref<10000xf32, #tpu.memory_space<hbm>>)
      tpu.yield
    }) : () -> ()
    return
  }
}

#map = affine_map<(d0, d1) -> (0)>
module attributes {stable_mosaic.version = 14 : i64} {
  func.func @segmax(%arg0: i32, %arg1: i32, %arg2: memref<640000xf32, #tpu.memory_space<hbm>>, %arg3: memref<640000xi32, #tpu.memory_space<hbm>>, %arg4: memref<640000xi32, #tpu.memory_space<hbm>>, %arg5: memref<640000xf32, #tpu.memory_space<hbm>>, %arg6: memref<20000xf32, #tpu.memory_space<vmem>>, %arg7: memref<20000xf32, #tpu.memory_space<vmem>>, %arg8: memref<2000xi32, #tpu.memory_space<vmem>>, %arg9: memref<2000xi32, #tpu.memory_space<vmem>>) attributes {dimension_semantics = [#tpu.dimension_semantics<core_parallel>, #tpu.dimension_semantics<subcore_parallel>], iteration_bounds = array<i64: 2, 16>, scalar_prefetch = 0 : i64, scratch_operands = 4 : i64, tpu.core_type = #tpu.core_type<sc_vector_subcore>, window_params = [{transform_indices = #map}, {transform_indices = #map}, {transform_indices = #map}, {transform_indices = #map}]} {
    %mul3A = arith.constant 2 : i32
    %mul3A_0 = arith.muli %arg1, %mul3A : i32
    %add3A = arith.addi %mul3A_0, %arg0 : i32
    %jit3A = arith.constant 32 : i32
    %div3A = arith.divsi %add3A, %jit3A : i32
    %sign3A = arith.constant 0 : i32
    %sign3A_1 = arith.cmpi sgt, %add3A, %sign3A : i32
    %sign3A_2 = arith.extui %sign3A_1 : i1 to i32
    %sign3A_3 = arith.constant 0 : i32
    %sign3A_4 = arith.cmpi slt, %add3A, %sign3A_3 : i32
    %sign3A_5 = arith.extui %sign3A_4 : i1 to i32
    %sign3A_6 = arith.subi %sign3A_2, %sign3A_5 : i32
    %sign3A_7 = arith.constant 0 : i32
    %sign3A_8 = arith.cmpi sgt, %jit3A, %sign3A_7 : i32
    %sign3A_9 = arith.extui %sign3A_8 : i1 to i32
    %sign3A_10 = arith.constant 0 : i32
    %sign3A_11 = arith.cmpi slt, %jit3A, %sign3A_10 : i32
    %sign3A_12 = arith.extui %sign3A_11 : i1 to i32
    %sign3A_13 = arith.subi %sign3A_9, %sign3A_12 : i32
    %ne3A = arith.cmpi ne, %sign3A_6, %sign3A_13 : i32
    %rem3A = arith.remsi %add3A, %jit3A : i32
    %ne3A_14 = arith.constant 0 : i32
    %ne3A_15 = arith.cmpi ne, %rem3A, %ne3A_14 : i32
    %and3A = arith.andi %ne3A, %ne3A_15 : i1
    %sub3A = arith.constant 1 : i32
    %sub3A_16 = arith.subi %div3A, %sub3A : i32
    %select_n3A = arith.select %and3A, %sub3A_16, %div3A : i32
    %jit3A_17 = arith.constant 32 : i32
    %eq3A = arith.constant 0 : i32
    %eq3A_18 = arith.cmpi eq, %jit3A_17, %eq3A : i32
    %jit3A_19 = arith.constant 1 : i32
    %select_n3A_20 = arith.select %eq3A_18, %jit3A_19, %jit3A_17 : i32
    %rem3A_21 = arith.remsi %add3A, %select_n3A_20 : i32
    %ne3A_22 = arith.constant 0 : i32
    %ne3A_23 = arith.cmpi ne, %rem3A_21, %ne3A_22 : i32
    %lt3A = arith.constant 0 : i32
    %lt3A_24 = arith.cmpi slt, %rem3A_21, %lt3A : i32
    %lt3A_25 = arith.constant 0 : i32
    %lt3A_26 = arith.cmpi slt, %select_n3A_20, %lt3A_25 : i32
    %ne3A_27 = arith.xori %lt3A_24, %lt3A_26 : i1
    %and3A_28 = arith.andi %ne3A_27, %ne3A_23 : i1
    %add3A_29 = arith.addi %rem3A_21, %select_n3A_20 : i32
    %select_n3A_30 = arith.select %and3A_28, %add3A_29, %rem3A_21 : i32
    %mul3A_31 = arith.constant 2 : i32
    %mul3A_32 = arith.muli %select_n3A_30, %mul3A_31 : i32
    %mul3A_33 = arith.constant 640000 : i32
    %mul3A_34 = arith.muli %select_n3A, %mul3A_33 : i32
    %add3A_35 = arith.constant 0 : i32
    %add3A_36 = arith.addi %mul3A_32, %add3A_35 : i32
    %mul3A_37 = arith.constant 10000 : i32
    %mul3A_38 = arith.muli %add3A_36, %mul3A_37 : i32
    "tpu.region"() ({
      %run_scoped3A = tpu.sem_alloc : memref<!tpu.dma_semaphore, #tpu.memory_space<semaphore_mem>>
      %dma_start3A = arith.constant 0 : i32
      %dma_start3A_69 = tpu.memref_slice %arg6[%dma_start3A] : memref<20000xf32, #tpu.memory_space<vmem>> -> memref<10000xf32, #tpu.memory_space<vmem>>
      %dma_start3A_70 = tpu.memref_slice %arg2[%mul3A_38] : memref<640000xf32, #tpu.memory_space<hbm>> -> memref<10000xf32, #tpu.memory_space<hbm>>
      %dma_start3A_71 = arith.constant 0 : i32
      %dma_start3A_72 = tpu.memref_slice %arg6[%dma_start3A_71] : memref<20000xf32, #tpu.memory_space<vmem>> -> memref<10000xf32, #tpu.memory_space<vmem>>
      %dma_start3A_73 = tpu.memref_slice %arg2[%mul3A_38] : memref<640000xf32, #tpu.memory_space<hbm>> -> memref<10000xf32, #tpu.memory_space<hbm>>
      tpu.enqueue_dma source(%dma_start3A_73 : memref<10000xf32, #tpu.memory_space<hbm>>) target(%dma_start3A_72 : memref<10000xf32, #tpu.memory_space<vmem>>) target_semaphore(%run_scoped3A : memref<!tpu.dma_semaphore, #tpu.memory_space<semaphore_mem>>)
      %dma_wait3A = arith.constant 0 : i32
      %dma_wait3A_74 = tpu.memref_slice %arg6[%dma_wait3A] : memref<20000xf32, #tpu.memory_space<vmem>> -> memref<10000xf32, #tpu.memory_space<vmem>>
      %dma_wait3A_75 = tpu.memref_slice %arg2[%mul3A_38] : memref<640000xf32, #tpu.memory_space<hbm>> -> memref<10000xf32, #tpu.memory_space<hbm>>
      %dma_wait3A_76 = arith.constant 0 : i32
      %dma_wait3A_77 = tpu.memref_slice %arg6[%dma_wait3A_76] : memref<20000xf32, #tpu.memory_space<vmem>> -> memref<10000xf32, #tpu.memory_space<vmem>>
      %dma_wait3A_78 = tpu.memref_slice %arg2[%mul3A_38] : memref<640000xf32, #tpu.memory_space<hbm>> -> memref<10000xf32, #tpu.memory_space<hbm>>
      tpu.wait_dma2 semaphore(%run_scoped3A : memref<!tpu.dma_semaphore, #tpu.memory_space<semaphore_mem>>) src(%dma_wait3A_78 : memref<10000xf32, #tpu.memory_space<hbm>>) dst(%dma_wait3A_77 : memref<10000xf32, #tpu.memory_space<vmem>>)
      tpu.yield
    }) : () -> ()
    %add3A_39 = arith.constant 1 : i32
    %add3A_40 = arith.addi %mul3A_32, %add3A_39 : i32
    %mul3A_41 = arith.constant 10000 : i32
    %mul3A_42 = arith.muli %add3A_40, %mul3A_41 : i32
    "tpu.region"() ({
      %run_scoped3A = tpu.sem_alloc : memref<!tpu.dma_semaphore, #tpu.memory_space<semaphore_mem>>
      %dma_start3A = arith.constant 10000 : i32
      %dma_start3A_69 = tpu.memref_slice %arg6[%dma_start3A] : memref<20000xf32, #tpu.memory_space<vmem>> -> memref<10000xf32, #tpu.memory_space<vmem>>
      %dma_start3A_70 = tpu.memref_slice %arg2[%mul3A_42] : memref<640000xf32, #tpu.memory_space<hbm>> -> memref<10000xf32, #tpu.memory_space<hbm>>
      %dma_start3A_71 = arith.constant 10000 : i32
      %dma_start3A_72 = tpu.memref_slice %arg6[%dma_start3A_71] : memref<20000xf32, #tpu.memory_space<vmem>> -> memref<10000xf32, #tpu.memory_space<vmem>>
      %dma_start3A_73 = tpu.memref_slice %arg2[%mul3A_42] : memref<640000xf32, #tpu.memory_space<hbm>> -> memref<10000xf32, #tpu.memory_space<hbm>>
      tpu.enqueue_dma source(%dma_start3A_73 : memref<10000xf32, #tpu.memory_space<hbm>>) target(%dma_start3A_72 : memref<10000xf32, #tpu.memory_space<vmem>>) target_semaphore(%run_scoped3A : memref<!tpu.dma_semaphore, #tpu.memory_space<semaphore_mem>>)
      %dma_wait3A = arith.constant 10000 : i32
      %dma_wait3A_74 = tpu.memref_slice %arg6[%dma_wait3A] : memref<20000xf32, #tpu.memory_space<vmem>> -> memref<10000xf32, #tpu.memory_space<vmem>>
      %dma_wait3A_75 = tpu.memref_slice %arg2[%mul3A_42] : memref<640000xf32, #tpu.memory_space<hbm>> -> memref<10000xf32, #tpu.memory_space<hbm>>
      %dma_wait3A_76 = arith.constant 10000 : i32
      %dma_wait3A_77 = tpu.memref_slice %arg6[%dma_wait3A_76] : memref<20000xf32, #tpu.memory_space<vmem>> -> memref<10000xf32, #tpu.memory_space<vmem>>
      %dma_wait3A_78 = tpu.memref_slice %arg2[%mul3A_42] : memref<640000xf32, #tpu.memory_space<hbm>> -> memref<10000xf32, #tpu.memory_space<hbm>>
      tpu.wait_dma2 semaphore(%run_scoped3A : memref<!tpu.dma_semaphore, #tpu.memory_space<semaphore_mem>>) src(%dma_wait3A_78 : memref<10000xf32, #tpu.memory_space<hbm>>) dst(%dma_wait3A_77 : memref<10000xf32, #tpu.memory_space<vmem>>)
      tpu.yield
    }) : () -> ()
    %broadcast_in_dim3A = arith.constant 0xFF800000 : f32
    %broadcast_in_dim3A_43 = vector.broadcast %broadcast_in_dim3A : f32 to vector<16xf32>
    %scan3A = arith.constant 0 : i32
    %scan3A_44 = arith.constant 0 : i32
    %scan3A_45 = arith.constant 625 : i32
    %scan3A_46 = arith.addi %scan3A_44, %scan3A_45 : i32
    %scan3A_47 = arith.constant 1 : i32
    scf.for %scan3A_69 = %scan3A_44 to %scan3A_46 step %scan3A_47  : i32 {
      %mul3A_70 = arith.constant 16 : i32
      %mul3A_71 = arith.muli %scan3A_69, %mul3A_70 : i32
      %add3A_72 = arith.constant 0 : i32
      %add3A_73 = arith.addi %add3A_72, %mul3A_71 : i32
      %swap3A = arith.index_cast %add3A_73 : i32 to index
      %swap3A_74 = tpu.vector_load %arg7[%swap3A] {strides = array<i32>} : memref<20000xf32, #tpu.memory_space<vmem>>, vector<16xf32>,
      tpu.vector_store %arg7[%swap3A], %broadcast_in_dim3A_43 {strides = array<i32>} : memref<20000xf32, #tpu.memory_space<vmem>>, vector<16xf32>,
      %mul3A_75 = arith.constant 16 : i32
      %mul3A_76 = arith.muli %scan3A_69, %mul3A_75 : i32
      %add3A_77 = arith.constant 10000 : i32
      %add3A_78 = arith.addi %add3A_77, %mul3A_76 : i32
      %swap3A_79 = arith.index_cast %add3A_78 : i32 to index
      %swap3A_80 = tpu.vector_load %arg7[%swap3A_79] {strides = array<i32>} : memref<20000xf32, #tpu.memory_space<vmem>>, vector<16xf32>,
      tpu.vector_store %arg7[%swap3A_79], %broadcast_in_dim3A_43 {strides = array<i32>} : memref<20000xf32, #tpu.memory_space<vmem>>, vector<16xf32>,
    }
    %scan3A_48 = arith.constant 625 : i32
    %scan3A_49 = arith.constant 0 : i32
    %scan3A_50 = arith.constant 0 : i32
    %scan3A_51 = arith.constant 320 : i32
    %scan3A_52 = arith.addi %scan3A_50, %scan3A_51 : i32
    %scan3A_53 = arith.constant 1 : i32
    scf.for %scan3A_69 = %scan3A_50 to %scan3A_52 step %scan3A_53  : i32 {
      %mul3A_70 = arith.constant 2000 : i32
      %mul3A_71 = arith.muli %scan3A_69, %mul3A_70 : i32
      %add3A_72 = arith.addi %mul3A_34, %mul3A_71 : i32
      "tpu.region"() ({
        %run_scoped3A = tpu.sem_alloc : memref<!tpu.dma_semaphore, #tpu.memory_space<semaphore_mem>>
        %dma_start3A = tpu.memref_slice %arg3[%add3A_72] : memref<640000xi32, #tpu.memory_space<hbm>> -> memref<2000xi32, #tpu.memory_space<hbm>>
        %dma_start3A_79 = tpu.memref_slice %arg3[%add3A_72] : memref<640000xi32, #tpu.memory_space<hbm>> -> memref<2000xi32, #tpu.memory_space<hbm>>
        tpu.enqueue_dma source(%dma_start3A_79 : memref<2000xi32, #tpu.memory_space<hbm>>) target(%arg8 : memref<2000xi32, #tpu.memory_space<vmem>>) target_semaphore(%run_scoped3A : memref<!tpu.dma_semaphore, #tpu.memory_space<semaphore_mem>>)
        %dma_wait3A = tpu.memref_slice %arg3[%add3A_72] : memref<640000xi32, #tpu.memory_space<hbm>> -> memref<2000xi32, #tpu.memory_space<hbm>>
        %dma_wait3A_80 = tpu.memref_slice %arg3[%add3A_72] : memref<640000xi32, #tpu.memory_space<hbm>> -> memref<2000xi32, #tpu.memory_space<hbm>>
        tpu.wait_dma2 semaphore(%run_scoped3A : memref<!tpu.dma_semaphore, #tpu.memory_space<semaphore_mem>>) src(%dma_wait3A_80 : memref<2000xi32, #tpu.memory_space<hbm>>) dst(%arg8 : memref<2000xi32, #tpu.memory_space<vmem>>)
        tpu.yield
      }) : () -> ()
      "tpu.region"() ({
        %run_scoped3A = tpu.sem_alloc : memref<!tpu.dma_semaphore, #tpu.memory_space<semaphore_mem>>
        %dma_start3A = tpu.memref_slice %arg4[%add3A_72] : memref<640000xi32, #tpu.memory_space<hbm>> -> memref<2000xi32, #tpu.memory_space<hbm>>
        %dma_start3A_79 = tpu.memref_slice %arg4[%add3A_72] : memref<640000xi32, #tpu.memory_space<hbm>> -> memref<2000xi32, #tpu.memory_space<hbm>>
        tpu.enqueue_dma source(%dma_start3A_79 : memref<2000xi32, #tpu.memory_space<hbm>>) target(%arg9 : memref<2000xi32, #tpu.memory_space<vmem>>) target_semaphore(%run_scoped3A : memref<!tpu.dma_semaphore, #tpu.memory_space<semaphore_mem>>)
        %dma_wait3A = tpu.memref_slice %arg4[%add3A_72] : memref<640000xi32, #tpu.memory_space<hbm>> -> memref<2000xi32, #tpu.memory_space<hbm>>
        %dma_wait3A_80 = tpu.memref_slice %arg4[%add3A_72] : memref<640000xi32, #tpu.memory_space<hbm>> -> memref<2000xi32, #tpu.memory_space<hbm>>
        tpu.wait_dma2 semaphore(%run_scoped3A : memref<!tpu.dma_semaphore, #tpu.memory_space<semaphore_mem>>) src(%dma_wait3A_80 : memref<2000xi32, #tpu.memory_space<hbm>>) dst(%arg9 : memref<2000xi32, #tpu.memory_space<vmem>>)
        tpu.yield
      }) : () -> ()
      %scan3A_73 = arith.constant 0 : i32
      %scan3A_74 = arith.constant 0 : i32
      %scan3A_75 = arith.constant 125 : i32
      %scan3A_76 = arith.addi %scan3A_74, %scan3A_75 : i32
      %scan3A_77 = arith.constant 1 : i32
      scf.for %scan3A_79 = %scan3A_74 to %scan3A_76 step %scan3A_77  : i32 {
        %mul3A_80 = arith.constant 16 : i32
        %mul3A_81 = arith.muli %scan3A_79, %mul3A_80 : i32
        %get3A = arith.index_cast %mul3A_81 : i32 to index
        %get3A_82 = tpu.vector_load %arg8[%get3A] {strides = array<i32>} : memref<2000xi32, #tpu.memory_space<vmem>>, vector<16xi32>,
        %mul3A_83 = arith.constant 16 : i32
        %mul3A_84 = arith.muli %scan3A_79, %mul3A_83 : i32
        %get3A_85 = arith.index_cast %mul3A_84 : i32 to index
        %get3A_86 = tpu.vector_load %arg9[%get3A_85] {strides = array<i32>} : memref<2000xi32, #tpu.memory_space<vmem>>, vector<16xi32>,
        %gather3A = tpu.vector_load_idx %arg6[%get3A_82] : memref<20000xf32, #tpu.memory_space<vmem>>[vector<16xi32>], vector<16xf32>,
        %broadcast_in_dim3A_87 = arith.constant true
        %broadcast_in_dim3A_88 = vector.broadcast %broadcast_in_dim3A_87 : i1 to vector<16xi1>
        %while3A = scf.while (%while3A_99 = %broadcast_in_dim3A_88) : (vector<16xi1>) -> vector<16xi1> {
          %reduce_or3A = arith.constant 1.000000e+00 : f32
          %reduce_or3A_100 = arith.constant 0.000000e+00 : f32
          %reduce_or3A_101 = vector.broadcast %reduce_or3A : f32 to vector<16xf32>
          %reduce_or3A_102 = vector.broadcast %reduce_or3A_100 : f32 to vector<16xf32>
          %reduce_or3A_103 = arith.select %while3A_99, %reduce_or3A_101, %reduce_or3A_102 : vector<16xi1>, vector<16xf32>
          %reduce_or3A_104 = arith.constant true
          %reduce_or3A_105 = vector.broadcast %reduce_or3A_104 : i1 to vector<16xi1>
          %reduce_or3A_106 = tpu.scan <max>, %reduce_or3A_103 masked %reduce_or3A_105 : vector<16xf32>, vector<16xi1> -> vector<16xf32>
          %reduce_or3A_107 = vector.extract %reduce_or3A_106[15] : f32 from vector<16xf32>
          %reduce_or3A_108 = arith.constant 0.000000e+00 : f32
          %reduce_or3A_109 = arith.cmpf ogt, %reduce_or3A_107, %reduce_or3A_108 : f32
          scf.condition(%reduce_or3A_109) %while3A_99 : vector<16xi1>
        } do {
        ^bb0(%while3A_99: vector<16xi1>):
          %gather3A_100 = tpu.vector_load_idx %arg7[%get3A_86] : memref<20000xf32, #tpu.memory_space<vmem>>[vector<16xi32>], vector<16xf32>,
          %max3A = arith.maximumf %gather3A_100, %gather3A : vector<16xf32>
          tpu.vector_store_idx %arg7[%get3A_86], %max3A masked %while3A_99 : memref<20000xf32, #tpu.memory_space<vmem>>[vector<16xi32>], vector<16xf32>, vector<16xi1>
          %gather3A_101 = tpu.vector_load_idx %arg7[%get3A_86] : memref<20000xf32, #tpu.memory_space<vmem>>[vector<16xi32>], vector<16xf32>,
          %lt3A_102 = arith.cmpf olt, %gather3A_101, %gather3A : vector<16xf32>
          %and3A_103 = arith.andi %while3A_99, %lt3A_102 : vector<16xi1>
          scf.yield %and3A_103 : vector<16xi1>
        }
        %add3A_89 = arith.constant 10000 : i32
        %add3A_90 = vector.broadcast %add3A_89 : i32 to vector<16xi32>
        %add3A_91 = arith.addi %get3A_82, %add3A_90 : vector<16xi32>
        %add3A_92 = arith.constant 10000 : i32
        %add3A_93 = vector.broadcast %add3A_92 : i32 to vector<16xi32>
        %add3A_94 = arith.addi %get3A_86, %add3A_93 : vector<16xi32>
        %gather3A_95 = tpu.vector_load_idx %arg6[%add3A_91] : memref<20000xf32, #tpu.memory_space<vmem>>[vector<16xi32>], vector<16xf32>,
        %broadcast_in_dim3A_96 = arith.constant true
        %broadcast_in_dim3A_97 = vector.broadcast %broadcast_in_dim3A_96 : i1 to vector<16xi1>
        %while3A_98 = scf.while (%while3A_99 = %broadcast_in_dim3A_97) : (vector<16xi1>) -> vector<16xi1> {
          %reduce_or3A = arith.constant 1.000000e+00 : f32
          %reduce_or3A_100 = arith.constant 0.000000e+00 : f32
          %reduce_or3A_101 = vector.broadcast %reduce_or3A : f32 to vector<16xf32>
          %reduce_or3A_102 = vector.broadcast %reduce_or3A_100 : f32 to vector<16xf32>
          %reduce_or3A_103 = arith.select %while3A_99, %reduce_or3A_101, %reduce_or3A_102 : vector<16xi1>, vector<16xf32>
          %reduce_or3A_104 = arith.constant true
          %reduce_or3A_105 = vector.broadcast %reduce_or3A_104 : i1 to vector<16xi1>
          %reduce_or3A_106 = tpu.scan <max>, %reduce_or3A_103 masked %reduce_or3A_105 : vector<16xf32>, vector<16xi1> -> vector<16xf32>
          %reduce_or3A_107 = vector.extract %reduce_or3A_106[15] : f32 from vector<16xf32>
          %reduce_or3A_108 = arith.constant 0.000000e+00 : f32
          %reduce_or3A_109 = arith.cmpf ogt, %reduce_or3A_107, %reduce_or3A_108 : f32
          scf.condition(%reduce_or3A_109) %while3A_99 : vector<16xi1>
        } do {
        ^bb0(%while3A_99: vector<16xi1>):
          %gather3A_100 = tpu.vector_load_idx %arg7[%add3A_94] : memref<20000xf32, #tpu.memory_space<vmem>>[vector<16xi32>], vector<16xf32>,
          %max3A = arith.maximumf %gather3A_100, %gather3A_95 : vector<16xf32>
          tpu.vector_store_idx %arg7[%add3A_94], %max3A masked %while3A_99 : memref<20000xf32, #tpu.memory_space<vmem>>[vector<16xi32>], vector<16xf32>, vector<16xi1>
          %gather3A_101 = tpu.vector_load_idx %arg7[%add3A_94] : memref<20000xf32, #tpu.memory_space<vmem>>[vector<16xi32>], vector<16xf32>,
          %lt3A_102 = arith.cmpf olt, %gather3A_101, %gather3A_95 : vector<16xf32>
          %and3A_103 = arith.andi %while3A_99, %lt3A_102 : vector<16xi1>
          scf.yield %and3A_103 : vector<16xi1>
        }
      }
      %scan3A_78 = arith.constant 125 : i32
    }
    %scan3A_54 = arith.constant 320 : i32
    %mul3A_55 = arith.constant 64 : i32
    %mul3A_56 = arith.muli %select_n3A, %mul3A_55 : i32
    %add3A_57 = arith.addi %mul3A_56, %mul3A_32 : i32
    %add3A_58 = arith.constant 0 : i32
    %add3A_59 = arith.addi %add3A_57, %add3A_58 : i32
    %mul3A_60 = arith.constant 10000 : i32
    %mul3A_61 = arith.muli %add3A_59, %mul3A_60 : i32
    "tpu.region"() ({
      %run_scoped3A = tpu.sem_alloc : memref<!tpu.dma_semaphore, #tpu.memory_space<semaphore_mem>>
      %dma_start3A = arith.constant 0 : i32
      %dma_start3A_69 = tpu.memref_slice %arg7[%dma_start3A] : memref<20000xf32, #tpu.memory_space<vmem>> -> memref<10000xf32, #tpu.memory_space<vmem>>
      %dma_start3A_70 = tpu.memref_slice %arg5[%mul3A_61] : memref<640000xf32, #tpu.memory_space<hbm>> -> memref<10000xf32, #tpu.memory_space<hbm>>
      %dma_start3A_71 = tpu.memref_slice %arg5[%mul3A_61] : memref<640000xf32, #tpu.memory_space<hbm>> -> memref<10000xf32, #tpu.memory_space<hbm>>
      %dma_start3A_72 = arith.constant 0 : i32
      %dma_start3A_73 = tpu.memref_slice %arg7[%dma_start3A_72] : memref<20000xf32, #tpu.memory_space<vmem>> -> memref<10000xf32, #tpu.memory_space<vmem>>
      tpu.enqueue_dma source(%dma_start3A_73 : memref<10000xf32, #tpu.memory_space<vmem>>) target(%dma_start3A_71 : memref<10000xf32, #tpu.memory_space<hbm>>) target_semaphore(%run_scoped3A : memref<!tpu.dma_semaphore, #tpu.memory_space<semaphore_mem>>)
      %dma_wait3A = arith.constant 0 : i32
      %dma_wait3A_74 = tpu.memref_slice %arg7[%dma_wait3A] : memref<20000xf32, #tpu.memory_space<vmem>> -> memref<10000xf32, #tpu.memory_space<vmem>>
      %dma_wait3A_75 = tpu.memref_slice %arg5[%mul3A_61] : memref<640000xf32, #tpu.memory_space<hbm>> -> memref<10000xf32, #tpu.memory_space<hbm>>
      %dma_wait3A_76 = tpu.memref_slice %arg5[%mul3A_61] : memref<640000xf32, #tpu.memory_space<hbm>> -> memref<10000xf32, #tpu.memory_space<hbm>>
      %dma_wait3A_77 = arith.constant 0 : i32
      %dma_wait3A_78 = tpu.memref_slice %arg7[%dma_wait3A_77] : memref<20000xf32, #tpu.memory_space<vmem>> -> memref<10000xf32, #tpu.memory_space<vmem>>
      tpu.wait_dma2 semaphore(%run_scoped3A : memref<!tpu.dma_semaphore, #tpu.memory_space<semaphore_mem>>) src(%dma_wait3A_78 : memref<10000xf32, #tpu.memory_space<vmem>>) dst(%dma_wait3A_76 : memref<10000xf32, #tpu.memory_space<hbm>>)
      tpu.yield
    }) : () -> ()
    %mul3A_62 = arith.constant 64 : i32
    %mul3A_63 = arith.muli %select_n3A, %mul3A_62 : i32
    %add3A_64 = arith.addi %mul3A_63, %mul3A_32 : i32
    %add3A_65 = arith.constant 1 : i32
    %add3A_66 = arith.addi %add3A_64, %add3A_65 : i32
    %mul3A_67 = arith.constant 10000 : i32
    %mul3A_68 = arith.muli %add3A_66, %mul3A_67 : i32
    "tpu.region"() ({
      %run_scoped3A = tpu.sem_alloc : memref<!tpu.dma_semaphore, #tpu.memory_space<semaphore_mem>>
      %dma_start3A = arith.constant 10000 : i32
      %dma_start3A_69 = tpu.memref_slice %arg7[%dma_start3A] : memref<20000xf32, #tpu.memory_space<vmem>> -> memref<10000xf32, #tpu.memory_space<vmem>>
      %dma_start3A_70 = tpu.memref_slice %arg5[%mul3A_68] : memref<640000xf32, #tpu.memory_space<hbm>> -> memref<10000xf32, #tpu.memory_space<hbm>>
      %dma_start3A_71 = tpu.memref_slice %arg5[%mul3A_68] : memref<640000xf32, #tpu.memory_space<hbm>> -> memref<10000xf32, #tpu.memory_space<hbm>>
      %dma_start3A_72 = arith.constant 10000 : i32
      %dma_start3A_73 = tpu.memref_slice %arg7[%dma_start3A_72] : memref<20000xf32, #tpu.memory_space<vmem>> -> memref<10000xf32, #tpu.memory_space<vmem>>
      tpu.enqueue_dma source(%dma_start3A_73 : memref<10000xf32, #tpu.memory_space<vmem>>) target(%dma_start3A_71 : memref<10000xf32, #tpu.memory_space<hbm>>) target_semaphore(%run_scoped3A : memref<!tpu.dma_semaphore, #tpu.memory_space<semaphore_mem>>)
      %dma_wait3A = arith.constant 10000 : i32
      %dma_wait3A_74 = tpu.memref_slice %arg7[%dma_wait3A] : memref<20000xf32, #tpu.memory_space<vmem>> -> memref<10000xf32, #tpu.memory_space<vmem>>
      %dma_wait3A_75 = tpu.memref_slice %arg5[%mul3A_68] : memref<640000xf32, #tpu.memory_space<hbm>> -> memref<10000xf32, #tpu.memory_space<hbm>>
      %dma_wait3A_76 = tpu.memref_slice %arg5[%mul3A_68] : memref<640000xf32, #tpu.memory_space<hbm>> -> memref<10000xf32, #tpu.memory_space<hbm>>
      %dma_wait3A_77 = arith.constant 10000 : i32
      %dma_wait3A_78 = tpu.memref_slice %arg7[%dma_wait3A_77] : memref<20000xf32, #tpu.memory_space<vmem>> -> memref<10000xf32, #tpu.memory_space<vmem>>
      tpu.wait_dma2 semaphore(%run_scoped3A : memref<!tpu.dma_semaphore, #tpu.memory_space<semaphore_mem>>) src(%dma_wait3A_78 : memref<10000xf32, #tpu.memory_space<vmem>>) dst(%dma_wait3A_76 : memref<10000xf32, #tpu.memory_space<hbm>>)
      tpu.yield
    }) : () -> ()
    return
  }
}

#map = affine_map<(d0, d1) -> (0)>
module attributes {stable_mosaic.version = 14 : i64} {
  func.func @segmax(%arg0: i32, %arg1: i32, %arg2: memref<640000xf32, #tpu.memory_space<hbm>>, %arg3: memref<640000xi32, #tpu.memory_space<hbm>>, %arg4: memref<640000xi32, #tpu.memory_space<hbm>>, %arg5: memref<640000xf32, #tpu.memory_space<hbm>>, %arg6: memref<20000xf32, #tpu.memory_space<vmem>>, %arg7: memref<20000xf32, #tpu.memory_space<vmem>>, %arg8: memref<2000xi32, #tpu.memory_space<vmem>>, %arg9: memref<2000xi32, #tpu.memory_space<vmem>>) attributes {dimension_semantics = [#tpu.dimension_semantics<core_parallel>, #tpu.dimension_semantics<subcore_parallel>], iteration_bounds = array<i64: 2, 16>, scalar_prefetch = 0 : i64, scratch_operands = 4 : i64, tpu.core_type = #tpu.core_type<sc_vector_subcore>, window_params = [{transform_indices = #map}, {transform_indices = #map}, {transform_indices = #map}, {transform_indices = #map}]} {
    %mul3A = arith.constant 2 : i32
    %mul3A_0 = arith.muli %arg1, %mul3A : i32
    %add3A = arith.addi %mul3A_0, %arg0 : i32
    %jit3A = arith.constant 32 : i32
    %div3A = arith.divsi %add3A, %jit3A : i32
    %sign3A = arith.constant 0 : i32
    %sign3A_1 = arith.cmpi sgt, %add3A, %sign3A : i32
    %sign3A_2 = arith.extui %sign3A_1 : i1 to i32
    %sign3A_3 = arith.constant 0 : i32
    %sign3A_4 = arith.cmpi slt, %add3A, %sign3A_3 : i32
    %sign3A_5 = arith.extui %sign3A_4 : i1 to i32
    %sign3A_6 = arith.subi %sign3A_2, %sign3A_5 : i32
    %sign3A_7 = arith.constant 0 : i32
    %sign3A_8 = arith.cmpi sgt, %jit3A, %sign3A_7 : i32
    %sign3A_9 = arith.extui %sign3A_8 : i1 to i32
    %sign3A_10 = arith.constant 0 : i32
    %sign3A_11 = arith.cmpi slt, %jit3A, %sign3A_10 : i32
    %sign3A_12 = arith.extui %sign3A_11 : i1 to i32
    %sign3A_13 = arith.subi %sign3A_9, %sign3A_12 : i32
    %ne3A = arith.cmpi ne, %sign3A_6, %sign3A_13 : i32
    %rem3A = arith.remsi %add3A, %jit3A : i32
    %ne3A_14 = arith.constant 0 : i32
    %ne3A_15 = arith.cmpi ne, %rem3A, %ne3A_14 : i32
    %and3A = arith.andi %ne3A, %ne3A_15 : i1
    %sub3A = arith.constant 1 : i32
    %sub3A_16 = arith.subi %div3A, %sub3A : i32
    %select_n3A = arith.select %and3A, %sub3A_16, %div3A : i32
    %jit3A_17 = arith.constant 32 : i32
    %eq3A = arith.constant 0 : i32
    %eq3A_18 = arith.cmpi eq, %jit3A_17, %eq3A : i32
    %jit3A_19 = arith.constant 1 : i32
    %select_n3A_20 = arith.select %eq3A_18, %jit3A_19, %jit3A_17 : i32
    %rem3A_21 = arith.remsi %add3A, %select_n3A_20 : i32
    %ne3A_22 = arith.constant 0 : i32
    %ne3A_23 = arith.cmpi ne, %rem3A_21, %ne3A_22 : i32
    %lt3A = arith.constant 0 : i32
    %lt3A_24 = arith.cmpi slt, %rem3A_21, %lt3A : i32
    %lt3A_25 = arith.constant 0 : i32
    %lt3A_26 = arith.cmpi slt, %select_n3A_20, %lt3A_25 : i32
    %ne3A_27 = arith.xori %lt3A_24, %lt3A_26 : i1
    %and3A_28 = arith.andi %ne3A_27, %ne3A_23 : i1
    %add3A_29 = arith.addi %rem3A_21, %select_n3A_20 : i32
    %select_n3A_30 = arith.select %and3A_28, %add3A_29, %rem3A_21 : i32
    %mul3A_31 = arith.constant 2 : i32
    %mul3A_32 = arith.muli %select_n3A_30, %mul3A_31 : i32
    %mul3A_33 = arith.constant 640000 : i32
    %mul3A_34 = arith.muli %select_n3A, %mul3A_33 : i32
    %add3A_35 = arith.constant 0 : i32
    %add3A_36 = arith.addi %mul3A_32, %add3A_35 : i32
    %mul3A_37 = arith.constant 10000 : i32
    %mul3A_38 = arith.muli %add3A_36, %mul3A_37 : i32
    "tpu.region"() ({
      %run_scoped3A = tpu.sem_alloc : memref<!tpu.dma_semaphore, #tpu.memory_space<semaphore_mem>>
      %dma_start3A = arith.constant 0 : i32
      %dma_start3A_69 = tpu.memref_slice %arg6[%dma_start3A] : memref<20000xf32, #tpu.memory_space<vmem>> -> memref<10000xf32, #tpu.memory_space<vmem>>
      %dma_start3A_70 = tpu.memref_slice %arg2[%mul3A_38] : memref<640000xf32, #tpu.memory_space<hbm>> -> memref<10000xf32, #tpu.memory_space<hbm>>
      %dma_start3A_71 = arith.constant 0 : i32
      %dma_start3A_72 = tpu.memref_slice %arg6[%dma_start3A_71] : memref<20000xf32, #tpu.memory_space<vmem>> -> memref<10000xf32, #tpu.memory_space<vmem>>
      %dma_start3A_73 = tpu.memref_slice %arg2[%mul3A_38] : memref<640000xf32, #tpu.memory_space<hbm>> -> memref<10000xf32, #tpu.memory_space<hbm>>
      tpu.enqueue_dma source(%dma_start3A_73 : memref<10000xf32, #tpu.memory_space<hbm>>) target(%dma_start3A_72 : memref<10000xf32, #tpu.memory_space<vmem>>) target_semaphore(%run_scoped3A : memref<!tpu.dma_semaphore, #tpu.memory_space<semaphore_mem>>)
      %dma_wait3A = arith.constant 0 : i32
      %dma_wait3A_74 = tpu.memref_slice %arg6[%dma_wait3A] : memref<20000xf32, #tpu.memory_space<vmem>> -> memref<10000xf32, #tpu.memory_space<vmem>>
      %dma_wait3A_75 = tpu.memref_slice %arg2[%mul3A_38] : memref<640000xf32, #tpu.memory_space<hbm>> -> memref<10000xf32, #tpu.memory_space<hbm>>
      %dma_wait3A_76 = arith.constant 0 : i32
      %dma_wait3A_77 = tpu.memref_slice %arg6[%dma_wait3A_76] : memref<20000xf32, #tpu.memory_space<vmem>> -> memref<10000xf32, #tpu.memory_space<vmem>>
      %dma_wait3A_78 = tpu.memref_slice %arg2[%mul3A_38] : memref<640000xf32, #tpu.memory_space<hbm>> -> memref<10000xf32, #tpu.memory_space<hbm>>
      tpu.wait_dma2 semaphore(%run_scoped3A : memref<!tpu.dma_semaphore, #tpu.memory_space<semaphore_mem>>) src(%dma_wait3A_78 : memref<10000xf32, #tpu.memory_space<hbm>>) dst(%dma_wait3A_77 : memref<10000xf32, #tpu.memory_space<vmem>>)
      tpu.yield
    }) : () -> ()
    %add3A_39 = arith.constant 1 : i32
    %add3A_40 = arith.addi %mul3A_32, %add3A_39 : i32
    %mul3A_41 = arith.constant 10000 : i32
    %mul3A_42 = arith.muli %add3A_40, %mul3A_41 : i32
    "tpu.region"() ({
      %run_scoped3A = tpu.sem_alloc : memref<!tpu.dma_semaphore, #tpu.memory_space<semaphore_mem>>
      %dma_start3A = arith.constant 10000 : i32
      %dma_start3A_69 = tpu.memref_slice %arg6[%dma_start3A] : memref<20000xf32, #tpu.memory_space<vmem>> -> memref<10000xf32, #tpu.memory_space<vmem>>
      %dma_start3A_70 = tpu.memref_slice %arg2[%mul3A_42] : memref<640000xf32, #tpu.memory_space<hbm>> -> memref<10000xf32, #tpu.memory_space<hbm>>
      %dma_start3A_71 = arith.constant 10000 : i32
      %dma_start3A_72 = tpu.memref_slice %arg6[%dma_start3A_71] : memref<20000xf32, #tpu.memory_space<vmem>> -> memref<10000xf32, #tpu.memory_space<vmem>>
      %dma_start3A_73 = tpu.memref_slice %arg2[%mul3A_42] : memref<640000xf32, #tpu.memory_space<hbm>> -> memref<10000xf32, #tpu.memory_space<hbm>>
      tpu.enqueue_dma source(%dma_start3A_73 : memref<10000xf32, #tpu.memory_space<hbm>>) target(%dma_start3A_72 : memref<10000xf32, #tpu.memory_space<vmem>>) target_semaphore(%run_scoped3A : memref<!tpu.dma_semaphore, #tpu.memory_space<semaphore_mem>>)
      %dma_wait3A = arith.constant 10000 : i32
      %dma_wait3A_74 = tpu.memref_slice %arg6[%dma_wait3A] : memref<20000xf32, #tpu.memory_space<vmem>> -> memref<10000xf32, #tpu.memory_space<vmem>>
      %dma_wait3A_75 = tpu.memref_slice %arg2[%mul3A_42] : memref<640000xf32, #tpu.memory_space<hbm>> -> memref<10000xf32, #tpu.memory_space<hbm>>
      %dma_wait3A_76 = arith.constant 10000 : i32
      %dma_wait3A_77 = tpu.memref_slice %arg6[%dma_wait3A_76] : memref<20000xf32, #tpu.memory_space<vmem>> -> memref<10000xf32, #tpu.memory_space<vmem>>
      %dma_wait3A_78 = tpu.memref_slice %arg2[%mul3A_42] : memref<640000xf32, #tpu.memory_space<hbm>> -> memref<10000xf32, #tpu.memory_space<hbm>>
      tpu.wait_dma2 semaphore(%run_scoped3A : memref<!tpu.dma_semaphore, #tpu.memory_space<semaphore_mem>>) src(%dma_wait3A_78 : memref<10000xf32, #tpu.memory_space<hbm>>) dst(%dma_wait3A_77 : memref<10000xf32, #tpu.memory_space<vmem>>)
      tpu.yield
    }) : () -> ()
    %broadcast_in_dim3A = arith.constant 0xFF800000 : f32
    %broadcast_in_dim3A_43 = vector.broadcast %broadcast_in_dim3A : f32 to vector<16xf32>
    %scan3A = arith.constant 0 : i32
    %scan3A_44 = arith.constant 0 : i32
    %scan3A_45 = arith.constant 625 : i32
    %scan3A_46 = arith.addi %scan3A_44, %scan3A_45 : i32
    %scan3A_47 = arith.constant 1 : i32
    scf.for %scan3A_69 = %scan3A_44 to %scan3A_46 step %scan3A_47  : i32 {
      %mul3A_70 = arith.constant 16 : i32
      %mul3A_71 = arith.muli %scan3A_69, %mul3A_70 : i32
      %add3A_72 = arith.constant 0 : i32
      %add3A_73 = arith.addi %add3A_72, %mul3A_71 : i32
      %swap3A = arith.index_cast %add3A_73 : i32 to index
      %swap3A_74 = tpu.vector_load %arg7[%swap3A] {strides = array<i32>} : memref<20000xf32, #tpu.memory_space<vmem>>, vector<16xf32>,
      tpu.vector_store %arg7[%swap3A], %broadcast_in_dim3A_43 {strides = array<i32>} : memref<20000xf32, #tpu.memory_space<vmem>>, vector<16xf32>,
      %mul3A_75 = arith.constant 16 : i32
      %mul3A_76 = arith.muli %scan3A_69, %mul3A_75 : i32
      %add3A_77 = arith.constant 10000 : i32
      %add3A_78 = arith.addi %add3A_77, %mul3A_76 : i32
      %swap3A_79 = arith.index_cast %add3A_78 : i32 to index
      %swap3A_80 = tpu.vector_load %arg7[%swap3A_79] {strides = array<i32>} : memref<20000xf32, #tpu.memory_space<vmem>>, vector<16xf32>,
      tpu.vector_store %arg7[%swap3A_79], %broadcast_in_dim3A_43 {strides = array<i32>} : memref<20000xf32, #tpu.memory_space<vmem>>, vector<16xf32>,
    }
    %scan3A_48 = arith.constant 625 : i32
    %scan3A_49 = arith.constant 0 : i32
    %scan3A_50 = arith.constant 0 : i32
    %scan3A_51 = arith.constant 320 : i32
    %scan3A_52 = arith.addi %scan3A_50, %scan3A_51 : i32
    %scan3A_53 = arith.constant 1 : i32
    scf.for %scan3A_69 = %scan3A_50 to %scan3A_52 step %scan3A_53  : i32 {
      %mul3A_70 = arith.constant 2000 : i32
      %mul3A_71 = arith.muli %scan3A_69, %mul3A_70 : i32
      %add3A_72 = arith.addi %mul3A_34, %mul3A_71 : i32
      "tpu.region"() ({
        %run_scoped3A = tpu.sem_alloc : memref<!tpu.dma_semaphore, #tpu.memory_space<semaphore_mem>>
        %dma_start3A = tpu.memref_slice %arg3[%add3A_72] : memref<640000xi32, #tpu.memory_space<hbm>> -> memref<2000xi32, #tpu.memory_space<hbm>>
        %dma_start3A_79 = tpu.memref_slice %arg3[%add3A_72] : memref<640000xi32, #tpu.memory_space<hbm>> -> memref<2000xi32, #tpu.memory_space<hbm>>
        tpu.enqueue_dma source(%dma_start3A_79 : memref<2000xi32, #tpu.memory_space<hbm>>) target(%arg8 : memref<2000xi32, #tpu.memory_space<vmem>>) target_semaphore(%run_scoped3A : memref<!tpu.dma_semaphore, #tpu.memory_space<semaphore_mem>>)
        %dma_wait3A = tpu.memref_slice %arg3[%add3A_72] : memref<640000xi32, #tpu.memory_space<hbm>> -> memref<2000xi32, #tpu.memory_space<hbm>>
        %dma_wait3A_80 = tpu.memref_slice %arg3[%add3A_72] : memref<640000xi32, #tpu.memory_space<hbm>> -> memref<2000xi32, #tpu.memory_space<hbm>>
        tpu.wait_dma2 semaphore(%run_scoped3A : memref<!tpu.dma_semaphore, #tpu.memory_space<semaphore_mem>>) src(%dma_wait3A_80 : memref<2000xi32, #tpu.memory_space<hbm>>) dst(%arg8 : memref<2000xi32, #tpu.memory_space<vmem>>)
        tpu.yield
      }) : () -> ()
      "tpu.region"() ({
        %run_scoped3A = tpu.sem_alloc : memref<!tpu.dma_semaphore, #tpu.memory_space<semaphore_mem>>
        %dma_start3A = tpu.memref_slice %arg4[%add3A_72] : memref<640000xi32, #tpu.memory_space<hbm>> -> memref<2000xi32, #tpu.memory_space<hbm>>
        %dma_start3A_79 = tpu.memref_slice %arg4[%add3A_72] : memref<640000xi32, #tpu.memory_space<hbm>> -> memref<2000xi32, #tpu.memory_space<hbm>>
        tpu.enqueue_dma source(%dma_start3A_79 : memref<2000xi32, #tpu.memory_space<hbm>>) target(%arg9 : memref<2000xi32, #tpu.memory_space<vmem>>) target_semaphore(%run_scoped3A : memref<!tpu.dma_semaphore, #tpu.memory_space<semaphore_mem>>)
        %dma_wait3A = tpu.memref_slice %arg4[%add3A_72] : memref<640000xi32, #tpu.memory_space<hbm>> -> memref<2000xi32, #tpu.memory_space<hbm>>
        %dma_wait3A_80 = tpu.memref_slice %arg4[%add3A_72] : memref<640000xi32, #tpu.memory_space<hbm>> -> memref<2000xi32, #tpu.memory_space<hbm>>
        tpu.wait_dma2 semaphore(%run_scoped3A : memref<!tpu.dma_semaphore, #tpu.memory_space<semaphore_mem>>) src(%dma_wait3A_80 : memref<2000xi32, #tpu.memory_space<hbm>>) dst(%arg9 : memref<2000xi32, #tpu.memory_space<vmem>>)
        tpu.yield
      }) : () -> ()
      %scan3A_73 = arith.constant 0 : i32
      %scan3A_74 = arith.constant 0 : i32
      %scan3A_75 = arith.constant 125 : i32
      %scan3A_76 = arith.addi %scan3A_74, %scan3A_75 : i32
      %scan3A_77 = arith.constant 1 : i32
      scf.for %scan3A_79 = %scan3A_74 to %scan3A_76 step %scan3A_77  : i32 {
        %mul3A_80 = arith.constant 16 : i32
        %mul3A_81 = arith.muli %scan3A_79, %mul3A_80 : i32
        %get3A = arith.index_cast %mul3A_81 : i32 to index
        %get3A_82 = tpu.vector_load %arg8[%get3A] {strides = array<i32>} : memref<2000xi32, #tpu.memory_space<vmem>>, vector<16xi32>,
        %mul3A_83 = arith.constant 16 : i32
        %mul3A_84 = arith.muli %scan3A_79, %mul3A_83 : i32
        %get3A_85 = arith.index_cast %mul3A_84 : i32 to index
        %get3A_86 = tpu.vector_load %arg9[%get3A_85] {strides = array<i32>} : memref<2000xi32, #tpu.memory_space<vmem>>, vector<16xi32>,
        %gather3A = tpu.vector_load_idx %arg6[%get3A_82] : memref<20000xf32, #tpu.memory_space<vmem>>[vector<16xi32>], vector<16xf32>,
        %broadcast_in_dim3A_87 = arith.constant true
        %broadcast_in_dim3A_88 = vector.broadcast %broadcast_in_dim3A_87 : i1 to vector<16xi1>
        %while3A = scf.while (%while3A_99 = %broadcast_in_dim3A_88) : (vector<16xi1>) -> vector<16xi1> {
          %reduce_or3A = arith.constant 1.000000e+00 : f32
          %reduce_or3A_100 = arith.constant 0.000000e+00 : f32
          %reduce_or3A_101 = vector.broadcast %reduce_or3A : f32 to vector<16xf32>
          %reduce_or3A_102 = vector.broadcast %reduce_or3A_100 : f32 to vector<16xf32>
          %reduce_or3A_103 = arith.select %while3A_99, %reduce_or3A_101, %reduce_or3A_102 : vector<16xi1>, vector<16xf32>
          %reduce_or3A_104 = arith.constant true
          %reduce_or3A_105 = vector.broadcast %reduce_or3A_104 : i1 to vector<16xi1>
          %reduce_or3A_106 = tpu.scan <max>, %reduce_or3A_103 masked %reduce_or3A_105 : vector<16xf32>, vector<16xi1> -> vector<16xf32>
          %reduce_or3A_107 = vector.extract %reduce_or3A_106[15] : f32 from vector<16xf32>
          %reduce_or3A_108 = arith.constant 0.000000e+00 : f32
          %reduce_or3A_109 = arith.cmpf ogt, %reduce_or3A_107, %reduce_or3A_108 : f32
          scf.condition(%reduce_or3A_109) %while3A_99 : vector<16xi1>
        } do {
        ^bb0(%while3A_99: vector<16xi1>):
          %gather3A_100 = tpu.vector_load_idx %arg7[%get3A_86] : memref<20000xf32, #tpu.memory_space<vmem>>[vector<16xi32>], vector<16xf32>,
          %max3A = arith.maximumf %gather3A_100, %gather3A : vector<16xf32>
          tpu.vector_store_idx %arg7[%get3A_86], %max3A masked %while3A_99 : memref<20000xf32, #tpu.memory_space<vmem>>[vector<16xi32>], vector<16xf32>, vector<16xi1>
          %gather3A_101 = tpu.vector_load_idx %arg7[%get3A_86] : memref<20000xf32, #tpu.memory_space<vmem>>[vector<16xi32>], vector<16xf32>,
          %lt3A_102 = arith.cmpf olt, %gather3A_101, %gather3A : vector<16xf32>
          %and3A_103 = arith.andi %while3A_99, %lt3A_102 : vector<16xi1>
          scf.yield %and3A_103 : vector<16xi1>
        }
        %add3A_89 = arith.constant 10000 : i32
        %add3A_90 = vector.broadcast %add3A_89 : i32 to vector<16xi32>
        %add3A_91 = arith.addi %get3A_82, %add3A_90 : vector<16xi32>
        %add3A_92 = arith.constant 10000 : i32
        %add3A_93 = vector.broadcast %add3A_92 : i32 to vector<16xi32>
        %add3A_94 = arith.addi %get3A_86, %add3A_93 : vector<16xi32>
        %gather3A_95 = tpu.vector_load_idx %arg6[%add3A_91] : memref<20000xf32, #tpu.memory_space<vmem>>[vector<16xi32>], vector<16xf32>,
        %broadcast_in_dim3A_96 = arith.constant true
        %broadcast_in_dim3A_97 = vector.broadcast %broadcast_in_dim3A_96 : i1 to vector<16xi1>
        %while3A_98 = scf.while (%while3A_99 = %broadcast_in_dim3A_97) : (vector<16xi1>) -> vector<16xi1> {
          %reduce_or3A = arith.constant 1.000000e+00 : f32
          %reduce_or3A_100 = arith.constant 0.000000e+00 : f32
          %reduce_or3A_101 = vector.broadcast %reduce_or3A : f32 to vector<16xf32>
          %reduce_or3A_102 = vector.broadcast %reduce_or3A_100 : f32 to vector<16xf32>
          %reduce_or3A_103 = arith.select %while3A_99, %reduce_or3A_101, %reduce_or3A_102 : vector<16xi1>, vector<16xf32>
          %reduce_or3A_104 = arith.constant true
          %reduce_or3A_105 = vector.broadcast %reduce_or3A_104 : i1 to vector<16xi1>
          %reduce_or3A_106 = tpu.scan <max>, %reduce_or3A_103 masked %reduce_or3A_105 : vector<16xf32>, vector<16xi1> -> vector<16xf32>
          %reduce_or3A_107 = vector.extract %reduce_or3A_106[15] : f32 from vector<16xf32>
          %reduce_or3A_108 = arith.constant 0.000000e+00 : f32
          %reduce_or3A_109 = arith.cmpf ogt, %reduce_or3A_107, %reduce_or3A_108 : f32
          scf.condition(%reduce_or3A_109) %while3A_99 : vector<16xi1>
        } do {
        ^bb0(%while3A_99: vector<16xi1>):
          %gather3A_100 = tpu.vector_load_idx %arg7[%add3A_94] : memref<20000xf32, #tpu.memory_space<vmem>>[vector<16xi32>], vector<16xf32>,
          %max3A = arith.maximumf %gather3A_100, %gather3A_95 : vector<16xf32>
          tpu.vector_store_idx %arg7[%add3A_94], %max3A masked %while3A_99 : memref<20000xf32, #tpu.memory_space<vmem>>[vector<16xi32>], vector<16xf32>, vector<16xi1>
          %gather3A_101 = tpu.vector_load_idx %arg7[%add3A_94] : memref<20000xf32, #tpu.memory_space<vmem>>[vector<16xi32>], vector<16xf32>,
          %lt3A_102 = arith.cmpf olt, %gather3A_101, %gather3A_95 : vector<16xf32>
          %and3A_103 = arith.andi %while3A_99, %lt3A_102 : vector<16xi1>
          scf.yield %and3A_103 : vector<16xi1>
        }
      }
      %scan3A_78 = arith.constant 125 : i32
    }
    %scan3A_54 = arith.constant 320 : i32
    %mul3A_55 = arith.constant 64 : i32
    %mul3A_56 = arith.muli %select_n3A, %mul3A_55 : i32
    %add3A_57 = arith.addi %mul3A_56, %mul3A_32 : i32
    %add3A_58 = arith.constant 0 : i32
    %add3A_59 = arith.addi %add3A_57, %add3A_58 : i32
    %mul3A_60 = arith.constant 10000 : i32
    %mul3A_61 = arith.muli %add3A_59, %mul3A_60 : i32
    "tpu.region"() ({
      %run_scoped3A = tpu.sem_alloc : memref<!tpu.dma_semaphore, #tpu.memory_space<semaphore_mem>>
      %dma_start3A = arith.constant 0 : i32
      %dma_start3A_69 = tpu.memref_slice %arg7[%dma_start3A] : memref<20000xf32, #tpu.memory_space<vmem>> -> memref<10000xf32, #tpu.memory_space<vmem>>
      %dma_start3A_70 = tpu.memref_slice %arg5[%mul3A_61] : memref<640000xf32, #tpu.memory_space<hbm>> -> memref<10000xf32, #tpu.memory_space<hbm>>
      %dma_start3A_71 = tpu.memref_slice %arg5[%mul3A_61] : memref<640000xf32, #tpu.memory_space<hbm>> -> memref<10000xf32, #tpu.memory_space<hbm>>
      %dma_start3A_72 = arith.constant 0 : i32
      %dma_start3A_73 = tpu.memref_slice %arg7[%dma_start3A_72] : memref<20000xf32, #tpu.memory_space<vmem>> -> memref<10000xf32, #tpu.memory_space<vmem>>
      tpu.enqueue_dma source(%dma_start3A_73 : memref<10000xf32, #tpu.memory_space<vmem>>) target(%dma_start3A_71 : memref<10000xf32, #tpu.memory_space<hbm>>) target_semaphore(%run_scoped3A : memref<!tpu.dma_semaphore, #tpu.memory_space<semaphore_mem>>)
      %dma_wait3A = arith.constant 0 : i32
      %dma_wait3A_74 = tpu.memref_slice %arg7[%dma_wait3A] : memref<20000xf32, #tpu.memory_space<vmem>> -> memref<10000xf32, #tpu.memory_space<vmem>>
      %dma_wait3A_75 = tpu.memref_slice %arg5[%mul3A_61] : memref<640000xf32, #tpu.memory_space<hbm>> -> memref<10000xf32, #tpu.memory_space<hbm>>
      %dma_wait3A_76 = tpu.memref_slice %arg5[%mul3A_61] : memref<640000xf32, #tpu.memory_space<hbm>> -> memref<10000xf32, #tpu.memory_space<hbm>>
      %dma_wait3A_77 = arith.constant 0 : i32
      %dma_wait3A_78 = tpu.memref_slice %arg7[%dma_wait3A_77] : memref<20000xf32, #tpu.memory_space<vmem>> -> memref<10000xf32, #tpu.memory_space<vmem>>
      tpu.wait_dma2 semaphore(%run_scoped3A : memref<!tpu.dma_semaphore, #tpu.memory_space<semaphore_mem>>) src(%dma_wait3A_78 : memref<10000xf32, #tpu.memory_space<vmem>>) dst(%dma_wait3A_76 : memref<10000xf32, #tpu.memory_space<hbm>>)
      tpu.yield
    }) : () -> ()
    %mul3A_62 = arith.constant 64 : i32
    %mul3A_63 = arith.muli %select_n3A, %mul3A_62 : i32
    %add3A_64 = arith.addi %mul3A_63, %mul3A_32 : i32
    %add3A_65 = arith.constant 1 : i32
    %add3A_66 = arith.addi %add3A_64, %add3A_65 : i32
    %mul3A_67 = arith.constant 10000 : i32
    %mul3A_68 = arith.muli %add3A_66, %mul3A_67 : i32
    "tpu.region"() ({
      %run_scoped3A = tpu.sem_alloc : memref<!tpu.dma_semaphore, #tpu.memory_space<semaphore_mem>>
      %dma_start3A = arith.constant 10000 : i32
      %dma_start3A_69 = tpu.memref_slice %arg7[%dma_start3A] : memref<20000xf32, #tpu.memory_space<vmem>> -> memref<10000xf32, #tpu.memory_space<vmem>>
      %dma_start3A_70 = tpu.memref_slice %arg5[%mul3A_68] : memref<640000xf32, #tpu.memory_space<hbm>> -> memref<10000xf32, #tpu.memory_space<hbm>>
      %dma_start3A_71 = tpu.memref_slice %arg5[%mul3A_68] : memref<640000xf32, #tpu.memory_space<hbm>> -> memref<10000xf32, #tpu.memory_space<hbm>>
      %dma_start3A_72 = arith.constant 10000 : i32
      %dma_start3A_73 = tpu.memref_slice %arg7[%dma_start3A_72] : memref<20000xf32, #tpu.memory_space<vmem>> -> memref<10000xf32, #tpu.memory_space<vmem>>
      tpu.enqueue_dma source(%dma_start3A_73 : memref<10000xf32, #tpu.memory_space<vmem>>) target(%dma_start3A_71 : memref<10000xf32, #tpu.memory_space<hbm>>) target_semaphore(%run_scoped3A : memref<!tpu.dma_semaphore, #tpu.memory_space<semaphore_mem>>)
      %dma_wait3A = arith.constant 10000 : i32
      %dma_wait3A_74 = tpu.memref_slice %arg7[%dma_wait3A] : memref<20000xf32, #tpu.memory_space<vmem>> -> memref<10000xf32, #tpu.memory_space<vmem>>
      %dma_wait3A_75 = tpu.memref_slice %arg5[%mul3A_68] : memref<640000xf32, #tpu.memory_space<hbm>> -> memref<10000xf32, #tpu.memory_space<hbm>>
      %dma_wait3A_76 = tpu.memref_slice %arg5[%mul3A_68] : memref<640000xf32, #tpu.memory_space<hbm>> -> memref<10000xf32, #tpu.memory_space<hbm>>
      %dma_wait3A_77 = arith.constant 10000 : i32
      %dma_wait3A_78 = tpu.memref_slice %arg7[%dma_wait3A_77] : memref<20000xf32, #tpu.memory_space<vmem>> -> memref<10000xf32, #tpu.memory_space<vmem>>
      tpu.wait_dma2 semaphore(%run_scoped3A : memref<!tpu.dma_semaphore, #tpu.memory_space<semaphore_mem>>) src(%dma_wait3A_78 : memref<10000xf32, #tpu.memory_space<vmem>>) dst(%dma_wait3A_76 : memref<10000xf32, #tpu.memory_space<hbm>>)
      tpu.yield
    }) : () -> ()
    return
  }
}

module attributes {stable_mosaic.version = 14 : i64} {
  func.func @body(%arg0: memref<16x10000xf32, #tpu.memory_space<vmem>>, %arg1: memref<2x16x10000xf32, #tpu.memory_space<vmem>>, %arg2: memref<32x64xf32, #tpu.memory_space<vmem>>, %arg3: memref<64x1xf32, #tpu.memory_space<vmem>>, %arg4: memref<64x1xf32, #tpu.memory_space<vmem>>, %arg5: memref<64x1xf32, #tpu.memory_space<vmem>>, %arg6: memref<64x10000xf32, #tpu.memory_space<vmem>>) attributes {dimension_semantics = [], scalar_prefetch = 0 : i64, scratch_operands = 0 : i64, tpu.core_type = #tpu.core_type<tc>} {
    %get3A = arith.constant 0 : index
    %get3A_0 = arith.constant 0 : index
    %get3A_1 = vector.load %arg0[%get3A, %get3A_0] : memref<16x10000xf32, #tpu.memory_space<vmem>>, vector<16x10000xf32>
    %get3A_2 = arith.constant 0 : index
    %get3A_3 = arith.constant 0 : index
    %get3A_4 = arith.constant 0 : index
    %get3A_5 = vector.load %arg1[%get3A_2, %get3A_3, %get3A_4] : memref<2x16x10000xf32, #tpu.memory_space<vmem>>, vector<2x16x10000xf32>
    %reduce_max3A = arith.constant dense<0xFF800000> : vector<16x10000xf32>
    %reduce_max3A_6 = vector.multi_reduction <maximumf>, %get3A_5, %reduce_max3A [0] : vector<2x16x10000xf32> to vector<16x10000xf32>
    %eq3A = arith.constant 0xFF800000 : f32
    %eq3A_7 = vector.broadcast %eq3A : f32 to vector<16x10000xf32>
    %eq3A_8 = arith.cmpf oeq, %reduce_max3A_6, %eq3A_7 : vector<16x10000xf32>
    %sub3A = arith.subf %reduce_max3A_6, %get3A_1 : vector<16x10000xf32>
    %jit3A = arith.constant 0.000000e+00 : f32
    %broadcast_in_dim3A = vector.broadcast %jit3A : f32 to vector<16x10000xf32>
    %select_n3A = arith.select %eq3A_8, %broadcast_in_dim3A, %sub3A : vector<16x10000xi1>, vector<16x10000xf32>
    %concatenate3A = tpu.concatenate %get3A_1, %select_n3A in 0 : vector<16x10000xf32>, vector<16x10000xf32> -> vector<32x10000xf32>
    %get3A_9 = arith.constant 0 : index
    %get3A_10 = arith.constant 0 : index
    %get3A_11 = vector.load %arg2[%get3A_9, %get3A_10] : memref<32x64xf32, #tpu.memory_space<vmem>>, vector<32x64xf32>
    %dot_general3A = arith.constant dense<0.000000e+00> : vector<64x10000xf32>
    %dot_general3A_12 = tpu.matmul %get3A_11, %concatenate3A, %dot_general3A {dimension_numbers = #tpu.dot_dimension_numbers<[0], [0], [1], [1], [0, 1, 1, 1], [], []>, transpose_lhs_hint = false} : vector<32x64xf32>, vector<32x10000xf32>, vector<64x10000xf32> -> vector<64x10000xf32>
    %get3A_13 = arith.constant 0 : index
    %get3A_14 = arith.constant 0 : index
    %get3A_15 = vector.load %arg3[%get3A_13, %get3A_14] : memref<64x1xf32, #tpu.memory_space<vmem>>, vector<64x1xf32>
    %add3A = vector.broadcast %get3A_15 : vector<64x1xf32> to vector<64x10000xf32>
    %add3A_16 = arith.addf %dot_general3A_12, %add3A : vector<64x10000xf32>
    %reduce_sum3A = arith.constant dense<0.000000e+00> : vector<64xf32>
    %reduce_sum3A_17 = vector.multi_reduction <add>, %add3A_16, %reduce_sum3A [1] : vector<64x10000xf32> to vector<64xf32>
    %broadcast_in_dim3A_18 = vector.shape_cast %reduce_sum3A_17 : vector<64xf32> to vector<64x1xf32>
    %div3A = arith.constant 1.000000e+04 : f32
    %div3A_19 = vector.broadcast %div3A : f32 to vector<64x1xf32>
    %div3A_20 = arith.divf %broadcast_in_dim3A_18, %div3A_19 : vector<64x1xf32>
    %sub3A_21 = vector.broadcast %div3A_20 : vector<64x1xf32> to vector<64x10000xf32>
    %sub3A_22 = arith.subf %add3A_16, %sub3A_21 : vector<64x10000xf32>
    %integer_pow3A = arith.mulf %sub3A_22, %sub3A_22 : vector<64x10000xf32>
    %reduce_sum3A_23 = arith.constant dense<0.000000e+00> : vector<64xf32>
    %reduce_sum3A_24 = vector.multi_reduction <add>, %integer_pow3A, %reduce_sum3A_23 [1] : vector<64x10000xf32> to vector<64xf32>
    %broadcast_in_dim3A_25 = vector.shape_cast %reduce_sum3A_24 : vector<64xf32> to vector<64x1xf32>
    %div3A_26 = arith.constant 1.000000e+04 : f32
    %div3A_27 = vector.broadcast %div3A_26 : f32 to vector<64x1xf32>
    %div3A_28 = arith.divf %broadcast_in_dim3A_25, %div3A_27 : vector<64x1xf32>
    %sub3A_29 = vector.broadcast %div3A_20 : vector<64x1xf32> to vector<64x10000xf32>
    %sub3A_30 = arith.subf %add3A_16, %sub3A_29 : vector<64x10000xf32>
    %add3A_31 = arith.constant 9.99999974E-6 : f32
    %add3A_32 = vector.broadcast %add3A_31 : f32 to vector<64x1xf32>
    %add3A_33 = arith.addf %div3A_28, %add3A_32 : vector<64x1xf32>
    %sqrt3A = math.sqrt %add3A_33 : vector<64x1xf32>
    %div3A_34 = vector.broadcast %sqrt3A : vector<64x1xf32> to vector<64x10000xf32>
    %div3A_35 = arith.divf %sub3A_30, %div3A_34 : vector<64x10000xf32>
    %get3A_36 = arith.constant 0 : index
    %get3A_37 = arith.constant 0 : index
    %get3A_38 = vector.load %arg4[%get3A_36, %get3A_37] : memref<64x1xf32, #tpu.memory_space<vmem>>, vector<64x1xf32>
    %mul3A = vector.broadcast %get3A_38 : vector<64x1xf32> to vector<64x10000xf32>
    %mul3A_39 = arith.mulf %div3A_35, %mul3A : vector<64x10000xf32>
    %get3A_40 = arith.constant 0 : index
    %get3A_41 = arith.constant 0 : index
    %get3A_42 = vector.load %arg5[%get3A_40, %get3A_41] : memref<64x1xf32, #tpu.memory_space<vmem>>, vector<64x1xf32>
    %add3A_43 = vector.broadcast %get3A_42 : vector<64x1xf32> to vector<64x10000xf32>
    %add3A_44 = arith.addf %mul3A_39, %add3A_43 : vector<64x10000xf32>
    %max3A = arith.constant 0.000000e+00 : f32
    %max3A_45 = vector.broadcast %max3A : f32 to vector<64x10000xf32>
    %max3A_46 = arith.maximumf %add3A_44, %max3A_45 : vector<64x10000xf32>
    %swap3A = arith.constant 0 : index
    %swap3A_47 = arith.constant 0 : index
    %swap3A_48 = vector.load %arg6[%swap3A, %swap3A_47] : memref<64x10000xf32, #tpu.memory_space<vmem>>, vector<64x10000xf32>
    tpu.vector_store %arg6[%swap3A, %swap3A_47], %max3A_46 {strides = array<i32>} : memref<64x10000xf32, #tpu.memory_space<vmem>>, vector<64x10000xf32>,
    return
  }
}

module attributes {stable_mosaic.version = 14 : i64} {
  func.func @body(%arg0: memref<64x10000xf32, #tpu.memory_space<vmem>>, %arg1: memref<1x64x10000xf32, #tpu.memory_space<vmem>>, %arg2: memref<128x64xf32, #tpu.memory_space<vmem>>, %arg3: memref<64x1xf32, #tpu.memory_space<vmem>>, %arg4: memref<64x1xf32, #tpu.memory_space<vmem>>, %arg5: memref<64x1xf32, #tpu.memory_space<vmem>>, %arg6: memref<64x10000xf32, #tpu.memory_space<vmem>>, %arg7: memref<64x10000xf32, #tpu.memory_space<vmem>>) attributes {dimension_semantics = [], scalar_prefetch = 0 : i64, scratch_operands = 0 : i64, tpu.core_type = #tpu.core_type<tc>} {
    %get3A = arith.constant 0 : index
    %get3A_0 = arith.constant 0 : index
    %get3A_1 = vector.load %arg0[%get3A, %get3A_0] : memref<64x10000xf32, #tpu.memory_space<vmem>>, vector<64x10000xf32>
    %get3A_2 = arith.constant 0 : index
    %get3A_3 = arith.constant 0 : index
    %get3A_4 = arith.constant 0 : index
    %get3A_5 = vector.load %arg1[%get3A_2, %get3A_3, %get3A_4] : memref<1x64x10000xf32, #tpu.memory_space<vmem>>, vector<1x64x10000xf32>
    %reduce_max3A = arith.constant dense<0xFF800000> : vector<64x10000xf32>
    %reduce_max3A_6 = vector.multi_reduction <maximumf>, %get3A_5, %reduce_max3A [0] : vector<1x64x10000xf32> to vector<64x10000xf32>
    %eq3A = arith.constant 0xFF800000 : f32
    %eq3A_7 = vector.broadcast %eq3A : f32 to vector<64x10000xf32>
    %eq3A_8 = arith.cmpf oeq, %reduce_max3A_6, %eq3A_7 : vector<64x10000xf32>
    %sub3A = arith.subf %reduce_max3A_6, %get3A_1 : vector<64x10000xf32>
    %jit3A = arith.constant 0.000000e+00 : f32
    %broadcast_in_dim3A = vector.broadcast %jit3A : f32 to vector<64x10000xf32>
    %select_n3A = arith.select %eq3A_8, %broadcast_in_dim3A, %sub3A : vector<64x10000xi1>, vector<64x10000xf32>
    %concatenate3A = tpu.concatenate %get3A_1, %select_n3A in 0 : vector<64x10000xf32>, vector<64x10000xf32> -> vector<128x10000xf32>
    %get3A_9 = arith.constant 0 : index
    %get3A_10 = arith.constant 0 : index
    %get3A_11 = vector.load %arg2[%get3A_9, %get3A_10] : memref<128x64xf32, #tpu.memory_space<vmem>>, vector<128x64xf32>
    %dot_general3A = arith.constant dense<0.000000e+00> : vector<64x10000xf32>
    %dot_general3A_12 = tpu.matmul %get3A_11, %concatenate3A, %dot_general3A {dimension_numbers = #tpu.dot_dimension_numbers<[0], [0], [1], [1], [0, 1, 1, 1], [], []>, transpose_lhs_hint = false} : vector<128x64xf32>, vector<128x10000xf32>, vector<64x10000xf32> -> vector<64x10000xf32>
    %get3A_13 = arith.constant 0 : index
    %get3A_14 = arith.constant 0 : index
    %get3A_15 = vector.load %arg3[%get3A_13, %get3A_14] : memref<64x1xf32, #tpu.memory_space<vmem>>, vector<64x1xf32>
    %add3A = vector.broadcast %get3A_15 : vector<64x1xf32> to vector<64x10000xf32>
    %add3A_16 = arith.addf %dot_general3A_12, %add3A : vector<64x10000xf32>
    %reduce_sum3A = arith.constant dense<0.000000e+00> : vector<64xf32>
    %reduce_sum3A_17 = vector.multi_reduction <add>, %add3A_16, %reduce_sum3A [1] : vector<64x10000xf32> to vector<64xf32>
    %broadcast_in_dim3A_18 = vector.shape_cast %reduce_sum3A_17 : vector<64xf32> to vector<64x1xf32>
    %div3A = arith.constant 1.000000e+04 : f32
    %div3A_19 = vector.broadcast %div3A : f32 to vector<64x1xf32>
    %div3A_20 = arith.divf %broadcast_in_dim3A_18, %div3A_19 : vector<64x1xf32>
    %sub3A_21 = vector.broadcast %div3A_20 : vector<64x1xf32> to vector<64x10000xf32>
    %sub3A_22 = arith.subf %add3A_16, %sub3A_21 : vector<64x10000xf32>
    %integer_pow3A = arith.mulf %sub3A_22, %sub3A_22 : vector<64x10000xf32>
    %reduce_sum3A_23 = arith.constant dense<0.000000e+00> : vector<64xf32>
    %reduce_sum3A_24 = vector.multi_reduction <add>, %integer_pow3A, %reduce_sum3A_23 [1] : vector<64x10000xf32> to vector<64xf32>
    %broadcast_in_dim3A_25 = vector.shape_cast %reduce_sum3A_24 : vector<64xf32> to vector<64x1xf32>
    %div3A_26 = arith.constant 1.000000e+04 : f32
    %div3A_27 = vector.broadcast %div3A_26 : f32 to vector<64x1xf32>
    %div3A_28 = arith.divf %broadcast_in_dim3A_25, %div3A_27 : vector<64x1xf32>
    %sub3A_29 = vector.broadcast %div3A_20 : vector<64x1xf32> to vector<64x10000xf32>
    %sub3A_30 = arith.subf %add3A_16, %sub3A_29 : vector<64x10000xf32>
    %add3A_31 = arith.constant 9.99999974E-6 : f32
    %add3A_32 = vector.broadcast %add3A_31 : f32 to vector<64x1xf32>
    %add3A_33 = arith.addf %div3A_28, %add3A_32 : vector<64x1xf32>
    %sqrt3A = math.sqrt %add3A_33 : vector<64x1xf32>
    %div3A_34 = vector.broadcast %sqrt3A : vector<64x1xf32> to vector<64x10000xf32>
    %div3A_35 = arith.divf %sub3A_30, %div3A_34 : vector<64x10000xf32>
    %get3A_36 = arith.constant 0 : index
    %get3A_37 = arith.constant 0 : index
    %get3A_38 = vector.load %arg4[%get3A_36, %get3A_37] : memref<64x1xf32, #tpu.memory_space<vmem>>, vector<64x1xf32>
    %mul3A = vector.broadcast %get3A_38 : vector<64x1xf32> to vector<64x10000xf32>
    %mul3A_39 = arith.mulf %div3A_35, %mul3A : vector<64x10000xf32>
    %get3A_40 = arith.constant 0 : index
    %get3A_41 = arith.constant 0 : index
    %get3A_42 = vector.load %arg5[%get3A_40, %get3A_41] : memref<64x1xf32, #tpu.memory_space<vmem>>, vector<64x1xf32>
    %add3A_43 = vector.broadcast %get3A_42 : vector<64x1xf32> to vector<64x10000xf32>
    %add3A_44 = arith.addf %mul3A_39, %add3A_43 : vector<64x10000xf32>
    %max3A = arith.constant 0.000000e+00 : f32
    %max3A_45 = vector.broadcast %max3A : f32 to vector<64x10000xf32>
    %max3A_46 = arith.maximumf %add3A_44, %max3A_45 : vector<64x10000xf32>
    %get3A_47 = arith.constant 0 : index
    %get3A_48 = arith.constant 0 : index
    %get3A_49 = vector.load %arg6[%get3A_47, %get3A_48] : memref<64x10000xf32, #tpu.memory_space<vmem>>, vector<64x10000xf32>
    %add3A_50 = arith.addf %max3A_46, %get3A_49 : vector<64x10000xf32>
    %swap3A = arith.constant 0 : index
    %swap3A_51 = arith.constant 0 : index
    %swap3A_52 = vector.load %arg7[%swap3A, %swap3A_51] : memref<64x10000xf32, #tpu.memory_space<vmem>>, vector<64x10000xf32>
    tpu.vector_store %arg7[%swap3A, %swap3A_51], %add3A_50 {strides = array<i32>} : memref<64x10000xf32, #tpu.memory_space<vmem>>, vector<64x10000xf32>,
    return
  }
}

module attributes {stable_mosaic.version = 14 : i64} {
  func.func @body(%arg0: i32, %arg1: memref<256x1024xf32, #tpu.memory_space<vmem>>, %arg2: memref<256x1024xf32, #tpu.memory_space<vmem>>, %arg3: memref<1024x1xf32, #tpu.memory_space<vmem>>, %arg4: memref<1024x1024xf32, #tpu.memory_space<vmem>>) attributes {dimension_semantics = [#tpu.dimension_semantics<arbitrary>], iteration_bounds = array<i64: 10>, scalar_prefetch = 0 : i64, scratch_operands = 0 : i64, tpu.core_type = #tpu.core_type<tc>, window_params = [{transform_indices = @transform_0, window_bounds = array<i64: 256, 1024>}, {pipeline_mode = #tpu.pipeline_mode<synchronous>, transform_indices = @transform_1, window_bounds = array<i64: 256, 1024>}, {pipeline_mode = #tpu.pipeline_mode<synchronous>, transform_indices = @transform_2, window_bounds = array<i64: 1024, 1>}, {transform_indices = @transform_3, window_bounds = array<i64: 1024, 1024>}]} {
    %get3A = arith.constant 0 : index
    %get3A_0 = arith.constant 0 : index
    %get3A_1 = vector.load %arg2[%get3A, %get3A_0] : memref<256x1024xf32, #tpu.memory_space<vmem>>, vector<256x1024xf32>
    %get3A_2 = arith.constant 0 : index
    %get3A_3 = arith.constant 0 : index
    %get3A_4 = vector.load %arg1[%get3A_2, %get3A_3] : memref<256x1024xf32, #tpu.memory_space<vmem>>, vector<256x1024xf32>
    %dot_general3A = arith.constant dense<0.000000e+00> : vector<1024x1024xf32>
    %dot_general3A_5 = tpu.matmul %get3A_1, %get3A_4, %dot_general3A {dimension_numbers = #tpu.dot_dimension_numbers<[0], [0], [1], [1], [0, 1, 1, 1], [], []>, transpose_lhs_hint = false} : vector<256x1024xf32>, vector<256x1024xf32>, vector<1024x1024xf32> -> vector<1024x1024xf32>
    %get3A_6 = arith.constant 0 : index
    %get3A_7 = arith.constant 0 : index
    %get3A_8 = vector.load %arg3[%get3A_6, %get3A_7] : memref<1024x1xf32, #tpu.memory_space<vmem>>, vector<1024x1xf32>
    %add3A = vector.broadcast %get3A_8 : vector<1024x1xf32> to vector<1024x1024xf32>
    %add3A_9 = arith.addf %dot_general3A_5, %add3A : vector<1024x1024xf32>
    %swap3A = arith.constant 0 : index
    %swap3A_10 = arith.constant 0 : index
    %swap3A_11 = vector.load %arg4[%swap3A, %swap3A_10] : memref<1024x1024xf32, #tpu.memory_space<vmem>>, vector<1024x1024xf32>
    tpu.vector_store %arg4[%swap3A, %swap3A_10], %add3A_9 {strides = array<i32>} : memref<1024x1024xf32, #tpu.memory_space<vmem>>, vector<1024x1024xf32>,
    return
  }
  func.func @transform_0(%arg0: i32) -> (i32, i32) {
    %c0_i32 = arith.constant 0 : i32
    %c0_i32_0 = arith.constant 0 : i32
    return %c0_i32, %arg0 : i32, i32
  }
  func.func @transform_1(%arg0: i32) -> (i32, i32) {
    %c0_i32 = arith.constant 0 : i32
    %c0_i32_0 = arith.constant 0 : i32
    %c0_i32_1 = arith.constant 0 : i32
    return %c0_i32, %c0_i32_0 : i32, i32
  }
  func.func @transform_2(%arg0: i32) -> (i32, i32) {
    %c0_i32 = arith.constant 0 : i32
    %c0_i32_0 = arith.constant 0 : i32
    %c0_i32_1 = arith.constant 0 : i32
    return %c0_i32, %c0_i32_0 : i32, i32
  }
  func.func @transform_3(%arg0: i32) -> (i32, i32) {
    %c0_i32 = arith.constant 0 : i32
    %c0_i32_0 = arith.constant 0 : i32
    return %c0_i32, %arg0 : i32, i32
  }
}

module attributes {stable_mosaic.version = 14 : i64} {
  func.func @body(%arg0: i32, %arg1: memref<256x10000xf32, #tpu.memory_space<vmem>>, %arg2: memref<2x256x1xf32, #tpu.memory_space<vmem>>) attributes {dimension_semantics = [#tpu.dimension_semantics<arbitrary>], iteration_bounds = array<i64: 4>, scalar_prefetch = 0 : i64, scratch_operands = 0 : i64, tpu.core_type = #tpu.core_type<tc>, window_params = [{transform_indices = @transform_0, window_bounds = array<i64: 256, 10000>}, {transform_indices = @transform_1, window_bounds = array<i64: 2, 256, 1>}]} {
    %get3A = arith.constant 0 : index
    %get3A_0 = arith.constant 0 : index
    %get3A_1 = vector.load %arg1[%get3A, %get3A_0] : memref<256x10000xf32, #tpu.memory_space<vmem>>, vector<256x10000xf32>
    %reduce_sum3A = arith.constant dense<0.000000e+00> : vector<256xf32>
    %reduce_sum3A_2 = vector.multi_reduction <add>, %get3A_1, %reduce_sum3A [1] : vector<256x10000xf32> to vector<256xf32>
    %broadcast_in_dim3A = vector.shape_cast %reduce_sum3A_2 : vector<256xf32> to vector<256x1xf32>
    %div3A = arith.constant 1.000000e+04 : f32
    %div3A_3 = vector.broadcast %div3A : f32 to vector<256x1xf32>
    %div3A_4 = arith.divf %broadcast_in_dim3A, %div3A_3 : vector<256x1xf32>
    %sub3A = vector.broadcast %div3A_4 : vector<256x1xf32> to vector<256x10000xf32>
    %sub3A_5 = arith.subf %get3A_1, %sub3A : vector<256x10000xf32>
    %integer_pow3A = arith.mulf %sub3A_5, %sub3A_5 : vector<256x10000xf32>
    %reduce_sum3A_6 = arith.constant dense<0.000000e+00> : vector<256xf32>
    %reduce_sum3A_7 = vector.multi_reduction <add>, %integer_pow3A, %reduce_sum3A_6 [1] : vector<256x10000xf32> to vector<256xf32>
    %broadcast_in_dim3A_8 = vector.shape_cast %reduce_sum3A_7 : vector<256xf32> to vector<256x1xf32>
    %div3A_9 = arith.constant 1.000000e+04 : f32
    %div3A_10 = vector.broadcast %div3A_9 : f32 to vector<256x1xf32>
    %div3A_11 = arith.divf %broadcast_in_dim3A_8, %div3A_10 : vector<256x1xf32>
    %swap3A = arith.constant 0 : index
    %swap3A_12 = arith.constant 0 : index
    %swap3A_13 = arith.constant 0 : index
    %swap3A_14 = vector.load %arg2[%swap3A, %swap3A_12, %swap3A_13] : memref<2x256x1xf32, #tpu.memory_space<vmem>>, vector<1x256x1xf32>
    %swap3A_15 = vector.shape_cast %swap3A_14 : vector<1x256x1xf32> to vector<256x1xf32>
    %swap3A_16 = vector.shape_cast %div3A_4 : vector<256x1xf32> to vector<1x256x1xf32>
    tpu.vector_store %arg2[%swap3A, %swap3A_12, %swap3A_13], %swap3A_16 {strides = array<i32>} : memref<2x256x1xf32, #tpu.memory_space<vmem>>, vector<1x256x1xf32>,
    %swap3A_17 = arith.constant 1 : index
    %swap3A_18 = arith.constant 0 : index
    %swap3A_19 = arith.constant 0 : index
    %swap3A_20 = vector.load %arg2[%swap3A_17, %swap3A_18, %swap3A_19] : memref<2x256x1xf32, #tpu.memory_space<vmem>>, vector<1x256x1xf32>
    %swap3A_21 = vector.shape_cast %swap3A_20 : vector<1x256x1xf32> to vector<256x1xf32>
    %swap3A_22 = vector.shape_cast %div3A_11 : vector<256x1xf32> to vector<1x256x1xf32>
    tpu.vector_store %arg2[%swap3A_17, %swap3A_18, %swap3A_19], %swap3A_22 {strides = array<i32>} : memref<2x256x1xf32, #tpu.memory_space<vmem>>, vector<1x256x1xf32>,
    return
  }
  func.func @transform_0(%arg0: i32) -> (i32, i32) {
    %c0_i32 = arith.constant 0 : i32
    %c0_i32_0 = arith.constant 0 : i32
    return %arg0, %c0_i32 : i32, i32
  }
  func.func @transform_1(%arg0: i32) -> (i32, i32, i32) {
    %c0_i32 = arith.constant 0 : i32
    %c0_i32_0 = arith.constant 0 : i32
    %c0_i32_1 = arith.constant 0 : i32
    return %c0_i32, %arg0, %c0_i32_0 : i32, i32, i32
  }
}

module attributes {stable_mosaic.version = 14 : i64} {
  func.func @body(%arg0: i32, %arg1: memref<1024x1024xf32, #tpu.memory_space<vmem>>, %arg2: memref<2x1024x1xf32, #tpu.memory_space<vmem>>, %arg3: memref<1024x1xf32, #tpu.memory_space<vmem>>, %arg4: memref<1024x1xf32, #tpu.memory_space<vmem>>, %arg5: memref<1024x1xf32, #tpu.memory_space<vmem>>, %arg6: memref<1024x1024xf32, #tpu.memory_space<vmem>>, %arg7: memref<1x1024xf32, #tpu.memory_space<vmem>>) attributes {dimension_semantics = [#tpu.dimension_semantics<arbitrary>], iteration_bounds = array<i64: 10>, scalar_prefetch = 0 : i64, scratch_operands = 0 : i64, tpu.core_type = #tpu.core_type<tc>, window_params = [{transform_indices = @transform_0, window_bounds = array<i64: 1024, 1024>}, {pipeline_mode = #tpu.pipeline_mode<synchronous>, transform_indices = @transform_1, window_bounds = array<i64: 2, 1024, 1>}, {pipeline_mode = #tpu.pipeline_mode<synchronous>, transform_indices = @transform_2, window_bounds = array<i64: 1024, 1>}, {pipeline_mode = #tpu.pipeline_mode<synchronous>, transform_indices = @transform_3, window_bounds = array<i64: 1024, 1>}, {pipeline_mode = #tpu.pipeline_mode<synchronous>, transform_indices = @transform_4, window_bounds = array<i64: 1024, 1>}, {transform_indices = @transform_5, window_bounds = array<i64: 1024, 1024>}, {transform_indices = @transform_6, window_bounds = array<i64: 1, 1024>}]} {
    %get3A = arith.constant 0 : index
    %get3A_0 = arith.constant 0 : index
    %get3A_1 = arith.constant 0 : index
    %get3A_2 = vector.load %arg2[%get3A, %get3A_0, %get3A_1] : memref<2x1024x1xf32, #tpu.memory_space<vmem>>, vector<1x1024x1xf32>
    %get3A_3 = vector.shape_cast %get3A_2 : vector<1x1024x1xf32> to vector<1024x1xf32>
    %get3A_4 = arith.constant 1 : index
    %get3A_5 = arith.constant 0 : index
    %get3A_6 = arith.constant 0 : index
    %get3A_7 = vector.load %arg2[%get3A_4, %get3A_5, %get3A_6] : memref<2x1024x1xf32, #tpu.memory_space<vmem>>, vector<1x1024x1xf32>
    %get3A_8 = vector.shape_cast %get3A_7 : vector<1x1024x1xf32> to vector<1024x1xf32>
    %get3A_9 = arith.constant 0 : index
    %get3A_10 = arith.constant 0 : index
    %get3A_11 = vector.load %arg1[%get3A_9, %get3A_10] : memref<1024x1024xf32, #tpu.memory_space<vmem>>, vector<1024x1024xf32>
    %sub3A = vector.broadcast %get3A_3 : vector<1024x1xf32> to vector<1024x1024xf32>
    %sub3A_12 = arith.subf %get3A_11, %sub3A : vector<1024x1024xf32>
    %add3A = arith.constant 9.99999974E-6 : f32
    %add3A_13 = vector.broadcast %add3A : f32 to vector<1024x1xf32>
    %add3A_14 = arith.addf %get3A_8, %add3A_13 : vector<1024x1xf32>
    %sqrt3A = math.sqrt %add3A_14 : vector<1024x1xf32>
    %div3A = vector.broadcast %sqrt3A : vector<1024x1xf32> to vector<1024x1024xf32>
    %div3A_15 = arith.divf %sub3A_12, %div3A : vector<1024x1024xf32>
    %get3A_16 = arith.constant 0 : index
    %get3A_17 = arith.constant 0 : index
    %get3A_18 = vector.load %arg3[%get3A_16, %get3A_17] : memref<1024x1xf32, #tpu.memory_space<vmem>>, vector<1024x1xf32>
    %mul3A = vector.broadcast %get3A_18 : vector<1024x1xf32> to vector<1024x1024xf32>
    %mul3A_19 = arith.mulf %div3A_15, %mul3A : vector<1024x1024xf32>
    %get3A_20 = arith.constant 0 : index
    %get3A_21 = arith.constant 0 : index
    %get3A_22 = vector.load %arg4[%get3A_20, %get3A_21] : memref<1024x1xf32, #tpu.memory_space<vmem>>, vector<1024x1xf32>
    %add3A_23 = vector.broadcast %get3A_22 : vector<1024x1xf32> to vector<1024x1024xf32>
    %add3A_24 = arith.addf %mul3A_19, %add3A_23 : vector<1024x1024xf32>
    %max3A = arith.constant 0.000000e+00 : f32
    %max3A_25 = vector.broadcast %max3A : f32 to vector<1024x1024xf32>
    %max3A_26 = arith.maximumf %add3A_24, %max3A_25 : vector<1024x1024xf32>
    %swap3A = arith.constant 0 : index
    %swap3A_27 = arith.constant 0 : index
    %swap3A_28 = vector.load %arg6[%swap3A, %swap3A_27] : memref<1024x1024xf32, #tpu.memory_space<vmem>>, vector<1024x1024xf32>
    tpu.vector_store %arg6[%swap3A, %swap3A_27], %max3A_26 {strides = array<i32>} : memref<1024x1024xf32, #tpu.memory_space<vmem>>, vector<1024x1024xf32>,
    %get3A_29 = arith.constant 0 : index
    %get3A_30 = arith.constant 0 : index
    %get3A_31 = vector.load %arg5[%get3A_29, %get3A_30] : memref<1024x1xf32, #tpu.memory_space<vmem>>, vector<1024x1xf32>
    %mul3A_32 = arith.mulf %get3A_31, %get3A_31 : vector<1024x1xf32>
    %reduce_sum3A = vector.shape_cast %mul3A_32 : vector<1024x1xf32> to vector<1x1024x1xf32>
    %reduce_sum3A_33 = arith.constant dense<0.000000e+00> : vector<1xf32>
    %reduce_sum3A_34 = vector.multi_reduction <add>, %reduce_sum3A, %reduce_sum3A_33 [1, 2] : vector<1x1024x1xf32> to vector<1xf32>
    %reduce_sum3A_35 = vector.shape_cast %reduce_sum3A_34 : vector<1xf32> to vector<1x1x1xf32>
    %reduce_sum3A_36 = vector.extract %reduce_sum3A_35[0, 0, 0] : f32 from vector<1x1x1xf32>
    %sqrt3A_37 = math.sqrt %reduce_sum3A_36 : f32
    %mul3A_38 = vector.broadcast %get3A_31 : vector<1024x1xf32> to vector<1024x1024xf32>
    %mul3A_39 = arith.mulf %max3A_26, %mul3A_38 : vector<1024x1024xf32>
    %reduce_sum3A_40 = arith.constant dense<0.000000e+00> : vector<1024xf32>
    %reduce_sum3A_41 = vector.multi_reduction <add>, %mul3A_39, %reduce_sum3A_40 [0] : vector<1024x1024xf32> to vector<1024xf32>
    %broadcast_in_dim3A = vector.shape_cast %reduce_sum3A_41 : vector<1024xf32> to vector<1x1024xf32>
    %div3A_42 = vector.broadcast %sqrt3A_37 : f32 to vector<1x1024xf32>
    %div3A_43 = arith.divf %broadcast_in_dim3A, %div3A_42 : vector<1x1024xf32>
    %tanh3A = math.tanh %div3A_43 : vector<1x1024xf32>
    %swap3A_44 = arith.constant 0 : index
    %swap3A_45 = arith.constant 0 : index
    %swap3A_46 = vector.load %arg7[%swap3A_44, %swap3A_45] : memref<1x1024xf32, #tpu.memory_space<vmem>>, vector<1x1024xf32>
    tpu.vector_store %arg7[%swap3A_44, %swap3A_45], %tanh3A {strides = array<i32>} : memref<1x1024xf32, #tpu.memory_space<vmem>>, vector<1x1024xf32>,
    return
  }
  func.func @transform_0(%arg0: i32) -> (i32, i32) {
    %c0_i32 = arith.constant 0 : i32
    %c0_i32_0 = arith.constant 0 : i32
    return %c0_i32, %arg0 : i32, i32
  }
  func.func @transform_1(%arg0: i32) -> (i32, i32, i32) {
    %c0_i32 = arith.constant 0 : i32
    %c0_i32_0 = arith.constant 0 : i32
    %c0_i32_1 = arith.constant 0 : i32
    %c0_i32_2 = arith.constant 0 : i32
    return %c0_i32, %c0_i32_0, %c0_i32_1 : i32, i32, i32
  }
  func.func @transform_2(%arg0: i32) -> (i32, i32) {
    %c0_i32 = arith.constant 0 : i32
    %c0_i32_0 = arith.constant 0 : i32
    %c0_i32_1 = arith.constant 0 : i32
    return %c0_i32, %c0_i32_0 : i32, i32
  }
  func.func @transform_3(%arg0: i32) -> (i32, i32) {
    %c0_i32 = arith.constant 0 : i32
    %c0_i32_0 = arith.constant 0 : i32
    %c0_i32_1 = arith.constant 0 : i32
    return %c0_i32, %c0_i32_0 : i32, i32
  }
  func.func @transform_4(%arg0: i32) -> (i32, i32) {
    %c0_i32 = arith.constant 0 : i32
    %c0_i32_0 = arith.constant 0 : i32
    %c0_i32_1 = arith.constant 0 : i32
    return %c0_i32, %c0_i32_0 : i32, i32
  }
  func.func @transform_5(%arg0: i32) -> (i32, i32) {
    %c0_i32 = arith.constant 0 : i32
    %c0_i32_0 = arith.constant 0 : i32
    return %c0_i32, %arg0 : i32, i32
  }
  func.func @transform_6(%arg0: i32) -> (i32, i32) {
    %c0_i32 = arith.constant 0 : i32
    %c0_i32_0 = arith.constant 0 : i32
    return %c0_i32, %arg0 : i32, i32
  }
}

module attributes {stable_mosaic.version = 14 : i64} {
  func.func @body(%arg0: memref<1x10000xf32, #tpu.memory_space<vmem>>, %arg1: memref<10000x1xf32, #tpu.memory_space<vmem>>, %arg2: memref<1x10000xi32, #tpu.memory_space<vmem>>, %arg3: memref<10000x1xi32, #tpu.memory_space<vmem>>, %arg4: memref<10000x1xf32, #tpu.memory_space<vmem>>) attributes {dimension_semantics = [], scalar_prefetch = 0 : i64, scratch_operands = 0 : i64, tpu.core_type = #tpu.core_type<tc>} {
    %get3A = arith.constant 0 : index
    %get3A_0 = arith.constant 0 : index
    %get3A_1 = vector.load %arg0[%get3A, %get3A_0] : memref<1x10000xf32, #tpu.memory_space<vmem>>, vector<1x10000xf32>
    %get3A_2 = arith.constant 0 : index
    %get3A_3 = arith.constant 0 : index
    %get3A_4 = vector.load %arg2[%get3A_2, %get3A_3] : memref<1x10000xi32, #tpu.memory_space<vmem>>, vector<1x10000xi32>
    %iota3A = tpu.iota {dimensions = array<i32: 0>} : vector<8x10000xi32>
    %eq3A = vector.broadcast %get3A_4 : vector<1x10000xi32> to vector<8x10000xi32>
    %eq3A_5 = arith.cmpi eq, %eq3A, %iota3A : vector<8x10000xi32>
    %jit3A = arith.constant 1.000000e+00 : f32
    %jit3A_6 = arith.constant 0.000000e+00 : f32
    %broadcast_in_dim3A = vector.broadcast %jit3A : f32 to vector<8x10000xf32>
    %broadcast_in_dim3A_7 = vector.broadcast %jit3A_6 : f32 to vector<8x10000xf32>
    %select_n3A = arith.select %eq3A_5, %broadcast_in_dim3A, %broadcast_in_dim3A_7 : vector<8x10000xi1>, vector<8x10000xf32>
    %reduce_sum3A = arith.constant dense<0.000000e+00> : vector<8xf32>
    %reduce_sum3A_8 = vector.multi_reduction <add>, %select_n3A, %reduce_sum3A [1] : vector<8x10000xf32> to vector<8xf32>
    %broadcast_in_dim3A_9 = vector.shape_cast %reduce_sum3A_8 : vector<8xf32> to vector<8x1xf32>
    %mul3A = arith.constant 0.699999988 : f32
    %mul3A_10 = vector.broadcast %mul3A : f32 to vector<8x1xf32>
    %mul3A_11 = arith.mulf %mul3A_10, %broadcast_in_dim3A_9 : vector<8x1xf32>
    %ceil3A = math.ceil %mul3A_11 : vector<8x1xf32>
    %iota3A_12 = tpu.iota {dimensions = array<i32: 1>} : vector<1x10000xi32>
    %scan3A = arith.constant 0 : i32
    %scan3A_13 = arith.constant 25 : i32
    %scan3A_14 = arith.addi %scan3A, %scan3A_13 : i32
    %scan3A_15 = arith.constant 1 : i32
    scf.for %scan3A_17 = %scan3A to %scan3A_14 step %scan3A_15  : i32 {
      %mul3A_18 = arith.constant 400 : i32
      %mul3A_19 = arith.muli %scan3A_17, %mul3A_18 : i32
      %get3A_20 = arith.index_cast %mul3A_19 : i32 to index
      %get3A_21 = arith.constant 0 : index
      %get3A_22 = vector.load %arg1[%get3A_20, %get3A_21] : memref<10000x1xf32, #tpu.memory_space<vmem>>, vector<400x1xf32>
      %get3A_23 = arith.index_cast %mul3A_19 : i32 to index
      %get3A_24 = arith.constant 0 : index
      %get3A_25 = vector.load %arg3[%get3A_23, %get3A_24] : memref<10000x1xi32, #tpu.memory_space<vmem>>, vector<400x1xi32>
      %iota3A_26 = tpu.iota {dimensions = array<i32: 0>} : vector<400x1xi32>
      %add3A = vector.broadcast %mul3A_19 : i32 to vector<400x1xi32>
      %add3A_27 = arith.addi %iota3A_26, %add3A : vector<400x1xi32>
      %gt3A = vector.broadcast %get3A_1 : vector<1x10000xf32> to vector<400x10000xf32>
      %gt3A_28 = vector.broadcast %get3A_22 : vector<400x1xf32> to vector<400x10000xf32>
      %gt3A_29 = arith.cmpf ogt, %gt3A, %gt3A_28 : vector<400x10000xf32>
      %eq3A_30 = vector.broadcast %get3A_1 : vector<1x10000xf32> to vector<400x10000xf32>
      %eq3A_31 = vector.broadcast %get3A_22 : vector<400x1xf32> to vector<400x10000xf32>
      %eq3A_32 = arith.cmpf oeq, %eq3A_30, %eq3A_31 : vector<400x10000xf32>
      %lt3A = vector.broadcast %iota3A_12 : vector<1x10000xi32> to vector<400x10000xi32>
      %lt3A_33 = vector.broadcast %add3A_27 : vector<400x1xi32> to vector<400x10000xi32>
      %lt3A_34 = arith.cmpi slt, %lt3A, %lt3A_33 : vector<400x10000xi32>
      %and3A = arith.andi %eq3A_32, %lt3A_34 : vector<400x10000xi1>
      %or3A = arith.ori %gt3A_29, %and3A : vector<400x10000xi1>
      %eq3A_35 = vector.broadcast %get3A_4 : vector<1x10000xi32> to vector<400x10000xi32>
      %eq3A_36 = vector.broadcast %get3A_25 : vector<400x1xi32> to vector<400x10000xi32>
      %eq3A_37 = arith.cmpi eq, %eq3A_35, %eq3A_36 : vector<400x10000xi32>
      %and3A_38 = arith.andi %eq3A_37, %or3A : vector<400x10000xi1>
      %jit3A_39 = arith.constant 1.000000e+00 : f32
      %jit3A_40 = arith.constant 0.000000e+00 : f32
      %broadcast_in_dim3A_41 = vector.broadcast %jit3A_39 : f32 to vector<400x10000xf32>
      %broadcast_in_dim3A_42 = vector.broadcast %jit3A_40 : f32 to vector<400x10000xf32>
      %select_n3A_43 = arith.select %and3A_38, %broadcast_in_dim3A_41, %broadcast_in_dim3A_42 : vector<400x10000xi1>, vector<400x10000xf32>
      %reduce_sum3A_44 = arith.constant dense<0.000000e+00> : vector<400xf32>
      %reduce_sum3A_45 = vector.multi_reduction <add>, %select_n3A_43, %reduce_sum3A_44 [1] : vector<400x10000xf32> to vector<400xf32>
      %broadcast_in_dim3A_46 = vector.shape_cast %reduce_sum3A_45 : vector<400xf32> to vector<400x1xf32>
      %broadcast_in_dim3A_47 = arith.constant 0.000000e+00 : f32
      %broadcast_in_dim3A_48 = vector.broadcast %broadcast_in_dim3A_47 : f32 to vector<400x1xf32>
      %eq3A_49 = arith.constant 0 : i32
      %eq3A_50 = vector.broadcast %eq3A_49 : i32 to vector<400x1xi32>
      %eq3A_51 = arith.cmpi eq, %get3A_25, %eq3A_50 : vector<400x1xi32>
      %slice3A = vector.extract_strided_slice %ceil3A {offsets = [0, 0], sizes = [1, 1], strides = [1, 1]} : vector<8x1xf32> to vector<1x1xf32>
      %jit3A_52 = arith.constant 0.000000e+00 : f32
      %broadcast_in_dim3A_53 = vector.shape_cast %slice3A : vector<1x1xf32> to vector<1x1xf32>
      %broadcast_in_dim3A_54 = vector.broadcast %broadcast_in_dim3A_53 : vector<1x1xf32> to vector<400x1xf32>
      %broadcast_in_dim3A_55 = vector.broadcast %jit3A_52 : f32 to vector<400x1xf32>
      %select_n3A_56 = arith.select %eq3A_51, %broadcast_in_dim3A_54, %broadcast_in_dim3A_55 : vector<400x1xi1>, vector<400x1xf32>
      %add3A_57 = arith.addf %broadcast_in_dim3A_48, %select_n3A_56 : vector<400x1xf32>
      %eq3A_58 = arith.constant 1 : i32
      %eq3A_59 = vector.broadcast %eq3A_58 : i32 to vector<400x1xi32>
      %eq3A_60 = arith.cmpi eq, %get3A_25, %eq3A_59 : vector<400x1xi32>
      %slice3A_61 = vector.extract_strided_slice %ceil3A {offsets = [1, 0], sizes = [1, 1], strides = [1, 1]} : vector<8x1xf32> to vector<1x1xf32>
      %jit3A_62 = arith.constant 0.000000e+00 : f32
      %broadcast_in_dim3A_63 = vector.shape_cast %slice3A_61 : vector<1x1xf32> to vector<1x1xf32>
      %broadcast_in_dim3A_64 = vector.broadcast %broadcast_in_dim3A_63 : vector<1x1xf32> to vector<400x1xf32>
      %broadcast_in_dim3A_65 = vector.broadcast %jit3A_62 : f32 to vector<400x1xf32>
      %select_n3A_66 = arith.select %eq3A_60, %broadcast_in_dim3A_64, %broadcast_in_dim3A_65 : vector<400x1xi1>, vector<400x1xf32>
      %add3A_67 = arith.addf %add3A_57, %select_n3A_66 : vector<400x1xf32>
      %eq3A_68 = arith.constant 2 : i32
      %eq3A_69 = vector.broadcast %eq3A_68 : i32 to vector<400x1xi32>
      %eq3A_70 = arith.cmpi eq, %get3A_25, %eq3A_69 : vector<400x1xi32>
      %slice3A_71 = vector.extract_strided_slice %ceil3A {offsets = [2, 0], sizes = [1, 1], strides = [1, 1]} : vector<8x1xf32> to vector<1x1xf32>
      %jit3A_72 = arith.constant 0.000000e+00 : f32
      %broadcast_in_dim3A_73 = vector.shape_cast %slice3A_71 : vector<1x1xf32> to vector<1x1xf32>
      %broadcast_in_dim3A_74 = vector.broadcast %broadcast_in_dim3A_73 : vector<1x1xf32> to vector<400x1xf32>
      %broadcast_in_dim3A_75 = vector.broadcast %jit3A_72 : f32 to vector<400x1xf32>
      %select_n3A_76 = arith.select %eq3A_70, %broadcast_in_dim3A_74, %broadcast_in_dim3A_75 : vector<400x1xi1>, vector<400x1xf32>
      %add3A_77 = arith.addf %add3A_67, %select_n3A_76 : vector<400x1xf32>
      %eq3A_78 = arith.constant 3 : i32
      %eq3A_79 = vector.broadcast %eq3A_78 : i32 to vector<400x1xi32>
      %eq3A_80 = arith.cmpi eq, %get3A_25, %eq3A_79 : vector<400x1xi32>
      %slice3A_81 = vector.extract_strided_slice %ceil3A {offsets = [3, 0], sizes = [1, 1], strides = [1, 1]} : vector<8x1xf32> to vector<1x1xf32>
      %jit3A_82 = arith.constant 0.000000e+00 : f32
      %broadcast_in_dim3A_83 = vector.shape_cast %slice3A_81 : vector<1x1xf32> to vector<1x1xf32>
      %broadcast_in_dim3A_84 = vector.broadcast %broadcast_in_dim3A_83 : vector<1x1xf32> to vector<400x1xf32>
      %broadcast_in_dim3A_85 = vector.broadcast %jit3A_82 : f32 to vector<400x1xf32>
      %select_n3A_86 = arith.select %eq3A_80, %broadcast_in_dim3A_84, %broadcast_in_dim3A_85 : vector<400x1xi1>, vector<400x1xf32>
      %add3A_87 = arith.addf %add3A_77, %select_n3A_86 : vector<400x1xf32>
      %eq3A_88 = arith.constant 4 : i32
      %eq3A_89 = vector.broadcast %eq3A_88 : i32 to vector<400x1xi32>
      %eq3A_90 = arith.cmpi eq, %get3A_25, %eq3A_89 : vector<400x1xi32>
      %slice3A_91 = vector.extract_strided_slice %ceil3A {offsets = [4, 0], sizes = [1, 1], strides = [1, 1]} : vector<8x1xf32> to vector<1x1xf32>
      %jit3A_92 = arith.constant 0.000000e+00 : f32
      %broadcast_in_dim3A_93 = vector.shape_cast %slice3A_91 : vector<1x1xf32> to vector<1x1xf32>
      %broadcast_in_dim3A_94 = vector.broadcast %broadcast_in_dim3A_93 : vector<1x1xf32> to vector<400x1xf32>
      %broadcast_in_dim3A_95 = vector.broadcast %jit3A_92 : f32 to vector<400x1xf32>
      %select_n3A_96 = arith.select %eq3A_90, %broadcast_in_dim3A_94, %broadcast_in_dim3A_95 : vector<400x1xi1>, vector<400x1xf32>
      %add3A_97 = arith.addf %add3A_87, %select_n3A_96 : vector<400x1xf32>
      %eq3A_98 = arith.constant 5 : i32
      %eq3A_99 = vector.broadcast %eq3A_98 : i32 to vector<400x1xi32>
      %eq3A_100 = arith.cmpi eq, %get3A_25, %eq3A_99 : vector<400x1xi32>
      %slice3A_101 = vector.extract_strided_slice %ceil3A {offsets = [5, 0], sizes = [1, 1], strides = [1, 1]} : vector<8x1xf32> to vector<1x1xf32>
      %jit3A_102 = arith.constant 0.000000e+00 : f32
      %broadcast_in_dim3A_103 = vector.shape_cast %slice3A_101 : vector<1x1xf32> to vector<1x1xf32>
      %broadcast_in_dim3A_104 = vector.broadcast %broadcast_in_dim3A_103 : vector<1x1xf32> to vector<400x1xf32>
      %broadcast_in_dim3A_105 = vector.broadcast %jit3A_102 : f32 to vector<400x1xf32>
      %select_n3A_106 = arith.select %eq3A_100, %broadcast_in_dim3A_104, %broadcast_in_dim3A_105 : vector<400x1xi1>, vector<400x1xf32>
      %add3A_107 = arith.addf %add3A_97, %select_n3A_106 : vector<400x1xf32>
      %eq3A_108 = arith.constant 6 : i32
      %eq3A_109 = vector.broadcast %eq3A_108 : i32 to vector<400x1xi32>
      %eq3A_110 = arith.cmpi eq, %get3A_25, %eq3A_109 : vector<400x1xi32>
      %slice3A_111 = vector.extract_strided_slice %ceil3A {offsets = [6, 0], sizes = [1, 1], strides = [1, 1]} : vector<8x1xf32> to vector<1x1xf32>
      %jit3A_112 = arith.constant 0.000000e+00 : f32
      %broadcast_in_dim3A_113 = vector.shape_cast %slice3A_111 : vector<1x1xf32> to vector<1x1xf32>
      %broadcast_in_dim3A_114 = vector.broadcast %broadcast_in_dim3A_113 : vector<1x1xf32> to vector<400x1xf32>
      %broadcast_in_dim3A_115 = vector.broadcast %jit3A_112 : f32 to vector<400x1xf32>
      %select_n3A_116 = arith.select %eq3A_110, %broadcast_in_dim3A_114, %broadcast_in_dim3A_115 : vector<400x1xi1>, vector<400x1xf32>
      %add3A_117 = arith.addf %add3A_107, %select_n3A_116 : vector<400x1xf32>
      %eq3A_118 = arith.constant 7 : i32
      %eq3A_119 = vector.broadcast %eq3A_118 : i32 to vector<400x1xi32>
      %eq3A_120 = arith.cmpi eq, %get3A_25, %eq3A_119 : vector<400x1xi32>
      %slice3A_121 = vector.extract_strided_slice %ceil3A {offsets = [7, 0], sizes = [1, 1], strides = [1, 1]} : vector<8x1xf32> to vector<1x1xf32>
      %jit3A_122 = arith.constant 0.000000e+00 : f32
      %broadcast_in_dim3A_123 = vector.shape_cast %slice3A_121 : vector<1x1xf32> to vector<1x1xf32>
      %broadcast_in_dim3A_124 = vector.broadcast %broadcast_in_dim3A_123 : vector<1x1xf32> to vector<400x1xf32>
      %broadcast_in_dim3A_125 = vector.broadcast %jit3A_122 : f32 to vector<400x1xf32>
      %select_n3A_126 = arith.select %eq3A_120, %broadcast_in_dim3A_124, %broadcast_in_dim3A_125 : vector<400x1xi1>, vector<400x1xf32>
      %add3A_127 = arith.addf %add3A_117, %select_n3A_126 : vector<400x1xf32>
      %lt3A_128 = arith.cmpf olt, %broadcast_in_dim3A_46, %add3A_127 : vector<400x1xf32>
      %jit3A_129 = arith.constant 1.000000e+00 : f32
      %jit3A_130 = arith.constant 0.000000e+00 : f32
      %broadcast_in_dim3A_131 = vector.broadcast %jit3A_129 : f32 to vector<400x1xf32>
      %broadcast_in_dim3A_132 = vector.broadcast %jit3A_130 : f32 to vector<400x1xf32>
      %select_n3A_133 = arith.select %lt3A_128, %broadcast_in_dim3A_131, %broadcast_in_dim3A_132 : vector<400x1xi1>, vector<400x1xf32>
      %swap3A = arith.index_cast %mul3A_19 : i32 to index
      %swap3A_134 = arith.constant 0 : index
      %swap3A_135 = vector.load %arg4[%swap3A, %swap3A_134] : memref<10000x1xf32, #tpu.memory_space<vmem>>, vector<400x1xf32>
      tpu.vector_store %arg4[%swap3A, %swap3A_134], %select_n3A_133 {strides = array<i32>} : memref<10000x1xf32, #tpu.memory_space<vmem>>, vector<400x1xf32>,
    }
    %scan3A_16 = arith.constant 25 : i32
    return
  }
}

module attributes {stable_mosaic.version = 14 : i64} {
  func.func @body(%arg0: i32, %arg1: memref<256x10000xf32, #tpu.memory_space<vmem>>, %arg2: memref<1x10000xf32, #tpu.memory_space<vmem>>, %arg3: memref<1x10000xf32, #tpu.memory_space<vmem>>, %arg4: memref<1x10000xi32, #tpu.memory_space<vmem>>, %arg5: memref<3x256x8xf32, #tpu.memory_space<vmem>>) attributes {dimension_semantics = [#tpu.dimension_semantics<arbitrary>], iteration_bounds = array<i64: 4>, scalar_prefetch = 0 : i64, scratch_operands = 0 : i64, tpu.core_type = #tpu.core_type<tc>, window_params = [{transform_indices = @transform_0, window_bounds = array<i64: 256, 10000>}, {pipeline_mode = #tpu.pipeline_mode<synchronous>, transform_indices = @transform_1, window_bounds = array<i64: 1, 10000>}, {pipeline_mode = #tpu.pipeline_mode<synchronous>, transform_indices = @transform_2, window_bounds = array<i64: 1, 10000>}, {pipeline_mode = #tpu.pipeline_mode<synchronous>, transform_indices = @transform_3, window_bounds = array<i64: 1, 10000>}, {transform_indices = @transform_4, window_bounds = array<i64: 3, 256, 8>}]} {
    %get3A = arith.constant 0 : index
    %get3A_0 = arith.constant 0 : index
    %get3A_1 = vector.load %arg1[%get3A, %get3A_0] : memref<256x10000xf32, #tpu.memory_space<vmem>>, vector<256x10000xf32>
    %get3A_2 = arith.constant 0 : index
    %get3A_3 = arith.constant 0 : index
    %get3A_4 = vector.load %arg2[%get3A_2, %get3A_3] : memref<1x10000xf32, #tpu.memory_space<vmem>>, vector<1x10000xf32>
    %mul3A = vector.broadcast %get3A_4 : vector<1x10000xf32> to vector<256x10000xf32>
    %mul3A_5 = arith.mulf %get3A_1, %mul3A : vector<256x10000xf32>
    %get3A_6 = arith.constant 0 : index
    %get3A_7 = arith.constant 0 : index
    %get3A_8 = vector.load %arg3[%get3A_6, %get3A_7] : memref<1x10000xf32, #tpu.memory_space<vmem>>, vector<1x10000xf32>
    %gt3A = arith.constant 0.000000e+00 : f32
    %gt3A_9 = vector.broadcast %gt3A : f32 to vector<1x10000xf32>
    %gt3A_10 = arith.cmpf ogt, %get3A_8, %gt3A_9 : vector<1x10000xf32>
    %get3A_11 = arith.constant 0 : index
    %get3A_12 = arith.constant 0 : index
    %get3A_13 = vector.load %arg4[%get3A_11, %get3A_12] : memref<1x10000xi32, #tpu.memory_space<vmem>>, vector<1x10000xi32>
    %eq3A = arith.constant 0 : i32
    %eq3A_14 = vector.broadcast %eq3A : i32 to vector<1x10000xi32>
    %eq3A_15 = arith.cmpi eq, %get3A_13, %eq3A_14 : vector<1x10000xi32>
    %and3A = arith.andi %eq3A_15, %gt3A_10 : vector<1x10000xi1>
    %jit3A = arith.constant 0xFF800000 : f32
    %broadcast_in_dim3A = vector.shape_cast %and3A : vector<1x10000xi1> to vector<1x10000xi1>
    %broadcast_in_dim3A_16 = vector.broadcast %broadcast_in_dim3A : vector<1x10000xi1> to vector<256x10000xi1>
    %broadcast_in_dim3A_17 = vector.broadcast %jit3A : f32 to vector<256x10000xf32>
    %select_n3A = arith.select %broadcast_in_dim3A_16, %mul3A_5, %broadcast_in_dim3A_17 : vector<256x10000xi1>, vector<256x10000xf32>
    %reduce_max3A = arith.constant dense<0xFF800000> : vector<256xf32>
    %reduce_max3A_18 = vector.multi_reduction <maximumf>, %select_n3A, %reduce_max3A [1] : vector<256x10000xf32> to vector<256xf32>
    %broadcast_in_dim3A_19 = vector.shape_cast %reduce_max3A_18 : vector<256xf32> to vector<256x1xf32>
    %jit3A_20 = arith.constant 0.000000e+00 : f32
    %broadcast_in_dim3A_21 = vector.shape_cast %and3A : vector<1x10000xi1> to vector<1x10000xi1>
    %broadcast_in_dim3A_22 = vector.broadcast %broadcast_in_dim3A_21 : vector<1x10000xi1> to vector<256x10000xi1>
    %broadcast_in_dim3A_23 = vector.broadcast %jit3A_20 : f32 to vector<256x10000xf32>
    %select_n3A_24 = arith.select %broadcast_in_dim3A_22, %mul3A_5, %broadcast_in_dim3A_23 : vector<256x10000xi1>, vector<256x10000xf32>
    %reduce_sum3A = arith.constant dense<0.000000e+00> : vector<256xf32>
    %reduce_sum3A_25 = vector.multi_reduction <add>, %select_n3A_24, %reduce_sum3A [1] : vector<256x10000xf32> to vector<256xf32>
    %broadcast_in_dim3A_26 = vector.shape_cast %reduce_sum3A_25 : vector<256xf32> to vector<256x1xf32>
    %jit3A_27 = arith.constant 1.000000e+00 : f32
    %jit3A_28 = arith.constant 0.000000e+00 : f32
    %broadcast_in_dim3A_29 = vector.broadcast %jit3A_27 : f32 to vector<1x10000xf32>
    %broadcast_in_dim3A_30 = vector.broadcast %jit3A_28 : f32 to vector<1x10000xf32>
    %select_n3A_31 = arith.select %and3A, %broadcast_in_dim3A_29, %broadcast_in_dim3A_30 : vector<1x10000xi1>, vector<1x10000xf32>
    %reduce_sum3A_32 = vector.shape_cast %select_n3A_31 : vector<1x10000xf32> to vector<1x1x10000xf32>
    %reduce_sum3A_33 = arith.constant dense<0.000000e+00> : vector<1xf32>
    %reduce_sum3A_34 = vector.multi_reduction <add>, %reduce_sum3A_32, %reduce_sum3A_33 [1, 2] : vector<1x1x10000xf32> to vector<1xf32>
    %reduce_sum3A_35 = vector.shape_cast %reduce_sum3A_34 : vector<1xf32> to vector<1x1x1xf32>
    %reduce_sum3A_36 = vector.extract %reduce_sum3A_35[0, 0, 0] : f32 from vector<1x1x1xf32>
    %max3A = arith.constant 1.000000e+00 : f32
    %max3A_37 = arith.maximumf %reduce_sum3A_36, %max3A : f32
    %div3A = vector.broadcast %max3A_37 : f32 to vector<256x1xf32>
    %div3A_38 = arith.divf %broadcast_in_dim3A_26, %div3A : vector<256x1xf32>
    %jit3A_39 = arith.constant 0x7F800000 : f32
    %broadcast_in_dim3A_40 = vector.shape_cast %and3A : vector<1x10000xi1> to vector<1x10000xi1>
    %broadcast_in_dim3A_41 = vector.broadcast %broadcast_in_dim3A_40 : vector<1x10000xi1> to vector<256x10000xi1>
    %broadcast_in_dim3A_42 = vector.broadcast %jit3A_39 : f32 to vector<256x10000xf32>
    %select_n3A_43 = arith.select %broadcast_in_dim3A_41, %mul3A_5, %broadcast_in_dim3A_42 : vector<256x10000xi1>, vector<256x10000xf32>
    %reduce_min3A = arith.constant dense<0x7F800000> : vector<256xf32>
    %reduce_min3A_44 = vector.multi_reduction <minimumf>, %select_n3A_43, %reduce_min3A [1] : vector<256x10000xf32> to vector<256xf32>
    %broadcast_in_dim3A_45 = vector.shape_cast %reduce_min3A_44 : vector<256xf32> to vector<256x1xf32>
    %swap3A = arith.constant 0 : index
    %swap3A_46 = arith.constant 0 : index
    %swap3A_47 = arith.constant 0 : index
    %swap3A_48 = vector.load %arg5[%swap3A, %swap3A_46, %swap3A_47] : memref<3x256x8xf32, #tpu.memory_space<vmem>>, vector<1x256x1xf32>
    %swap3A_49 = vector.shape_cast %swap3A_48 : vector<1x256x1xf32> to vector<256x1xf32>
    %swap3A_50 = vector.shape_cast %broadcast_in_dim3A_19 : vector<256x1xf32> to vector<1x256x1xf32>
    tpu.vector_store %arg5[%swap3A, %swap3A_46, %swap3A_47], %swap3A_50 {strides = array<i32>} : memref<3x256x8xf32, #tpu.memory_space<vmem>>, vector<1x256x1xf32>,
    %swap3A_51 = arith.constant 1 : index
    %swap3A_52 = arith.constant 0 : index
    %swap3A_53 = arith.constant 0 : index
    %swap3A_54 = vector.load %arg5[%swap3A_51, %swap3A_52, %swap3A_53] : memref<3x256x8xf32, #tpu.memory_space<vmem>>, vector<1x256x1xf32>
    %swap3A_55 = vector.shape_cast %swap3A_54 : vector<1x256x1xf32> to vector<256x1xf32>
    %swap3A_56 = vector.shape_cast %div3A_38 : vector<256x1xf32> to vector<1x256x1xf32>
    tpu.vector_store %arg5[%swap3A_51, %swap3A_52, %swap3A_53], %swap3A_56 {strides = array<i32>} : memref<3x256x8xf32, #tpu.memory_space<vmem>>, vector<1x256x1xf32>,
    %swap3A_57 = arith.constant 2 : index
    %swap3A_58 = arith.constant 0 : index
    %swap3A_59 = arith.constant 0 : index
    %swap3A_60 = vector.load %arg5[%swap3A_57, %swap3A_58, %swap3A_59] : memref<3x256x8xf32, #tpu.memory_space<vmem>>, vector<1x256x1xf32>
    %swap3A_61 = vector.shape_cast %swap3A_60 : vector<1x256x1xf32> to vector<256x1xf32>
    %swap3A_62 = vector.shape_cast %broadcast_in_dim3A_45 : vector<256x1xf32> to vector<1x256x1xf32>
    tpu.vector_store %arg5[%swap3A_57, %swap3A_58, %swap3A_59], %swap3A_62 {strides = array<i32>} : memref<3x256x8xf32, #tpu.memory_space<vmem>>, vector<1x256x1xf32>,
    %eq3A_63 = arith.constant 1 : i32
    %eq3A_64 = vector.broadcast %eq3A_63 : i32 to vector<1x10000xi32>
    %eq3A_65 = arith.cmpi eq, %get3A_13, %eq3A_64 : vector<1x10000xi32>
    %and3A_66 = arith.andi %eq3A_65, %gt3A_10 : vector<1x10000xi1>
    %jit3A_67 = arith.constant 0xFF800000 : f32
    %broadcast_in_dim3A_68 = vector.shape_cast %and3A_66 : vector<1x10000xi1> to vector<1x10000xi1>
    %broadcast_in_dim3A_69 = vector.broadcast %broadcast_in_dim3A_68 : vector<1x10000xi1> to vector<256x10000xi1>
    %broadcast_in_dim3A_70 = vector.broadcast %jit3A_67 : f32 to vector<256x10000xf32>
    %select_n3A_71 = arith.select %broadcast_in_dim3A_69, %mul3A_5, %broadcast_in_dim3A_70 : vector<256x10000xi1>, vector<256x10000xf32>
    %reduce_max3A_72 = arith.constant dense<0xFF800000> : vector<256xf32>
    %reduce_max3A_73 = vector.multi_reduction <maximumf>, %select_n3A_71, %reduce_max3A_72 [1] : vector<256x10000xf32> to vector<256xf32>
    %broadcast_in_dim3A_74 = vector.shape_cast %reduce_max3A_73 : vector<256xf32> to vector<256x1xf32>
    %jit3A_75 = arith.constant 0.000000e+00 : f32
    %broadcast_in_dim3A_76 = vector.shape_cast %and3A_66 : vector<1x10000xi1> to vector<1x10000xi1>
    %broadcast_in_dim3A_77 = vector.broadcast %broadcast_in_dim3A_76 : vector<1x10000xi1> to vector<256x10000xi1>
    %broadcast_in_dim3A_78 = vector.broadcast %jit3A_75 : f32 to vector<256x10000xf32>
    %select_n3A_79 = arith.select %broadcast_in_dim3A_77, %mul3A_5, %broadcast_in_dim3A_78 : vector<256x10000xi1>, vector<256x10000xf32>
    %reduce_sum3A_80 = arith.constant dense<0.000000e+00> : vector<256xf32>
    %reduce_sum3A_81 = vector.multi_reduction <add>, %select_n3A_79, %reduce_sum3A_80 [1] : vector<256x10000xf32> to vector<256xf32>
    %broadcast_in_dim3A_82 = vector.shape_cast %reduce_sum3A_81 : vector<256xf32> to vector<256x1xf32>
    %jit3A_83 = arith.constant 1.000000e+00 : f32
    %jit3A_84 = arith.constant 0.000000e+00 : f32
    %broadcast_in_dim3A_85 = vector.broadcast %jit3A_83 : f32 to vector<1x10000xf32>
    %broadcast_in_dim3A_86 = vector.broadcast %jit3A_84 : f32 to vector<1x10000xf32>
    %select_n3A_87 = arith.select %and3A_66, %broadcast_in_dim3A_85, %broadcast_in_dim3A_86 : vector<1x10000xi1>, vector<1x10000xf32>
    %reduce_sum3A_88 = vector.shape_cast %select_n3A_87 : vector<1x10000xf32> to vector<1x1x10000xf32>
    %reduce_sum3A_89 = arith.constant dense<0.000000e+00> : vector<1xf32>
    %reduce_sum3A_90 = vector.multi_reduction <add>, %reduce_sum3A_88, %reduce_sum3A_89 [1, 2] : vector<1x1x10000xf32> to vector<1xf32>
    %reduce_sum3A_91 = vector.shape_cast %reduce_sum3A_90 : vector<1xf32> to vector<1x1x1xf32>
    %reduce_sum3A_92 = vector.extract %reduce_sum3A_91[0, 0, 0] : f32 from vector<1x1x1xf32>
    %max3A_93 = arith.constant 1.000000e+00 : f32
    %max3A_94 = arith.maximumf %reduce_sum3A_92, %max3A_93 : f32
    %div3A_95 = vector.broadcast %max3A_94 : f32 to vector<256x1xf32>
    %div3A_96 = arith.divf %broadcast_in_dim3A_82, %div3A_95 : vector<256x1xf32>
    %jit3A_97 = arith.constant 0x7F800000 : f32
    %broadcast_in_dim3A_98 = vector.shape_cast %and3A_66 : vector<1x10000xi1> to vector<1x10000xi1>
    %broadcast_in_dim3A_99 = vector.broadcast %broadcast_in_dim3A_98 : vector<1x10000xi1> to vector<256x10000xi1>
    %broadcast_in_dim3A_100 = vector.broadcast %jit3A_97 : f32 to vector<256x10000xf32>
    %select_n3A_101 = arith.select %broadcast_in_dim3A_99, %mul3A_5, %broadcast_in_dim3A_100 : vector<256x10000xi1>, vector<256x10000xf32>
    %reduce_min3A_102 = arith.constant dense<0x7F800000> : vector<256xf32>
    %reduce_min3A_103 = vector.multi_reduction <minimumf>, %select_n3A_101, %reduce_min3A_102 [1] : vector<256x10000xf32> to vector<256xf32>
    %broadcast_in_dim3A_104 = vector.shape_cast %reduce_min3A_103 : vector<256xf32> to vector<256x1xf32>
    %swap3A_105 = arith.constant 0 : index
    %swap3A_106 = arith.constant 0 : index
    %swap3A_107 = arith.constant 1 : index
    %swap3A_108 = vector.load %arg5[%swap3A_105, %swap3A_106, %swap3A_107] : memref<3x256x8xf32, #tpu.memory_space<vmem>>, vector<1x256x1xf32>
    %swap3A_109 = vector.shape_cast %swap3A_108 : vector<1x256x1xf32> to vector<256x1xf32>
    %swap3A_110 = vector.shape_cast %broadcast_in_dim3A_74 : vector<256x1xf32> to vector<1x256x1xf32>
    tpu.vector_store %arg5[%swap3A_105, %swap3A_106, %swap3A_107], %swap3A_110 {strides = array<i32>} : memref<3x256x8xf32, #tpu.memory_space<vmem>>, vector<1x256x1xf32>,
    %swap3A_111 = arith.constant 1 : index
    %swap3A_112 = arith.constant 0 : index
    %swap3A_113 = arith.constant 1 : index
    %swap3A_114 = vector.load %arg5[%swap3A_111, %swap3A_112, %swap3A_113] : memref<3x256x8xf32, #tpu.memory_space<vmem>>, vector<1x256x1xf32>
    %swap3A_115 = vector.shape_cast %swap3A_114 : vector<1x256x1xf32> to vector<256x1xf32>
    %swap3A_116 = vector.shape_cast %div3A_96 : vector<256x1xf32> to vector<1x256x1xf32>
    tpu.vector_store %arg5[%swap3A_111, %swap3A_112, %swap3A_113], %swap3A_116 {strides = array<i32>} : memref<3x256x8xf32, #tpu.memory_space<vmem>>, vector<1x256x1xf32>,
    %swap3A_117 = arith.constant 2 : index
    %swap3A_118 = arith.constant 0 : index
    %swap3A_119 = arith.constant 1 : index
    %swap3A_120 = vector.load %arg5[%swap3A_117, %swap3A_118, %swap3A_119] : memref<3x256x8xf32, #tpu.memory_space<vmem>>, vector<1x256x1xf32>
    %swap3A_121 = vector.shape_cast %swap3A_120 : vector<1x256x1xf32> to vector<256x1xf32>
    %swap3A_122 = vector.shape_cast %broadcast_in_dim3A_104 : vector<256x1xf32> to vector<1x256x1xf32>
    tpu.vector_store %arg5[%swap3A_117, %swap3A_118, %swap3A_119], %swap3A_122 {strides = array<i32>} : memref<3x256x8xf32, #tpu.memory_space<vmem>>, vector<1x256x1xf32>,
    %eq3A_123 = arith.constant 2 : i32
    %eq3A_124 = vector.broadcast %eq3A_123 : i32 to vector<1x10000xi32>
    %eq3A_125 = arith.cmpi eq, %get3A_13, %eq3A_124 : vector<1x10000xi32>
    %and3A_126 = arith.andi %eq3A_125, %gt3A_10 : vector<1x10000xi1>
    %jit3A_127 = arith.constant 0xFF800000 : f32
    %broadcast_in_dim3A_128 = vector.shape_cast %and3A_126 : vector<1x10000xi1> to vector<1x10000xi1>
    %broadcast_in_dim3A_129 = vector.broadcast %broadcast_in_dim3A_128 : vector<1x10000xi1> to vector<256x10000xi1>
    %broadcast_in_dim3A_130 = vector.broadcast %jit3A_127 : f32 to vector<256x10000xf32>
    %select_n3A_131 = arith.select %broadcast_in_dim3A_129, %mul3A_5, %broadcast_in_dim3A_130 : vector<256x10000xi1>, vector<256x10000xf32>
    %reduce_max3A_132 = arith.constant dense<0xFF800000> : vector<256xf32>
    %reduce_max3A_133 = vector.multi_reduction <maximumf>, %select_n3A_131, %reduce_max3A_132 [1] : vector<256x10000xf32> to vector<256xf32>
    %broadcast_in_dim3A_134 = vector.shape_cast %reduce_max3A_133 : vector<256xf32> to vector<256x1xf32>
    %jit3A_135 = arith.constant 0.000000e+00 : f32
    %broadcast_in_dim3A_136 = vector.shape_cast %and3A_126 : vector<1x10000xi1> to vector<1x10000xi1>
    %broadcast_in_dim3A_137 = vector.broadcast %broadcast_in_dim3A_136 : vector<1x10000xi1> to vector<256x10000xi1>
    %broadcast_in_dim3A_138 = vector.broadcast %jit3A_135 : f32 to vector<256x10000xf32>
    %select_n3A_139 = arith.select %broadcast_in_dim3A_137, %mul3A_5, %broadcast_in_dim3A_138 : vector<256x10000xi1>, vector<256x10000xf32>
    %reduce_sum3A_140 = arith.constant dense<0.000000e+00> : vector<256xf32>
    %reduce_sum3A_141 = vector.multi_reduction <add>, %select_n3A_139, %reduce_sum3A_140 [1] : vector<256x10000xf32> to vector<256xf32>
    %broadcast_in_dim3A_142 = vector.shape_cast %reduce_sum3A_141 : vector<256xf32> to vector<256x1xf32>
    %jit3A_143 = arith.constant 1.000000e+00 : f32
    %jit3A_144 = arith.constant 0.000000e+00 : f32
    %broadcast_in_dim3A_145 = vector.broadcast %jit3A_143 : f32 to vector<1x10000xf32>
    %broadcast_in_dim3A_146 = vector.broadcast %jit3A_144 : f32 to vector<1x10000xf32>
    %select_n3A_147 = arith.select %and3A_126, %broadcast_in_dim3A_145, %broadcast_in_dim3A_146 : vector<1x10000xi1>, vector<1x10000xf32>
    %reduce_sum3A_148 = vector.shape_cast %select_n3A_147 : vector<1x10000xf32> to vector<1x1x10000xf32>
    %reduce_sum3A_149 = arith.constant dense<0.000000e+00> : vector<1xf32>
    %reduce_sum3A_150 = vector.multi_reduction <add>, %reduce_sum3A_148, %reduce_sum3A_149 [1, 2] : vector<1x1x10000xf32> to vector<1xf32>
    %reduce_sum3A_151 = vector.shape_cast %reduce_sum3A_150 : vector<1xf32> to vector<1x1x1xf32>
    %reduce_sum3A_152 = vector.extract %reduce_sum3A_151[0, 0, 0] : f32 from vector<1x1x1xf32>
    %max3A_153 = arith.constant 1.000000e+00 : f32
    %max3A_154 = arith.maximumf %reduce_sum3A_152, %max3A_153 : f32
    %div3A_155 = vector.broadcast %max3A_154 : f32 to vector<256x1xf32>
    %div3A_156 = arith.divf %broadcast_in_dim3A_142, %div3A_155 : vector<256x1xf32>
    %jit3A_157 = arith.constant 0x7F800000 : f32
    %broadcast_in_dim3A_158 = vector.shape_cast %and3A_126 : vector<1x10000xi1> to vector<1x10000xi1>
    %broadcast_in_dim3A_159 = vector.broadcast %broadcast_in_dim3A_158 : vector<1x10000xi1> to vector<256x10000xi1>
    %broadcast_in_dim3A_160 = vector.broadcast %jit3A_157 : f32 to vector<256x10000xf32>
    %select_n3A_161 = arith.select %broadcast_in_dim3A_159, %mul3A_5, %broadcast_in_dim3A_160 : vector<256x10000xi1>, vector<256x10000xf32>
    %reduce_min3A_162 = arith.constant dense<0x7F800000> : vector<256xf32>
    %reduce_min3A_163 = vector.multi_reduction <minimumf>, %select_n3A_161, %reduce_min3A_162 [1] : vector<256x10000xf32> to vector<256xf32>
    %broadcast_in_dim3A_164 = vector.shape_cast %reduce_min3A_163 : vector<256xf32> to vector<256x1xf32>
    %swap3A_165 = arith.constant 0 : index
    %swap3A_166 = arith.constant 0 : index
    %swap3A_167 = arith.constant 2 : index
    %swap3A_168 = vector.load %arg5[%swap3A_165, %swap3A_166, %swap3A_167] : memref<3x256x8xf32, #tpu.memory_space<vmem>>, vector<1x256x1xf32>
    %swap3A_169 = vector.shape_cast %swap3A_168 : vector<1x256x1xf32> to vector<256x1xf32>
    %swap3A_170 = vector.shape_cast %broadcast_in_dim3A_134 : vector<256x1xf32> to vector<1x256x1xf32>
    tpu.vector_store %arg5[%swap3A_165, %swap3A_166, %swap3A_167], %swap3A_170 {strides = array<i32>} : memref<3x256x8xf32, #tpu.memory_space<vmem>>, vector<1x256x1xf32>,
    %swap3A_171 = arith.constant 1 : index
    %swap3A_172 = arith.constant 0 : index
    %swap3A_173 = arith.constant 2 : index
    %swap3A_174 = vector.load %arg5[%swap3A_171, %swap3A_172, %swap3A_173] : memref<3x256x8xf32, #tpu.memory_space<vmem>>, vector<1x256x1xf32>
    %swap3A_175 = vector.shape_cast %swap3A_174 : vector<1x256x1xf32> to vector<256x1xf32>
    %swap3A_176 = vector.shape_cast %div3A_156 : vector<256x1xf32> to vector<1x256x1xf32>
    tpu.vector_store %arg5[%swap3A_171, %swap3A_172, %swap3A_173], %swap3A_176 {strides = array<i32>} : memref<3x256x8xf32, #tpu.memory_space<vmem>>, vector<1x256x1xf32>,
    %swap3A_177 = arith.constant 2 : index
    %swap3A_178 = arith.constant 0 : index
    %swap3A_179 = arith.constant 2 : index
    %swap3A_180 = vector.load %arg5[%swap3A_177, %swap3A_178, %swap3A_179] : memref<3x256x8xf32, #tpu.memory_space<vmem>>, vector<1x256x1xf32>
    %swap3A_181 = vector.shape_cast %swap3A_180 : vector<1x256x1xf32> to vector<256x1xf32>
    %swap3A_182 = vector.shape_cast %broadcast_in_dim3A_164 : vector<256x1xf32> to vector<1x256x1xf32>
    tpu.vector_store %arg5[%swap3A_177, %swap3A_178, %swap3A_179], %swap3A_182 {strides = array<i32>} : memref<3x256x8xf32, #tpu.memory_space<vmem>>, vector<1x256x1xf32>,
    %eq3A_183 = arith.constant 3 : i32
    %eq3A_184 = vector.broadcast %eq3A_183 : i32 to vector<1x10000xi32>
    %eq3A_185 = arith.cmpi eq, %get3A_13, %eq3A_184 : vector<1x10000xi32>
    %and3A_186 = arith.andi %eq3A_185, %gt3A_10 : vector<1x10000xi1>
    %jit3A_187 = arith.constant 0xFF800000 : f32
    %broadcast_in_dim3A_188 = vector.shape_cast %and3A_186 : vector<1x10000xi1> to vector<1x10000xi1>
    %broadcast_in_dim3A_189 = vector.broadcast %broadcast_in_dim3A_188 : vector<1x10000xi1> to vector<256x10000xi1>
    %broadcast_in_dim3A_190 = vector.broadcast %jit3A_187 : f32 to vector<256x10000xf32>
    %select_n3A_191 = arith.select %broadcast_in_dim3A_189, %mul3A_5, %broadcast_in_dim3A_190 : vector<256x10000xi1>, vector<256x10000xf32>
    %reduce_max3A_192 = arith.constant dense<0xFF800000> : vector<256xf32>
    %reduce_max3A_193 = vector.multi_reduction <maximumf>, %select_n3A_191, %reduce_max3A_192 [1] : vector<256x10000xf32> to vector<256xf32>
    %broadcast_in_dim3A_194 = vector.shape_cast %reduce_max3A_193 : vector<256xf32> to vector<256x1xf32>
    %jit3A_195 = arith.constant 0.000000e+00 : f32
    %broadcast_in_dim3A_196 = vector.shape_cast %and3A_186 : vector<1x10000xi1> to vector<1x10000xi1>
    %broadcast_in_dim3A_197 = vector.broadcast %broadcast_in_dim3A_196 : vector<1x10000xi1> to vector<256x10000xi1>
    %broadcast_in_dim3A_198 = vector.broadcast %jit3A_195 : f32 to vector<256x10000xf32>
    %select_n3A_199 = arith.select %broadcast_in_dim3A_197, %mul3A_5, %broadcast_in_dim3A_198 : vector<256x10000xi1>, vector<256x10000xf32>
    %reduce_sum3A_200 = arith.constant dense<0.000000e+00> : vector<256xf32>
    %reduce_sum3A_201 = vector.multi_reduction <add>, %select_n3A_199, %reduce_sum3A_200 [1] : vector<256x10000xf32> to vector<256xf32>
    %broadcast_in_dim3A_202 = vector.shape_cast %reduce_sum3A_201 : vector<256xf32> to vector<256x1xf32>
    %jit3A_203 = arith.constant 1.000000e+00 : f32
    %jit3A_204 = arith.constant 0.000000e+00 : f32
    %broadcast_in_dim3A_205 = vector.broadcast %jit3A_203 : f32 to vector<1x10000xf32>
    %broadcast_in_dim3A_206 = vector.broadcast %jit3A_204 : f32 to vector<1x10000xf32>
    %select_n3A_207 = arith.select %and3A_186, %broadcast_in_dim3A_205, %broadcast_in_dim3A_206 : vector<1x10000xi1>, vector<1x10000xf32>
    %reduce_sum3A_208 = vector.shape_cast %select_n3A_207 : vector<1x10000xf32> to vector<1x1x10000xf32>
    %reduce_sum3A_209 = arith.constant dense<0.000000e+00> : vector<1xf32>
    %reduce_sum3A_210 = vector.multi_reduction <add>, %reduce_sum3A_208, %reduce_sum3A_209 [1, 2] : vector<1x1x10000xf32> to vector<1xf32>
    %reduce_sum3A_211 = vector.shape_cast %reduce_sum3A_210 : vector<1xf32> to vector<1x1x1xf32>
    %reduce_sum3A_212 = vector.extract %reduce_sum3A_211[0, 0, 0] : f32 from vector<1x1x1xf32>
    %max3A_213 = arith.constant 1.000000e+00 : f32
    %max3A_214 = arith.maximumf %reduce_sum3A_212, %max3A_213 : f32
    %div3A_215 = vector.broadcast %max3A_214 : f32 to vector<256x1xf32>
    %div3A_216 = arith.divf %broadcast_in_dim3A_202, %div3A_215 : vector<256x1xf32>
    %jit3A_217 = arith.constant 0x7F800000 : f32
    %broadcast_in_dim3A_218 = vector.shape_cast %and3A_186 : vector<1x10000xi1> to vector<1x10000xi1>
    %broadcast_in_dim3A_219 = vector.broadcast %broadcast_in_dim3A_218 : vector<1x10000xi1> to vector<256x10000xi1>
    %broadcast_in_dim3A_220 = vector.broadcast %jit3A_217 : f32 to vector<256x10000xf32>
    %select_n3A_221 = arith.select %broadcast_in_dim3A_219, %mul3A_5, %broadcast_in_dim3A_220 : vector<256x10000xi1>, vector<256x10000xf32>
    %reduce_min3A_222 = arith.constant dense<0x7F800000> : vector<256xf32>
    %reduce_min3A_223 = vector.multi_reduction <minimumf>, %select_n3A_221, %reduce_min3A_222 [1] : vector<256x10000xf32> to vector<256xf32>
    %broadcast_in_dim3A_224 = vector.shape_cast %reduce_min3A_223 : vector<256xf32> to vector<256x1xf32>
    %swap3A_225 = arith.constant 0 : index
    %swap3A_226 = arith.constant 0 : index
    %swap3A_227 = arith.constant 3 : index
    %swap3A_228 = vector.load %arg5[%swap3A_225, %swap3A_226, %swap3A_227] : memref<3x256x8xf32, #tpu.memory_space<vmem>>, vector<1x256x1xf32>
    %swap3A_229 = vector.shape_cast %swap3A_228 : vector<1x256x1xf32> to vector<256x1xf32>
    %swap3A_230 = vector.shape_cast %broadcast_in_dim3A_194 : vector<256x1xf32> to vector<1x256x1xf32>
    tpu.vector_store %arg5[%swap3A_225, %swap3A_226, %swap3A_227], %swap3A_230 {strides = array<i32>} : memref<3x256x8xf32, #tpu.memory_space<vmem>>, vector<1x256x1xf32>,
    %swap3A_231 = arith.constant 1 : index
    %swap3A_232 = arith.constant 0 : index
    %swap3A_233 = arith.constant 3 : index
    %swap3A_234 = vector.load %arg5[%swap3A_231, %swap3A_232, %swap3A_233] : memref<3x256x8xf32, #tpu.memory_space<vmem>>, vector<1x256x1xf32>
    %swap3A_235 = vector.shape_cast %swap3A_234 : vector<1x256x1xf32> to vector<256x1xf32>
    %swap3A_236 = vector.shape_cast %div3A_216 : vector<256x1xf32> to vector<1x256x1xf32>
    tpu.vector_store %arg5[%swap3A_231, %swap3A_232, %swap3A_233], %swap3A_236 {strides = array<i32>} : memref<3x256x8xf32, #tpu.memory_space<vmem>>, vector<1x256x1xf32>,
    %swap3A_237 = arith.constant 2 : index
    %swap3A_238 = arith.constant 0 : index
    %swap3A_239 = arith.constant 3 : index
    %swap3A_240 = vector.load %arg5[%swap3A_237, %swap3A_238, %swap3A_239] : memref<3x256x8xf32, #tpu.memory_space<vmem>>, vector<1x256x1xf32>
    %swap3A_241 = vector.shape_cast %swap3A_240 : vector<1x256x1xf32> to vector<256x1xf32>
    %swap3A_242 = vector.shape_cast %broadcast_in_dim3A_224 : vector<256x1xf32> to vector<1x256x1xf32>
    tpu.vector_store %arg5[%swap3A_237, %swap3A_238, %swap3A_239], %swap3A_242 {strides = array<i32>} : memref<3x256x8xf32, #tpu.memory_space<vmem>>, vector<1x256x1xf32>,
    %eq3A_243 = arith.constant 4 : i32
    %eq3A_244 = vector.broadcast %eq3A_243 : i32 to vector<1x10000xi32>
    %eq3A_245 = arith.cmpi eq, %get3A_13, %eq3A_244 : vector<1x10000xi32>
    %and3A_246 = arith.andi %eq3A_245, %gt3A_10 : vector<1x10000xi1>
    %jit3A_247 = arith.constant 0xFF800000 : f32
    %broadcast_in_dim3A_248 = vector.shape_cast %and3A_246 : vector<1x10000xi1> to vector<1x10000xi1>
    %broadcast_in_dim3A_249 = vector.broadcast %broadcast_in_dim3A_248 : vector<1x10000xi1> to vector<256x10000xi1>
    %broadcast_in_dim3A_250 = vector.broadcast %jit3A_247 : f32 to vector<256x10000xf32>
    %select_n3A_251 = arith.select %broadcast_in_dim3A_249, %mul3A_5, %broadcast_in_dim3A_250 : vector<256x10000xi1>, vector<256x10000xf32>
    %reduce_max3A_252 = arith.constant dense<0xFF800000> : vector<256xf32>
    %reduce_max3A_253 = vector.multi_reduction <maximumf>, %select_n3A_251, %reduce_max3A_252 [1] : vector<256x10000xf32> to vector<256xf32>
    %broadcast_in_dim3A_254 = vector.shape_cast %reduce_max3A_253 : vector<256xf32> to vector<256x1xf32>
    %jit3A_255 = arith.constant 0.000000e+00 : f32
    %broadcast_in_dim3A_256 = vector.shape_cast %and3A_246 : vector<1x10000xi1> to vector<1x10000xi1>
    %broadcast_in_dim3A_257 = vector.broadcast %broadcast_in_dim3A_256 : vector<1x10000xi1> to vector<256x10000xi1>
    %broadcast_in_dim3A_258 = vector.broadcast %jit3A_255 : f32 to vector<256x10000xf32>
    %select_n3A_259 = arith.select %broadcast_in_dim3A_257, %mul3A_5, %broadcast_in_dim3A_258 : vector<256x10000xi1>, vector<256x10000xf32>
    %reduce_sum3A_260 = arith.constant dense<0.000000e+00> : vector<256xf32>
    %reduce_sum3A_261 = vector.multi_reduction <add>, %select_n3A_259, %reduce_sum3A_260 [1] : vector<256x10000xf32> to vector<256xf32>
    %broadcast_in_dim3A_262 = vector.shape_cast %reduce_sum3A_261 : vector<256xf32> to vector<256x1xf32>
    %jit3A_263 = arith.constant 1.000000e+00 : f32
    %jit3A_264 = arith.constant 0.000000e+00 : f32
    %broadcast_in_dim3A_265 = vector.broadcast %jit3A_263 : f32 to vector<1x10000xf32>
    %broadcast_in_dim3A_266 = vector.broadcast %jit3A_264 : f32 to vector<1x10000xf32>
    %select_n3A_267 = arith.select %and3A_246, %broadcast_in_dim3A_265, %broadcast_in_dim3A_266 : vector<1x10000xi1>, vector<1x10000xf32>
    %reduce_sum3A_268 = vector.shape_cast %select_n3A_267 : vector<1x10000xf32> to vector<1x1x10000xf32>
    %reduce_sum3A_269 = arith.constant dense<0.000000e+00> : vector<1xf32>
    %reduce_sum3A_270 = vector.multi_reduction <add>, %reduce_sum3A_268, %reduce_sum3A_269 [1, 2] : vector<1x1x10000xf32> to vector<1xf32>
    %reduce_sum3A_271 = vector.shape_cast %reduce_sum3A_270 : vector<1xf32> to vector<1x1x1xf32>
    %reduce_sum3A_272 = vector.extract %reduce_sum3A_271[0, 0, 0] : f32 from vector<1x1x1xf32>
    %max3A_273 = arith.constant 1.000000e+00 : f32
    %max3A_274 = arith.maximumf %reduce_sum3A_272, %max3A_273 : f32
    %div3A_275 = vector.broadcast %max3A_274 : f32 to vector<256x1xf32>
    %div3A_276 = arith.divf %broadcast_in_dim3A_262, %div3A_275 : vector<256x1xf32>
    %jit3A_277 = arith.constant 0x7F800000 : f32
    %broadcast_in_dim3A_278 = vector.shape_cast %and3A_246 : vector<1x10000xi1> to vector<1x10000xi1>
    %broadcast_in_dim3A_279 = vector.broadcast %broadcast_in_dim3A_278 : vector<1x10000xi1> to vector<256x10000xi1>
    %broadcast_in_dim3A_280 = vector.broadcast %jit3A_277 : f32 to vector<256x10000xf32>
    %select_n3A_281 = arith.select %broadcast_in_dim3A_279, %mul3A_5, %broadcast_in_dim3A_280 : vector<256x10000xi1>, vector<256x10000xf32>
    %reduce_min3A_282 = arith.constant dense<0x7F800000> : vector<256xf32>
    %reduce_min3A_283 = vector.multi_reduction <minimumf>, %select_n3A_281, %reduce_min3A_282 [1] : vector<256x10000xf32> to vector<256xf32>
    %broadcast_in_dim3A_284 = vector.shape_cast %reduce_min3A_283 : vector<256xf32> to vector<256x1xf32>
    %swap3A_285 = arith.constant 0 : index
    %swap3A_286 = arith.constant 0 : index
    %swap3A_287 = arith.constant 4 : index
    %swap3A_288 = vector.load %arg5[%swap3A_285, %swap3A_286, %swap3A_287] : memref<3x256x8xf32, #tpu.memory_space<vmem>>, vector<1x256x1xf32>
    %swap3A_289 = vector.shape_cast %swap3A_288 : vector<1x256x1xf32> to vector<256x1xf32>
    %swap3A_290 = vector.shape_cast %broadcast_in_dim3A_254 : vector<256x1xf32> to vector<1x256x1xf32>
    tpu.vector_store %arg5[%swap3A_285, %swap3A_286, %swap3A_287], %swap3A_290 {strides = array<i32>} : memref<3x256x8xf32, #tpu.memory_space<vmem>>, vector<1x256x1xf32>,
    %swap3A_291 = arith.constant 1 : index
    %swap3A_292 = arith.constant 0 : index
    %swap3A_293 = arith.constant 4 : index
    %swap3A_294 = vector.load %arg5[%swap3A_291, %swap3A_292, %swap3A_293] : memref<3x256x8xf32, #tpu.memory_space<vmem>>, vector<1x256x1xf32>
    %swap3A_295 = vector.shape_cast %swap3A_294 : vector<1x256x1xf32> to vector<256x1xf32>
    %swap3A_296 = vector.shape_cast %div3A_276 : vector<256x1xf32> to vector<1x256x1xf32>
    tpu.vector_store %arg5[%swap3A_291, %swap3A_292, %swap3A_293], %swap3A_296 {strides = array<i32>} : memref<3x256x8xf32, #tpu.memory_space<vmem>>, vector<1x256x1xf32>,
    %swap3A_297 = arith.constant 2 : index
    %swap3A_298 = arith.constant 0 : index
    %swap3A_299 = arith.constant 4 : index
    %swap3A_300 = vector.load %arg5[%swap3A_297, %swap3A_298, %swap3A_299] : memref<3x256x8xf32, #tpu.memory_space<vmem>>, vector<1x256x1xf32>
    %swap3A_301 = vector.shape_cast %swap3A_300 : vector<1x256x1xf32> to vector<256x1xf32>
    %swap3A_302 = vector.shape_cast %broadcast_in_dim3A_284 : vector<256x1xf32> to vector<1x256x1xf32>
    tpu.vector_store %arg5[%swap3A_297, %swap3A_298, %swap3A_299], %swap3A_302 {strides = array<i32>} : memref<3x256x8xf32, #tpu.memory_space<vmem>>, vector<1x256x1xf32>,
    %eq3A_303 = arith.constant 5 : i32
    %eq3A_304 = vector.broadcast %eq3A_303 : i32 to vector<1x10000xi32>
    %eq3A_305 = arith.cmpi eq, %get3A_13, %eq3A_304 : vector<1x10000xi32>
    %and3A_306 = arith.andi %eq3A_305, %gt3A_10 : vector<1x10000xi1>
    %jit3A_307 = arith.constant 0xFF800000 : f32
    %broadcast_in_dim3A_308 = vector.shape_cast %and3A_306 : vector<1x10000xi1> to vector<1x10000xi1>
    %broadcast_in_dim3A_309 = vector.broadcast %broadcast_in_dim3A_308 : vector<1x10000xi1> to vector<256x10000xi1>
    %broadcast_in_dim3A_310 = vector.broadcast %jit3A_307 : f32 to vector<256x10000xf32>
    %select_n3A_311 = arith.select %broadcast_in_dim3A_309, %mul3A_5, %broadcast_in_dim3A_310 : vector<256x10000xi1>, vector<256x10000xf32>
    %reduce_max3A_312 = arith.constant dense<0xFF800000> : vector<256xf32>
    %reduce_max3A_313 = vector.multi_reduction <maximumf>, %select_n3A_311, %reduce_max3A_312 [1] : vector<256x10000xf32> to vector<256xf32>
    %broadcast_in_dim3A_314 = vector.shape_cast %reduce_max3A_313 : vector<256xf32> to vector<256x1xf32>
    %jit3A_315 = arith.constant 0.000000e+00 : f32
    %broadcast_in_dim3A_316 = vector.shape_cast %and3A_306 : vector<1x10000xi1> to vector<1x10000xi1>
    %broadcast_in_dim3A_317 = vector.broadcast %broadcast_in_dim3A_316 : vector<1x10000xi1> to vector<256x10000xi1>
    %broadcast_in_dim3A_318 = vector.broadcast %jit3A_315 : f32 to vector<256x10000xf32>
    %select_n3A_319 = arith.select %broadcast_in_dim3A_317, %mul3A_5, %broadcast_in_dim3A_318 : vector<256x10000xi1>, vector<256x10000xf32>
    %reduce_sum3A_320 = arith.constant dense<0.000000e+00> : vector<256xf32>
    %reduce_sum3A_321 = vector.multi_reduction <add>, %select_n3A_319, %reduce_sum3A_320 [1] : vector<256x10000xf32> to vector<256xf32>
    %broadcast_in_dim3A_322 = vector.shape_cast %reduce_sum3A_321 : vector<256xf32> to vector<256x1xf32>
    %jit3A_323 = arith.constant 1.000000e+00 : f32
    %jit3A_324 = arith.constant 0.000000e+00 : f32
    %broadcast_in_dim3A_325 = vector.broadcast %jit3A_323 : f32 to vector<1x10000xf32>
    %broadcast_in_dim3A_326 = vector.broadcast %jit3A_324 : f32 to vector<1x10000xf32>
    %select_n3A_327 = arith.select %and3A_306, %broadcast_in_dim3A_325, %broadcast_in_dim3A_326 : vector<1x10000xi1>, vector<1x10000xf32>
    %reduce_sum3A_328 = vector.shape_cast %select_n3A_327 : vector<1x10000xf32> to vector<1x1x10000xf32>
    %reduce_sum3A_329 = arith.constant dense<0.000000e+00> : vector<1xf32>
    %reduce_sum3A_330 = vector.multi_reduction <add>, %reduce_sum3A_328, %reduce_sum3A_329 [1, 2] : vector<1x1x10000xf32> to vector<1xf32>
    %reduce_sum3A_331 = vector.shape_cast %reduce_sum3A_330 : vector<1xf32> to vector<1x1x1xf32>
    %reduce_sum3A_332 = vector.extract %reduce_sum3A_331[0, 0, 0] : f32 from vector<1x1x1xf32>
    %max3A_333 = arith.constant 1.000000e+00 : f32
    %max3A_334 = arith.maximumf %reduce_sum3A_332, %max3A_333 : f32
    %div3A_335 = vector.broadcast %max3A_334 : f32 to vector<256x1xf32>
    %div3A_336 = arith.divf %broadcast_in_dim3A_322, %div3A_335 : vector<256x1xf32>
    %jit3A_337 = arith.constant 0x7F800000 : f32
    %broadcast_in_dim3A_338 = vector.shape_cast %and3A_306 : vector<1x10000xi1> to vector<1x10000xi1>
    %broadcast_in_dim3A_339 = vector.broadcast %broadcast_in_dim3A_338 : vector<1x10000xi1> to vector<256x10000xi1>
    %broadcast_in_dim3A_340 = vector.broadcast %jit3A_337 : f32 to vector<256x10000xf32>
    %select_n3A_341 = arith.select %broadcast_in_dim3A_339, %mul3A_5, %broadcast_in_dim3A_340 : vector<256x10000xi1>, vector<256x10000xf32>
    %reduce_min3A_342 = arith.constant dense<0x7F800000> : vector<256xf32>
    %reduce_min3A_343 = vector.multi_reduction <minimumf>, %select_n3A_341, %reduce_min3A_342 [1] : vector<256x10000xf32> to vector<256xf32>
    %broadcast_in_dim3A_344 = vector.shape_cast %reduce_min3A_343 : vector<256xf32> to vector<256x1xf32>
    %swap3A_345 = arith.constant 0 : index
    %swap3A_346 = arith.constant 0 : index
    %swap3A_347 = arith.constant 5 : index
    %swap3A_348 = vector.load %arg5[%swap3A_345, %swap3A_346, %swap3A_347] : memref<3x256x8xf32, #tpu.memory_space<vmem>>, vector<1x256x1xf32>
    %swap3A_349 = vector.shape_cast %swap3A_348 : vector<1x256x1xf32> to vector<256x1xf32>
    %swap3A_350 = vector.shape_cast %broadcast_in_dim3A_314 : vector<256x1xf32> to vector<1x256x1xf32>
    tpu.vector_store %arg5[%swap3A_345, %swap3A_346, %swap3A_347], %swap3A_350 {strides = array<i32>} : memref<3x256x8xf32, #tpu.memory_space<vmem>>, vector<1x256x1xf32>,
    %swap3A_351 = arith.constant 1 : index
    %swap3A_352 = arith.constant 0 : index
    %swap3A_353 = arith.constant 5 : index
    %swap3A_354 = vector.load %arg5[%swap3A_351, %swap3A_352, %swap3A_353] : memref<3x256x8xf32, #tpu.memory_space<vmem>>, vector<1x256x1xf32>
    %swap3A_355 = vector.shape_cast %swap3A_354 : vector<1x256x1xf32> to vector<256x1xf32>
    %swap3A_356 = vector.shape_cast %div3A_336 : vector<256x1xf32> to vector<1x256x1xf32>
    tpu.vector_store %arg5[%swap3A_351, %swap3A_352, %swap3A_353], %swap3A_356 {strides = array<i32>} : memref<3x256x8xf32, #tpu.memory_space<vmem>>, vector<1x256x1xf32>,
    %swap3A_357 = arith.constant 2 : index
    %swap3A_358 = arith.constant 0 : index
    %swap3A_359 = arith.constant 5 : index
    %swap3A_360 = vector.load %arg5[%swap3A_357, %swap3A_358, %swap3A_359] : memref<3x256x8xf32, #tpu.memory_space<vmem>>, vector<1x256x1xf32>
    %swap3A_361 = vector.shape_cast %swap3A_360 : vector<1x256x1xf32> to vector<256x1xf32>
    %swap3A_362 = vector.shape_cast %broadcast_in_dim3A_344 : vector<256x1xf32> to vector<1x256x1xf32>
    tpu.vector_store %arg5[%swap3A_357, %swap3A_358, %swap3A_359], %swap3A_362 {strides = array<i32>} : memref<3x256x8xf32, #tpu.memory_space<vmem>>, vector<1x256x1xf32>,
    %eq3A_363 = arith.constant 6 : i32
    %eq3A_364 = vector.broadcast %eq3A_363 : i32 to vector<1x10000xi32>
    %eq3A_365 = arith.cmpi eq, %get3A_13, %eq3A_364 : vector<1x10000xi32>
    %and3A_366 = arith.andi %eq3A_365, %gt3A_10 : vector<1x10000xi1>
    %jit3A_367 = arith.constant 0xFF800000 : f32
    %broadcast_in_dim3A_368 = vector.shape_cast %and3A_366 : vector<1x10000xi1> to vector<1x10000xi1>
    %broadcast_in_dim3A_369 = vector.broadcast %broadcast_in_dim3A_368 : vector<1x10000xi1> to vector<256x10000xi1>
    %broadcast_in_dim3A_370 = vector.broadcast %jit3A_367 : f32 to vector<256x10000xf32>
    %select_n3A_371 = arith.select %broadcast_in_dim3A_369, %mul3A_5, %broadcast_in_dim3A_370 : vector<256x10000xi1>, vector<256x10000xf32>
    %reduce_max3A_372 = arith.constant dense<0xFF800000> : vector<256xf32>
    %reduce_max3A_373 = vector.multi_reduction <maximumf>, %select_n3A_371, %reduce_max3A_372 [1] : vector<256x10000xf32> to vector<256xf32>
    %broadcast_in_dim3A_374 = vector.shape_cast %reduce_max3A_373 : vector<256xf32> to vector<256x1xf32>
    %jit3A_375 = arith.constant 0.000000e+00 : f32
    %broadcast_in_dim3A_376 = vector.shape_cast %and3A_366 : vector<1x10000xi1> to vector<1x10000xi1>
    %broadcast_in_dim3A_377 = vector.broadcast %broadcast_in_dim3A_376 : vector<1x10000xi1> to vector<256x10000xi1>
    %broadcast_in_dim3A_378 = vector.broadcast %jit3A_375 : f32 to vector<256x10000xf32>
    %select_n3A_379 = arith.select %broadcast_in_dim3A_377, %mul3A_5, %broadcast_in_dim3A_378 : vector<256x10000xi1>, vector<256x10000xf32>
    %reduce_sum3A_380 = arith.constant dense<0.000000e+00> : vector<256xf32>
    %reduce_sum3A_381 = vector.multi_reduction <add>, %select_n3A_379, %reduce_sum3A_380 [1] : vector<256x10000xf32> to vector<256xf32>
    %broadcast_in_dim3A_382 = vector.shape_cast %reduce_sum3A_381 : vector<256xf32> to vector<256x1xf32>
    %jit3A_383 = arith.constant 1.000000e+00 : f32
    %jit3A_384 = arith.constant 0.000000e+00 : f32
    %broadcast_in_dim3A_385 = vector.broadcast %jit3A_383 : f32 to vector<1x10000xf32>
    %broadcast_in_dim3A_386 = vector.broadcast %jit3A_384 : f32 to vector<1x10000xf32>
    %select_n3A_387 = arith.select %and3A_366, %broadcast_in_dim3A_385, %broadcast_in_dim3A_386 : vector<1x10000xi1>, vector<1x10000xf32>
    %reduce_sum3A_388 = vector.shape_cast %select_n3A_387 : vector<1x10000xf32> to vector<1x1x10000xf32>
    %reduce_sum3A_389 = arith.constant dense<0.000000e+00> : vector<1xf32>
    %reduce_sum3A_390 = vector.multi_reduction <add>, %reduce_sum3A_388, %reduce_sum3A_389 [1, 2] : vector<1x1x10000xf32> to vector<1xf32>
    %reduce_sum3A_391 = vector.shape_cast %reduce_sum3A_390 : vector<1xf32> to vector<1x1x1xf32>
    %reduce_sum3A_392 = vector.extract %reduce_sum3A_391[0, 0, 0] : f32 from vector<1x1x1xf32>
    %max3A_393 = arith.constant 1.000000e+00 : f32
    %max3A_394 = arith.maximumf %reduce_sum3A_392, %max3A_393 : f32
    %div3A_395 = vector.broadcast %max3A_394 : f32 to vector<256x1xf32>
    %div3A_396 = arith.divf %broadcast_in_dim3A_382, %div3A_395 : vector<256x1xf32>
    %jit3A_397 = arith.constant 0x7F800000 : f32
    %broadcast_in_dim3A_398 = vector.shape_cast %and3A_366 : vector<1x10000xi1> to vector<1x10000xi1>
    %broadcast_in_dim3A_399 = vector.broadcast %broadcast_in_dim3A_398 : vector<1x10000xi1> to vector<256x10000xi1>
    %broadcast_in_dim3A_400 = vector.broadcast %jit3A_397 : f32 to vector<256x10000xf32>
    %select_n3A_401 = arith.select %broadcast_in_dim3A_399, %mul3A_5, %broadcast_in_dim3A_400 : vector<256x10000xi1>, vector<256x10000xf32>
    %reduce_min3A_402 = arith.constant dense<0x7F800000> : vector<256xf32>
    %reduce_min3A_403 = vector.multi_reduction <minimumf>, %select_n3A_401, %reduce_min3A_402 [1] : vector<256x10000xf32> to vector<256xf32>
    %broadcast_in_dim3A_404 = vector.shape_cast %reduce_min3A_403 : vector<256xf32> to vector<256x1xf32>
    %swap3A_405 = arith.constant 0 : index
    %swap3A_406 = arith.constant 0 : index
    %swap3A_407 = arith.constant 6 : index
    %swap3A_408 = vector.load %arg5[%swap3A_405, %swap3A_406, %swap3A_407] : memref<3x256x8xf32, #tpu.memory_space<vmem>>, vector<1x256x1xf32>
    %swap3A_409 = vector.shape_cast %swap3A_408 : vector<1x256x1xf32> to vector<256x1xf32>
    %swap3A_410 = vector.shape_cast %broadcast_in_dim3A_374 : vector<256x1xf32> to vector<1x256x1xf32>
    tpu.vector_store %arg5[%swap3A_405, %swap3A_406, %swap3A_407], %swap3A_410 {strides = array<i32>} : memref<3x256x8xf32, #tpu.memory_space<vmem>>, vector<1x256x1xf32>,
    %swap3A_411 = arith.constant 1 : index
    %swap3A_412 = arith.constant 0 : index
    %swap3A_413 = arith.constant 6 : index
    %swap3A_414 = vector.load %arg5[%swap3A_411, %swap3A_412, %swap3A_413] : memref<3x256x8xf32, #tpu.memory_space<vmem>>, vector<1x256x1xf32>
    %swap3A_415 = vector.shape_cast %swap3A_414 : vector<1x256x1xf32> to vector<256x1xf32>
    %swap3A_416 = vector.shape_cast %div3A_396 : vector<256x1xf32> to vector<1x256x1xf32>
    tpu.vector_store %arg5[%swap3A_411, %swap3A_412, %swap3A_413], %swap3A_416 {strides = array<i32>} : memref<3x256x8xf32, #tpu.memory_space<vmem>>, vector<1x256x1xf32>,
    %swap3A_417 = arith.constant 2 : index
    %swap3A_418 = arith.constant 0 : index
    %swap3A_419 = arith.constant 6 : index
    %swap3A_420 = vector.load %arg5[%swap3A_417, %swap3A_418, %swap3A_419] : memref<3x256x8xf32, #tpu.memory_space<vmem>>, vector<1x256x1xf32>
    %swap3A_421 = vector.shape_cast %swap3A_420 : vector<1x256x1xf32> to vector<256x1xf32>
    %swap3A_422 = vector.shape_cast %broadcast_in_dim3A_404 : vector<256x1xf32> to vector<1x256x1xf32>
    tpu.vector_store %arg5[%swap3A_417, %swap3A_418, %swap3A_419], %swap3A_422 {strides = array<i32>} : memref<3x256x8xf32, #tpu.memory_space<vmem>>, vector<1x256x1xf32>,
    %eq3A_423 = arith.constant 7 : i32
    %eq3A_424 = vector.broadcast %eq3A_423 : i32 to vector<1x10000xi32>
    %eq3A_425 = arith.cmpi eq, %get3A_13, %eq3A_424 : vector<1x10000xi32>
    %and3A_426 = arith.andi %eq3A_425, %gt3A_10 : vector<1x10000xi1>
    %jit3A_427 = arith.constant 0xFF800000 : f32
    %broadcast_in_dim3A_428 = vector.shape_cast %and3A_426 : vector<1x10000xi1> to vector<1x10000xi1>
    %broadcast_in_dim3A_429 = vector.broadcast %broadcast_in_dim3A_428 : vector<1x10000xi1> to vector<256x10000xi1>
    %broadcast_in_dim3A_430 = vector.broadcast %jit3A_427 : f32 to vector<256x10000xf32>
    %select_n3A_431 = arith.select %broadcast_in_dim3A_429, %mul3A_5, %broadcast_in_dim3A_430 : vector<256x10000xi1>, vector<256x10000xf32>
    %reduce_max3A_432 = arith.constant dense<0xFF800000> : vector<256xf32>
    %reduce_max3A_433 = vector.multi_reduction <maximumf>, %select_n3A_431, %reduce_max3A_432 [1] : vector<256x10000xf32> to vector<256xf32>
    %broadcast_in_dim3A_434 = vector.shape_cast %reduce_max3A_433 : vector<256xf32> to vector<256x1xf32>
    %jit3A_435 = arith.constant 0.000000e+00 : f32
    %broadcast_in_dim3A_436 = vector.shape_cast %and3A_426 : vector<1x10000xi1> to vector<1x10000xi1>
    %broadcast_in_dim3A_437 = vector.broadcast %broadcast_in_dim3A_436 : vector<1x10000xi1> to vector<256x10000xi1>
    %broadcast_in_dim3A_438 = vector.broadcast %jit3A_435 : f32 to vector<256x10000xf32>
    %select_n3A_439 = arith.select %broadcast_in_dim3A_437, %mul3A_5, %broadcast_in_dim3A_438 : vector<256x10000xi1>, vector<256x10000xf32>
    %reduce_sum3A_440 = arith.constant dense<0.000000e+00> : vector<256xf32>
    %reduce_sum3A_441 = vector.multi_reduction <add>, %select_n3A_439, %reduce_sum3A_440 [1] : vector<256x10000xf32> to vector<256xf32>
    %broadcast_in_dim3A_442 = vector.shape_cast %reduce_sum3A_441 : vector<256xf32> to vector<256x1xf32>
    %jit3A_443 = arith.constant 1.000000e+00 : f32
    %jit3A_444 = arith.constant 0.000000e+00 : f32
    %broadcast_in_dim3A_445 = vector.broadcast %jit3A_443 : f32 to vector<1x10000xf32>
    %broadcast_in_dim3A_446 = vector.broadcast %jit3A_444 : f32 to vector<1x10000xf32>
    %select_n3A_447 = arith.select %and3A_426, %broadcast_in_dim3A_445, %broadcast_in_dim3A_446 : vector<1x10000xi1>, vector<1x10000xf32>
    %reduce_sum3A_448 = vector.shape_cast %select_n3A_447 : vector<1x10000xf32> to vector<1x1x10000xf32>
    %reduce_sum3A_449 = arith.constant dense<0.000000e+00> : vector<1xf32>
    %reduce_sum3A_450 = vector.multi_reduction <add>, %reduce_sum3A_448, %reduce_sum3A_449 [1, 2] : vector<1x1x10000xf32> to vector<1xf32>
    %reduce_sum3A_451 = vector.shape_cast %reduce_sum3A_450 : vector<1xf32> to vector<1x1x1xf32>
    %reduce_sum3A_452 = vector.extract %reduce_sum3A_451[0, 0, 0] : f32 from vector<1x1x1xf32>
    %max3A_453 = arith.constant 1.000000e+00 : f32
    %max3A_454 = arith.maximumf %reduce_sum3A_452, %max3A_453 : f32
    %div3A_455 = vector.broadcast %max3A_454 : f32 to vector<256x1xf32>
    %div3A_456 = arith.divf %broadcast_in_dim3A_442, %div3A_455 : vector<256x1xf32>
    %jit3A_457 = arith.constant 0x7F800000 : f32
    %broadcast_in_dim3A_458 = vector.shape_cast %and3A_426 : vector<1x10000xi1> to vector<1x10000xi1>
    %broadcast_in_dim3A_459 = vector.broadcast %broadcast_in_dim3A_458 : vector<1x10000xi1> to vector<256x10000xi1>
    %broadcast_in_dim3A_460 = vector.broadcast %jit3A_457 : f32 to vector<256x10000xf32>
    %select_n3A_461 = arith.select %broadcast_in_dim3A_459, %mul3A_5, %broadcast_in_dim3A_460 : vector<256x10000xi1>, vector<256x10000xf32>
    %reduce_min3A_462 = arith.constant dense<0x7F800000> : vector<256xf32>
    %reduce_min3A_463 = vector.multi_reduction <minimumf>, %select_n3A_461, %reduce_min3A_462 [1] : vector<256x10000xf32> to vector<256xf32>
    %broadcast_in_dim3A_464 = vector.shape_cast %reduce_min3A_463 : vector<256xf32> to vector<256x1xf32>
    %swap3A_465 = arith.constant 0 : index
    %swap3A_466 = arith.constant 0 : index
    %swap3A_467 = arith.constant 7 : index
    %swap3A_468 = vector.load %arg5[%swap3A_465, %swap3A_466, %swap3A_467] : memref<3x256x8xf32, #tpu.memory_space<vmem>>, vector<1x256x1xf32>
    %swap3A_469 = vector.shape_cast %swap3A_468 : vector<1x256x1xf32> to vector<256x1xf32>
    %swap3A_470 = vector.shape_cast %broadcast_in_dim3A_434 : vector<256x1xf32> to vector<1x256x1xf32>
    tpu.vector_store %arg5[%swap3A_465, %swap3A_466, %swap3A_467], %swap3A_470 {strides = array<i32>} : memref<3x256x8xf32, #tpu.memory_space<vmem>>, vector<1x256x1xf32>,
    %swap3A_471 = arith.constant 1 : index
    %swap3A_472 = arith.constant 0 : index
    %swap3A_473 = arith.constant 7 : index
    %swap3A_474 = vector.load %arg5[%swap3A_471, %swap3A_472, %swap3A_473] : memref<3x256x8xf32, #tpu.memory_space<vmem>>, vector<1x256x1xf32>
    %swap3A_475 = vector.shape_cast %swap3A_474 : vector<1x256x1xf32> to vector<256x1xf32>
    %swap3A_476 = vector.shape_cast %div3A_456 : vector<256x1xf32> to vector<1x256x1xf32>
    tpu.vector_store %arg5[%swap3A_471, %swap3A_472, %swap3A_473], %swap3A_476 {strides = array<i32>} : memref<3x256x8xf32, #tpu.memory_space<vmem>>, vector<1x256x1xf32>,
    %swap3A_477 = arith.constant 2 : index
    %swap3A_478 = arith.constant 0 : index
    %swap3A_479 = arith.constant 7 : index
    %swap3A_480 = vector.load %arg5[%swap3A_477, %swap3A_478, %swap3A_479] : memref<3x256x8xf32, #tpu.memory_space<vmem>>, vector<1x256x1xf32>
    %swap3A_481 = vector.shape_cast %swap3A_480 : vector<1x256x1xf32> to vector<256x1xf32>
    %swap3A_482 = vector.shape_cast %broadcast_in_dim3A_464 : vector<256x1xf32> to vector<1x256x1xf32>
    tpu.vector_store %arg5[%swap3A_477, %swap3A_478, %swap3A_479], %swap3A_482 {strides = array<i32>} : memref<3x256x8xf32, #tpu.memory_space<vmem>>, vector<1x256x1xf32>,
    return
  }
  func.func @transform_0(%arg0: i32) -> (i32, i32) {
    %c0_i32 = arith.constant 0 : i32
    %c0_i32_0 = arith.constant 0 : i32
    return %arg0, %c0_i32 : i32, i32
  }
  func.func @transform_1(%arg0: i32) -> (i32, i32) {
    %c0_i32 = arith.constant 0 : i32
    %c0_i32_0 = arith.constant 0 : i32
    %c0_i32_1 = arith.constant 0 : i32
    return %c0_i32, %c0_i32_0 : i32, i32
  }
  func.func @transform_2(%arg0: i32) -> (i32, i32) {
    %c0_i32 = arith.constant 0 : i32
    %c0_i32_0 = arith.constant 0 : i32
    %c0_i32_1 = arith.constant 0 : i32
    return %c0_i32, %c0_i32_0 : i32, i32
  }
  func.func @transform_3(%arg0: i32) -> (i32, i32) {
    %c0_i32 = arith.constant 0 : i32
    %c0_i32_0 = arith.constant 0 : i32
    %c0_i32_1 = arith.constant 0 : i32
    return %c0_i32, %c0_i32_0 : i32, i32
  }
  func.func @transform_4(%arg0: i32) -> (i32, i32, i32) {
    %c0_i32 = arith.constant 0 : i32
    %c0_i32_0 = arith.constant 0 : i32
    %c0_i32_1 = arith.constant 0 : i32
    return %c0_i32, %arg0, %c0_i32_0 : i32, i32, i32
  }
}

module attributes {stable_mosaic.version = 14 : i64} {
  func.func @body(%arg0: memref<8x3072xf32, #tpu.memory_space<vmem>>, %arg1: memref<3072x512xf32, #tpu.memory_space<vmem>>, %arg2: memref<1x512xf32, #tpu.memory_space<vmem>>, %arg3: memref<1x512xf32, #tpu.memory_space<vmem>>, %arg4: memref<1x512xf32, #tpu.memory_space<vmem>>, %arg5: memref<512x256xf32, #tpu.memory_space<vmem>>, %arg6: memref<1x256xf32, #tpu.memory_space<vmem>>, %arg7: memref<1x256xf32, #tpu.memory_space<vmem>>, %arg8: memref<1x256xf32, #tpu.memory_space<vmem>>, %arg9: memref<256x2xf32, #tpu.memory_space<vmem>>, %arg10: memref<1x2xf32, #tpu.memory_space<vmem>>, %arg11: memref<8x2xf32, #tpu.memory_space<vmem>>) attributes {dimension_semantics = [], scalar_prefetch = 0 : i64, scratch_operands = 0 : i64, tpu.core_type = #tpu.core_type<tc>} {
    %get3A = arith.constant 0 : index
    %get3A_0 = arith.constant 0 : index
    %get3A_1 = vector.load %arg0[%get3A, %get3A_0] : memref<8x3072xf32, #tpu.memory_space<vmem>>, vector<8x3072xf32>
    %get3A_2 = arith.constant 0 : index
    %get3A_3 = arith.constant 0 : index
    %get3A_4 = vector.load %arg1[%get3A_2, %get3A_3] : memref<3072x512xf32, #tpu.memory_space<vmem>>, vector<3072x512xf32>
    %dot_general3A = arith.constant dense<0.000000e+00> : vector<8x512xf32>
    %dot_general3A_5 = tpu.matmul %get3A_1, %get3A_4, %dot_general3A {dimension_numbers = #tpu.dot_dimension_numbers<[1], [0], [0], [1], [0, 0, 1, 1], [], []>, transpose_lhs_hint = false} : vector<8x3072xf32>, vector<3072x512xf32>, vector<8x512xf32> -> vector<8x512xf32>
    %get3A_6 = arith.constant 0 : index
    %get3A_7 = arith.constant 0 : index
    %get3A_8 = vector.load %arg2[%get3A_6, %get3A_7] : memref<1x512xf32, #tpu.memory_space<vmem>>, vector<1x512xf32>
    %add3A = vector.broadcast %get3A_8 : vector<1x512xf32> to vector<8x512xf32>
    %add3A_9 = arith.addf %dot_general3A_5, %add3A : vector<8x512xf32>
    %reduce_sum3A = arith.constant dense<0.000000e+00> : vector<512xf32>
    %reduce_sum3A_10 = vector.multi_reduction <add>, %add3A_9, %reduce_sum3A [0] : vector<8x512xf32> to vector<512xf32>
    %broadcast_in_dim3A = vector.shape_cast %reduce_sum3A_10 : vector<512xf32> to vector<1x512xf32>
    %div3A = arith.constant 8.000000e+00 : f32
    %div3A_11 = vector.broadcast %div3A : f32 to vector<1x512xf32>
    %div3A_12 = arith.divf %broadcast_in_dim3A, %div3A_11 : vector<1x512xf32>
    %sub3A = vector.broadcast %div3A_12 : vector<1x512xf32> to vector<8x512xf32>
    %sub3A_13 = arith.subf %add3A_9, %sub3A : vector<8x512xf32>
    %integer_pow3A = arith.mulf %sub3A_13, %sub3A_13 : vector<8x512xf32>
    %reduce_sum3A_14 = arith.constant dense<0.000000e+00> : vector<512xf32>
    %reduce_sum3A_15 = vector.multi_reduction <add>, %integer_pow3A, %reduce_sum3A_14 [0] : vector<8x512xf32> to vector<512xf32>
    %broadcast_in_dim3A_16 = vector.shape_cast %reduce_sum3A_15 : vector<512xf32> to vector<1x512xf32>
    %div3A_17 = arith.constant 8.000000e+00 : f32
    %div3A_18 = vector.broadcast %div3A_17 : f32 to vector<1x512xf32>
    %div3A_19 = arith.divf %broadcast_in_dim3A_16, %div3A_18 : vector<1x512xf32>
    %sub3A_20 = vector.broadcast %div3A_12 : vector<1x512xf32> to vector<8x512xf32>
    %sub3A_21 = arith.subf %add3A_9, %sub3A_20 : vector<8x512xf32>
    %add3A_22 = arith.constant 9.99999974E-6 : f32
    %add3A_23 = vector.broadcast %add3A_22 : f32 to vector<1x512xf32>
    %add3A_24 = arith.addf %div3A_19, %add3A_23 : vector<1x512xf32>
    %sqrt3A = math.sqrt %add3A_24 : vector<1x512xf32>
    %div3A_25 = vector.broadcast %sqrt3A : vector<1x512xf32> to vector<8x512xf32>
    %div3A_26 = arith.divf %sub3A_21, %div3A_25 : vector<8x512xf32>
    %get3A_27 = arith.constant 0 : index
    %get3A_28 = arith.constant 0 : index
    %get3A_29 = vector.load %arg3[%get3A_27, %get3A_28] : memref<1x512xf32, #tpu.memory_space<vmem>>, vector<1x512xf32>
    %mul3A = vector.broadcast %get3A_29 : vector<1x512xf32> to vector<8x512xf32>
    %mul3A_30 = arith.mulf %div3A_26, %mul3A : vector<8x512xf32>
    %get3A_31 = arith.constant 0 : index
    %get3A_32 = arith.constant 0 : index
    %get3A_33 = vector.load %arg4[%get3A_31, %get3A_32] : memref<1x512xf32, #tpu.memory_space<vmem>>, vector<1x512xf32>
    %add3A_34 = vector.broadcast %get3A_33 : vector<1x512xf32> to vector<8x512xf32>
    %add3A_35 = arith.addf %mul3A_30, %add3A_34 : vector<8x512xf32>
    %max3A = arith.constant 0.000000e+00 : f32
    %max3A_36 = vector.broadcast %max3A : f32 to vector<8x512xf32>
    %max3A_37 = arith.maximumf %add3A_35, %max3A_36 : vector<8x512xf32>
    %get3A_38 = arith.constant 0 : index
    %get3A_39 = arith.constant 0 : index
    %get3A_40 = vector.load %arg5[%get3A_38, %get3A_39] : memref<512x256xf32, #tpu.memory_space<vmem>>, vector<512x256xf32>
    %dot_general3A_41 = arith.constant dense<0.000000e+00> : vector<8x256xf32>
    %dot_general3A_42 = tpu.matmul %max3A_37, %get3A_40, %dot_general3A_41 {dimension_numbers = #tpu.dot_dimension_numbers<[1], [0], [0], [1], [0, 0, 1, 1], [], []>, transpose_lhs_hint = false} : vector<8x512xf32>, vector<512x256xf32>, vector<8x256xf32> -> vector<8x256xf32>
    %get3A_43 = arith.constant 0 : index
    %get3A_44 = arith.constant 0 : index
    %get3A_45 = vector.load %arg6[%get3A_43, %get3A_44] : memref<1x256xf32, #tpu.memory_space<vmem>>, vector<1x256xf32>
    %add3A_46 = vector.broadcast %get3A_45 : vector<1x256xf32> to vector<8x256xf32>
    %add3A_47 = arith.addf %dot_general3A_42, %add3A_46 : vector<8x256xf32>
    %reduce_sum3A_48 = arith.constant dense<0.000000e+00> : vector<256xf32>
    %reduce_sum3A_49 = vector.multi_reduction <add>, %add3A_47, %reduce_sum3A_48 [0] : vector<8x256xf32> to vector<256xf32>
    %broadcast_in_dim3A_50 = vector.shape_cast %reduce_sum3A_49 : vector<256xf32> to vector<1x256xf32>
    %div3A_51 = arith.constant 8.000000e+00 : f32
    %div3A_52 = vector.broadcast %div3A_51 : f32 to vector<1x256xf32>
    %div3A_53 = arith.divf %broadcast_in_dim3A_50, %div3A_52 : vector<1x256xf32>
    %sub3A_54 = vector.broadcast %div3A_53 : vector<1x256xf32> to vector<8x256xf32>
    %sub3A_55 = arith.subf %add3A_47, %sub3A_54 : vector<8x256xf32>
    %integer_pow3A_56 = arith.mulf %sub3A_55, %sub3A_55 : vector<8x256xf32>
    %reduce_sum3A_57 = arith.constant dense<0.000000e+00> : vector<256xf32>
    %reduce_sum3A_58 = vector.multi_reduction <add>, %integer_pow3A_56, %reduce_sum3A_57 [0] : vector<8x256xf32> to vector<256xf32>
    %broadcast_in_dim3A_59 = vector.shape_cast %reduce_sum3A_58 : vector<256xf32> to vector<1x256xf32>
    %div3A_60 = arith.constant 8.000000e+00 : f32
    %div3A_61 = vector.broadcast %div3A_60 : f32 to vector<1x256xf32>
    %div3A_62 = arith.divf %broadcast_in_dim3A_59, %div3A_61 : vector<1x256xf32>
    %sub3A_63 = vector.broadcast %div3A_53 : vector<1x256xf32> to vector<8x256xf32>
    %sub3A_64 = arith.subf %add3A_47, %sub3A_63 : vector<8x256xf32>
    %add3A_65 = arith.constant 9.99999974E-6 : f32
    %add3A_66 = vector.broadcast %add3A_65 : f32 to vector<1x256xf32>
    %add3A_67 = arith.addf %div3A_62, %add3A_66 : vector<1x256xf32>
    %sqrt3A_68 = math.sqrt %add3A_67 : vector<1x256xf32>
    %div3A_69 = vector.broadcast %sqrt3A_68 : vector<1x256xf32> to vector<8x256xf32>
    %div3A_70 = arith.divf %sub3A_64, %div3A_69 : vector<8x256xf32>
    %get3A_71 = arith.constant 0 : index
    %get3A_72 = arith.constant 0 : index
    %get3A_73 = vector.load %arg7[%get3A_71, %get3A_72] : memref<1x256xf32, #tpu.memory_space<vmem>>, vector<1x256xf32>
    %mul3A_74 = vector.broadcast %get3A_73 : vector<1x256xf32> to vector<8x256xf32>
    %mul3A_75 = arith.mulf %div3A_70, %mul3A_74 : vector<8x256xf32>
    %get3A_76 = arith.constant 0 : index
    %get3A_77 = arith.constant 0 : index
    %get3A_78 = vector.load %arg8[%get3A_76, %get3A_77] : memref<1x256xf32, #tpu.memory_space<vmem>>, vector<1x256xf32>
    %add3A_79 = vector.broadcast %get3A_78 : vector<1x256xf32> to vector<8x256xf32>
    %add3A_80 = arith.addf %mul3A_75, %add3A_79 : vector<8x256xf32>
    %max3A_81 = arith.constant 0.000000e+00 : f32
    %max3A_82 = vector.broadcast %max3A_81 : f32 to vector<8x256xf32>
    %max3A_83 = arith.maximumf %add3A_80, %max3A_82 : vector<8x256xf32>
    %get3A_84 = arith.constant 0 : index
    %get3A_85 = arith.constant 0 : index
    %get3A_86 = vector.load %arg9[%get3A_84, %get3A_85] : memref<256x2xf32, #tpu.memory_space<vmem>>, vector<256x2xf32>
    %dot_general3A_87 = arith.constant dense<0.000000e+00> : vector<8x2xf32>
    %dot_general3A_88 = tpu.matmul %max3A_83, %get3A_86, %dot_general3A_87 {dimension_numbers = #tpu.dot_dimension_numbers<[1], [0], [0], [1], [0, 0, 1, 1], [], []>, transpose_lhs_hint = false} : vector<8x256xf32>, vector<256x2xf32>, vector<8x2xf32> -> vector<8x2xf32>
    %get3A_89 = arith.constant 0 : index
    %get3A_90 = arith.constant 0 : index
    %get3A_91 = vector.load %arg10[%get3A_89, %get3A_90] : memref<1x2xf32, #tpu.memory_space<vmem>>, vector<1x2xf32>
    %add3A_92 = vector.broadcast %get3A_91 : vector<1x2xf32> to vector<8x2xf32>
    %add3A_93 = arith.addf %dot_general3A_88, %add3A_92 : vector<8x2xf32>
    %swap3A = arith.constant 0 : index
    %swap3A_94 = arith.constant 0 : index
    %swap3A_95 = vector.load %arg11[%swap3A, %swap3A_94] : memref<8x2xf32, #tpu.memory_space<vmem>>, vector<8x2xf32>
    tpu.vector_store %arg11[%swap3A, %swap3A_94], %add3A_93 {strides = array<i32>} : memref<8x2xf32, #tpu.memory_space<vmem>>, vector<8x2xf32>,
    return
  }
}

</mosaic_0001>

<sc_bundles>
// kernel: kernel.16.cloned.1.call-start
scs
__scs_entry_jumppad:
0x0: {  	(pc) =	sbr.rel $0x88, $3  }
0x1: {  	(tag) =	ssettag $0x0;
	lr =	simm.s32 $0x1  }
0x2: {  	[smem:$0x3F7F] =	sst lr;
	_ =	strace $0xD0000000  }
0x3: {  	_ = 	snop  }
0x4: {  	_ = 	snop  }
0x5: {  	_ = 	snop  }
0x6: {  	_ = 	snop  }
0x7: {  	_ = 	snop  }
__scs_overlays_trampoline_lowered:
0x8: {  	[smem:$0x3F8E] =	sst s0  }
0x9: {  	[smem:$0x3F8F] =	sst s1  }
0xa: {  	[smem:$0x3F90] =	sst s2  }
0xb: {  	[smem:$0x3F91] =	sst s3  }
0xc: {  	[smem:$0x3F92] =	sst s4  }
0xd: {  	[smem:$0x3F93] =	sst s5  }
0xe: {  	[smem:$0x3F94] =	sst s6  }
0xf: {  	[smem:$0x3F95] =	sst s7  }
0x10: {  	[smem:$0x3F96] =	sst s8  }
0x11: {  	[smem:$0x3F97] =	sst s9;
	s0 =	simm.s32 @!p0 $0x0  }
0x12: {  	s1 =	sld [smem:$0x3F7D];
	s0 =	simm.s32 @p0 $0x1  }
0x13: {  	[smem:$0x3F98] =	sst s0;
	s0 =	simm.s32 @!p1 $0x0  }
0x14: {  	s2 =	sld [smem:$0x3F7C];
	s0 =	simm.s32 @p1 $0x1  }
0x15: {  	[smem:$0x3F99] =	sst s0;
	s0 =	simm.s32 @!p2 $0x0  }
0x16: {  	s3 =	sld [smem:$0x3FDB];
	s0 =	simm.s32 @p2 $0x1  }
0x17: {  	s4 =	simm.s32 $0x1BF5;
	[smem:$0x3F9B] =	sst s0  }
0x18: {  	s0 =	sld [smem:$0x3F7E];
	_ =	swait.ge [sflag:s4], $0x0  }
0x19: {  	s7 =	sld [smem:$0x3F7F]  }
0x1a: {  	s8 =	sadd.s32 $0xFFFFE003, lr  }
0x1b: {  	s9 =	sadd.s32 $0xFFFFFEF7, lr;
	s5 =	simm.s32 $0xFFFFFFFF;
	p2 =	slt.u32 s8, $0xFFFFF086  }
0x1c: {  	p1 =	slt.u32 s9, $0xF7A;
	s5 =	simm.s32 @!p2 $0x0  }
0x1d: {  	s5 =	simm.s32 @p1 $0x1;
	p0 =	seq.s32 s7, s2  }
0x1e: {  	s7 =	smul.u32 @!p0 $0xF7A, s2;
	p2 =	seq.s32 @!p0 s5, $0x0  }
0x1f: {  	s9 =	smul.u32 $0xF7A, s1;
	s8 =	simm.s32 @!p0 $0x1BF5;
	p2 =	por !p2, p0  }
0x20: {  	[sflag:s8] =	ssyncset.s32 @!p0 $0xFFFFF086;
	s6 =	sadd.s32 @!p0 s3, s7;
	s7 =	simm.s32 @!p0 $0x108  }
0x21: {  	s3 =	sadd.s32 s3, s9;
	s6 =	sadd.s32 @!p0 $0x88, s6;
	s7 =	simm.s32 @p2 $0x1082  }
0x22: {  	[simem:s7], [sflag:s8] =	dma.local @!p0 [hbm:s6], $0xF7A  }
0x23: {  	s9 =	sor.u32 $0xD0000000, s2;
	s6 =	simm.s32 $0x108;
	_ =	swait.ge @!p0 [sflag:s8], $0x0  }
0x24: {  	s3 =	sadd.s32 $0x88, s3;
	s6 =	simm.s32 @!p1 $0x1082;
	[sflag:s4] =	ssyncset.s32 $0xFFFFF086  }
0x25: {  	[simem:s6], [sflag:s4] =	dma.local [hbm:s3], $0xF7A  }
0x26: {  	[smem:$0x3F7F] =	sst s1;
	(tag) =	ssettag s2;
	_ =	strace s9  }
0x27: {  	s1 =	sld [smem:$0x3F8F]  }
0x28: {  	s2 =	sld [smem:$0x3F90]  }
0x29: {  	s4 =	sld [smem:$0x3F92]  }
0x2a: {  	p0 =	seq.s32 s5, $0x0;
	s5 =	sld [smem:$0x3F93]  }
0x2b: {  	s6 =	sld [smem:$0x3F94]  }
0x2c: {  	s7 =	sld [smem:$0x3F95]  }
0x2d: {  	s3 =	simm.s32 $0x108;
	s8 =	sld [smem:$0x3F96]  }
0x2e: {  	s3 =	simm.s32 @!p0 $0x1082;
	s9 =	sld [smem:$0x3F97]  }
0x2f: {  	lr =	sadd.s32 s0, s3;
	s0 =	sld [smem:$0x3F8E]  }
0x30: {  	s3 =	sld [smem:$0x3F91]  }
0x31: {  	[smem:$0x3F9A] =	sst s10  }
0x32: {  	s10 =	sld [smem:$0x3F98];
	_ =	sdelay $0x3  }
0x33: {  	p0 =	seq.s32 s10, $0x1;
	s10 =	sld [smem:$0x3F9A];
	_ =	sdelay $0x3  }
0x34: {  	[smem:$0x3F9A] =	sst s10  }
0x35: {  	s10 =	sld [smem:$0x3F99];
	_ =	sdelay $0x3  }
0x36: {  	p1 =	seq.s32 s10, $0x1;
	s10 =	sld [smem:$0x3F9A];
	_ =	sdelay $0x3  }
0x37: {  	[smem:$0x3F9A] =	sst s10  }
0x38: {  	s10 =	sld [smem:$0x3F9B]  }
0x39: {  	_ = 	snop;
	(pc) =	sbr.ind lr, $3  }
0x3a: {  	_ = 	snop  }
0x3b: {  	_ = 	snop  }
0x3c: {  	p2 =	seq.s32 s10, $0x1;
	s10 =	sld [smem:$0x3F9A]  }
0x3d: {  	_ =	shalt  }
0x3e: {  	_ =	shalt  }
0x3f: {  	_ =	shalt  }
0x40: {  	_ =	shalt  }
0x41: {  	_ =	shalt  }
0x42: {  	_ =	shalt  }
0x43: {  	_ =	shalt  }
0x44: {  	_ =	shalt  }
0x45: {  	_ =	shalt  }
0x46: {  	_ =	shalt  }
0x47: {  	_ =	shalt  }
0x48: {  	_ =	shalt  }
0x49: {  	_ =	shalt  }
0x4a: {  	_ =	shalt  }
0x4b: {  	_ =	shalt  }
0x4c: {  	_ =	shalt  }
0x4d: {  	_ =	shalt  }
0x4e: {  	_ =	shalt  }
0x4f: {  	_ =	shalt  }
0x50: {  	_ =	shalt  }
0x51: {  	_ =	shalt  }
0x52: {  	_ =	shalt  }
0x53: {  	_ =	shalt  }
0x54: {  	_ =	shalt  }
0x55: {  	_ =	shalt  }
0x56: {  	_ =	shalt  }
0x57: {  	_ =	shalt  }
0x58: {  	_ =	shalt  }
0x59: {  	_ =	shalt  }
0x5a: {  	_ =	shalt  }
0x5b: {  	_ =	shalt  }
0x5c: {  	_ =	shalt  }
0x5d: {  	_ =	shalt  }
0x5e: {  	_ =	shalt  }
0x5f: {  	_ =	shalt  }
0x60: {  	_ =	shalt  }
0x61: {  	_ =	shalt  }
0x62: {  	_ =	shalt  }
0x63: {  	_ =	shalt  }
0x64: {  	_ =	shalt  }
0x65: {  	_ =	shalt  }
0x66: {  	_ =	shalt  }
0x67: {  	_ =	shalt  }
0x68: {  	_ =	shalt  }
0x69: {  	_ =	shalt  }
0x6a: {  	_ =	shalt  }
0x6b: {  	_ =	shalt  }
0x6c: {  	_ =	shalt  }
0x6d: {  	_ =	shalt  }
0x6e: {  	_ =	shalt  }
0x6f: {  	_ =	shalt  }
0x70: {  	_ =	shalt  }
0x71: {  	_ =	shalt  }
0x72: {  	_ =	shalt  }
0x73: {  	_ =	shalt  }
0x74: {  	_ =	shalt  }
0x75: {  	_ =	shalt  }
0x76: {  	_ =	shalt  }
0x77: {  	_ =	shalt  }
0x78: {  	_ =	shalt  }
0x79: {  	_ =	shalt  }
0x7a: {  	_ =	shalt  }
0x7b: {  	_ =	shalt  }
0x7c: {  	_ =	shalt  }
0x7d: {  	_ =	shalt  }
0x7e: {  	_ =	shalt  }
0x7f: {  	_ =	shalt  }
0x80: {  	_ =	shalt  }
0x81: {  	_ =	shalt  }
0x82: {  	_ =	shalt  }
0x83: {  	_ =	shalt  }
0x84: {  	_ =	shalt  }
0x85: {  	_ =	shalt  }
0x86: {  	_ =	shalt  }
0x87: {  	_ =	shalt  }
.Lfunc_end0:
.L_simem_size_0:
called_computation_lowered:
.L_overlay_start_0:
0x88: {  	s2 =	sld [smem:$0x3FD9]  }
0x89: {  	s3 =	sld [smem:$0x3FFE];
	_ =	sdelay $0x1  }
0x8a: {  	s1 =	srdreg.scid  }
0x8b: {  	s0 =	sand.u32 $0x1, s1  }
0x8c: {  	s16 =	sshll.u32 s0, $0xA;
	s2 =	sadd.s32 s3, s2  }
0x8d: {  	s2 =	sadd.s32 s2, s16  }
0x8e: {  	[smem:$0x3FA6] =	sst s2  }
0x8f: {  	_ = 	snop  }
0x90: {  	(tm) =	ssettm $0x1  }
0x91: {  	s17 =	sld [smem:$0x3FFB];
	_ =	sdelay $0x3  }
0x92: {  	_ =	strace s17  }
0x93: {  	s2 =	sld [smem:$0x3FFC];
	_ =	sdelay $0x3  }
0x94: {  	_ =	strace s2  }
0x95: {  	s2 =	sld [smem:$0x3FFD];
	_ =	sdelay $0x3  }
0x96: {  	_ =	strace s2  }
0x97: {  	_ =	strace $0x8FFFFFFF  }
0x98: {  	s18 =	sld [smem:$0x3FDB];
	_ =	sdelay $0x1  }
0x99: {  	s19 =	simm.s32 $_scs_section_size  }
0x9a: {  	s4 =	simm.s32 $_size__tile_overlayer_lowered;
	s5 =	simm.s32 $_tile_overlayer_lowered  }
0x9b: {  	s22 =	simm.s32 $0x1BFF;
	s21 =	sshll.u32 s5, $0x1;
	s2 =	sadd.s32 s19, s18  }
0x9c: {  	s6 =	simm.s32 $0x0;
	s20 =	sshll.u32 s4, $0x1;
	s4 =	sadd.s32 s21, s2  }
0x9d: {  	[timem:s6], [sflag:s22] =	dma.local [hbm:s4], s20  }
0x9e: {  	_ =	swait.ge [sflag:s22], s20  }
0x9f: {  	s3 =	ssub.s32 $0x0, s20;
	[sflag:s22] =	ssyncset.done $0x0  }
0xa0: {  	[sflag:s22] =	ssyncadd.s32 s3;
	_ =	sdelay $0x1  }
0xa1: {  	s23 =	simm.s32 $0x1B8B  }
0xa2: {  	_ =	swait.ge [sflag:s23], $0x1  }
0xa3: {  	[sflag:s23] =	ssyncset.done $0x0  }
0xa4: {  	s25 =	simm.s32 $0x1B8E;
	s24 =	sld [smem:$0x3FFE];
	[sflag:s23] =	ssyncadd.s32 $0xFFFFFFFF  }
0xa5: {  	s26 =	simm.s32 $execute0_lowered;
	[smem:$0x3FD2] =	sst s25  }
0xa6: {  	s4 =	sshll.u32 s26, $0x1;
	_ =	strace $0x80000046;
	[dreg:$0x1] =	wrdreg $0xFFFFFFFF  }
0xa7: {  	s28 =	simm.s32 $_size_execute0_lowered;
	s2 =	sadd.s32 s2, s4;
	[dreg:$0x0] =	wrdreg $0x0  }
0xa8: {  	s4 =	sshll.u32 s28, $0x1;
	[dreg:$0x2] =	wrdreg s2  }
0xa9: {  	[dreg:$0x3] =	wrdreg s4  }
0xaa: {  	[dreg:$0x4] =	wrdreg $0xC0  }
0xab: {  	_ =	task [dreg:s6], $0x5FFFF  }
0xac: {  	[dreg:$0x1] =	wrdreg $0xFFFFFFFF  }
0xad: {  	[dreg:$0x0] =	wrdreg $0x60  }
0xae: {  	[dreg:$0x2] =	wrdreg s24  }
0xaf: {  	[dreg:$0x3] =	wrdreg $0x9  }
0xb0: {  	_ =	task.clear_ibuf [dreg:s6], $0x4FFFF;
	_ =	strace $0x90000046  }
0xb1: {  	s29 =	simm.s32 $0x9;
	_ =	strace $0x80000048  }
0xb2: {  	_ =	swait.ge [sflag:s29], $0x1  }
0xb3: {  	[sflag:s29] =	ssyncadd.s32 $0xFFFFFFFF  }
0xb4: {  	_ =	strace $0x90000048  }
0xb5: {  	_ =	sfence  }
0xb6: {  	s30 =	sld [smem:$0x0];
	_ =	sdelay $0x2  }
0xb7: {  	s31 =	sshll.u32 s1, $0xD;
	s1 =	sshrl.u32 s1, $0x2  }
0xb8: {  	s3 =	sand.u32 $0x4000, s31;
	s1 =	sadd.s32 s1, s30  }
0xb9: {  	s0 =	sor.u32 s3, s0;
	s1 =	sshll.u32 s1, $0x11  }
0xba: {  	s0 =	sor.u32 s1, s0  }
0xbb: {  	s0 =	sadd.s32 $0x8F2B, s0  }
0xbc: {  	[sflag:s0] =	ssyncadd.remote.s32 $0x1  }
0xbd: {  	_ =	sfence.sel $0xFFFF  }
0xbe: {  	[dreg:$0x0] =	wrdreg $0xFFFFFFFF;
	(pc) =	sbr.abs _section_cstart, $3  }
0xbf: {  	[dreg:$0x1] =	wrdreg $0xFFFFFFFF  }
0xc0: {  	_ =	task.clear_ibuf [dreg:s6], $0x2FFFF;
	_ =	strace $0x9FFFFFFF  }
0xc1: {  	(tm) =	ssettm $0x7FFFFFFF  }
tec
execute0_lowered:
.L_overlay_start_1:
0x0: {  	(tag) =	ssettag $0x1  }
0x1: {  	s5 =	rddreg [dreg:$0x0];
	s1 =	simm.s32 $0x0  }
0x2: {  	[smem:$0x7FF] =	sst s1  }
0x3: {  	s0 =	rddreg [dreg:$0x1];
	v0 =	vimm.f32 $1.000000000e+00;
	_ =	strace $0x80000047  }
0x4: {  	(xrf0) =	vmax.scan.msk.f32 $0xffff, v0;
	_ =	sdelay $0x5  }
0x5: {  	v0, _, _ =	vpop (xrf0)  }
0x6: {  	(v2sf) =	vpush v0, $0xF;
	_ =	sdelay $0x5  }
0x7: {  	s2 =	stileid.u32  }
0x8: {  	s3 =	srdreg.scid;
	s4 =	sshll.u32 s2, $0x1  }
0x9: {  	s6 =	sand.u32 $0x1, s3;
	s7 =	sshrl.u32 s2, $0x3;
	s29 =	sand.u32 $0xE, s4  }
0xa: {  	s11 =	simm.s32 $0x5700;
	s30 =	sshll.u32 s7, $0x4;
	s3 =	sor.u32 s6, s29  }
0xb: {  	s13 =	simm.s32 $0x0;
	s8 =	smul.u32 $0x4E2, s3;
	s3 =	sor.u32 s30, s3  }
0xc: {  	s4 =	sadd.s32 $0x5A00, s5;
	s6 =	ssub.s32 $0x2, s6;
	s9 =	smul.u32 $0x4E2, s3  }
.Ltmp0:
0xd: {  	s31 =	sshrl.u32 s6, $0x1;
	s3 =	sadd.s32 $0x19400, s5;
	(pc) =	sbr.rel .LBB2_1-.Ltmp0, $4  }
0xe: {  	s10 =	ssub.s32 s6, s31;
	s8 =	sadd.s32 s8, s5;
	s9 =	sadd.s32 s9, s5  }
0xf: {  	s5 =	smul.u32 $0x4E200, s7;
	s6 =	sadd.s32 $0x2CE00, s8;
	s8 =	smax.u32 s10, $0x1  }
0x10: {  	s10 =	simm.s32 $0x4F00;
	s7 =	sadd.s32 $0x31E00, s9;
	s12 =	spop (v2sf)  }
0x11: {  	vm0 =	vmmov $0xffff;
	v1 =	vimm.f32 $0.0e+00;
	s9 =	simm.s32 $0x1;
	v0 =	vimm.f32 $-Inf;
	p0 =	sgt.f32 s12, $0.0e+00;
	s12 =	simm.s32 $0x2780  }
.LBB2_10:
0x12: {  	s13 =	sadd.s32 $0x1, s13  }
0x13: {  	p1 =	sne.s32 s13, s8  }
.Ltmp1:
0x14: {  	_ = 	snop;
	(pc) =	sbr.rel @!p1 .LBB2_11-.Ltmp1, $4  }
0x15: {  	[hbm4b:s7+s1] =	stream.linear.scatter [tilespmem:s12], [sflag:$0x1], $0x2710, $0x38;
	[tilespmem:$0x5F00] =	vst v63  }
0x16: {  	_ =	swait.ge [sflag:s9], $0x2710  }
0x17: {  	[sflag:s9] =	ssyncset.done $0x0  }
0x18: {  	[sflag:s9] =	ssyncadd.s32 $0xFFFFD8F0  }
.LBB2_1:
0x19: {  	[tilespmem:s1], [sflag:$0x1] =	stream.linear.gather [hbm4b:s6+s1], $0x2710, $0x38;
	[tilespmem:$0x5F00] =	vst v63  }
0x1a: {  	_ =	swait.ge [sflag:s9], $0x2710  }
0x1b: {  	[sflag:s9] =	ssyncset.done $0x0  }
0x1c: {  	s14 =	simm.s32 $0x40;
	s15 =	simm.s32 $0x0;
	[sflag:s9] =	ssyncadd.s32 $0xFFFFD8F0  }
.LBB2_2:
0x1d: {  	p1 =	sne.s32 s14, $0x9C00;
	[tilespmem:s15+$0x2780] =	vst v0;
	s15 =	smov.u32 s14;
	s14 =	sadd.s32 $0x40, s14  }
.Ltmp2:
0x1e: {  	(pc) =	sbr.rel @p1 .LBB2_2-.Ltmp2, $2  }
0x1f: {  	_ =	sdelay $0x2  }
0x20: {  	s15 =	sshra.s32 s15, $0x2  }
.Ltmp3:
0x21: {  	(pc) =	sbr.rel .LBB2_4-.Ltmp3, $2  }
0x22: {  	_ =	sdelay $0x2  }
0x23: {  	[tilespmem:s15+$0x2780] =	vst v0;
	s14 =	simm.s32 $0x0;
	s15 =	simm.s32 $0x0  }
.LBB2_9:
0x24: {  	s15 =	sadd.s32 $0x1, s15  }
0x25: {  	p1 =	sne.s32 s15, $0xA0  }
.Ltmp4:
0x26: {  	_ = 	snop;
	(pc) =	sbr.rel @!p1 .LBB2_10-.Ltmp4, $1  }
0x27: {  	_ =	sdelay $0x3  }
.LBB2_4:
0x28: {  	s16 =	smul.u32 $0x7D0, s15;
	_ =	sdelay $0x1  }
0x29: {  	s16 =	sadd.s32 s5, s16  }
0x2a: {  	s16 =	sshrl.u32 s16, $0x3  }
0x2b: {  	s17 =	sadd.s32 s3, s16  }
0x2c: {  	[tilespmem:s10], [sflag:$0x1] =	stream.linear.gather [hbm4b:s17+s14], $0x7D0, $0x38;
	[tilespmem:$0x5F00] =	vst v63  }
0x2d: {  	_ =	swait.ge [sflag:s9], $0x7D0  }
0x2e: {  	[sflag:s9] =	ssyncset.done $0x0  }
.Ltmp5:
0x2f: {  	s16 =	sadd.s32 s4, s16;
	[sflag:s9] =	ssyncadd.s32 $0xFFFFF830;
	(pc) =	sbr.rel .LBB2_5-.Ltmp5, $4  }
0x30: {  	[tilespmem:s11], [sflag:$0x1] =	stream.linear.gather [hbm4b:s16+s14], $0x7D0, $0x38;
	[tilespmem:$0x5F00] =	vst v63  }
0x31: {  	_ =	swait.ge [sflag:s9], $0x7D0  }
0x32: {  	[sflag:s9] =	ssyncset.done $0x0  }
0x33: {  	s16 =	simm.s32 $0x0;
	[sflag:s9] =	ssyncadd.s32 $0xFFFFF830  }
.LBB2_8:
0x34: {  	s16 =	sadd.s32 $0x1, s16  }
0x35: {  	p1 =	sne.s32 s16, $0x7D  }
.Ltmp6:
0x36: {  	_ = 	snop;
	(pc) =	sbr.rel @!p1 .LBB2_9-.Ltmp6, $1  }
0x37: {  	_ =	sdelay $0x3  }
.LBB2_5:
.Ltmp7:
0x38: {  	(pc) =	sbr.rel @!p0 .LBB2_8-.Ltmp7, $1  }
0x39: {  	_ =	sdelay $0x3  }
0x3a: {  	s17 =	sshll.u32 s16, $0x4  }
0x3b: {  	v3 =	vld [tilespmem:s17+$0x4F00]  }
0x3c: {  	v2 =	vld [tilespmem:s17+$0x5700];
	_ =	sdelay $0x6  }
0x3d: {  	vm1 =	vmmov vm0;
	v3 =	vld.idx.msk [tilespmem:v3+s1+$0x0], $0xffff  }
.LBB2_7:
0x3e: {  	v4 =	vld.idx.msk [tilespmem:v2+s12+$0x0], $0xffff;
	_ =	sdelay $0x4  }
0x3f: {  	v4 =	vmax.f32 v4, v3  }
0x40: {  	[tilespmem:v2+s12+$0x0] =	vst.idx.msk vm1, v4  }
0x41: {  	v4 =	vld.idx.msk [tilespmem:v2+s12+$0x0], $0xffff;
	_ =	sdelay $0x4  }
0x42: {  	vm2 =	vlt.f32 v4, v3  }
0x43: {  	vm1 =	vmand vm1, vm2  }
0x44: {  	v4 =	vsel vm1, $0x3F800000, v1  }
0x45: {  	(xrf0) =	vmax.scan.msk.f32 $0xffff, v4;
	_ =	sdelay $0x5  }
0x46: {  	v4, _, _ =	vpop (xrf0)  }
0x47: {  	(v2sf) =	vpush v4, $0xF;
	_ =	sdelay $0xe  }
0x48: {  	s17 =	spop (v2sf)  }
0x49: {  	p1 =	sgt.f32 s17, $0.0e+00  }
.Ltmp8:
0x4a: {  	_ = 	snop;
	(pc) =	sbr.rel @p1 .LBB2_7-.Ltmp8, $1  }
0x4b: {  	_ =	sdelay $0x3  }
.Ltmp9:
0x4c: {  	_ = 	snop;
	(pc) =	sbr.rel .LBB2_8-.Ltmp9, $1  }
0x4d: {  	_ =	sdelay $0x3  }
.LBB2_11:
0x4e: {  	_ =	sfence.sel $0x180000  }
0x4f: {  	[bflag:$0x0] =	sbarrier.arrive $0xFFFF  }
0x50: {  	p0 =	sne.s32 s2, $0x0;
	_ =	strace $0x90000047  }
0x51: {  	s0 =	sadd.s32 @!p0 $0x100000, s0;
	[bflag:$0x2] =	sbarrier.arrive $0xFFFF  }
0x52: {  	[sflag:s0] =	ssyncadd.tile.s32 @!p0 $0x1;
	_ =	shalt  }
.Lfunc_end2:
_tile_overlayer_lowered:
.L_overlay_start_2:
0x53: {  	(tag) =	ssettag $0x2  }
0x54: {  	s0 =	rddreg [dreg:$0x0];
	s2 =	stileid.u32  }
0x55: {  	s1 =	rddreg [dreg:$0x1];
	p0 =	sne.s32 s2, $0x0  }
0x56: {  	s3 =	rddreg [dreg:$0x2];
	[bflag:$0x3] =	sbarrier.arrive $0xFFFF;
	s2 =	simm.s32 @!p0 $0x1C01  }
0x57: {  	[timem:s3], [sflag:s2] =	dma.local @!p0 [hbm:s0], s1  }
0x58: {  	s0 =	simm.s32 @!p0 $0x1  }
0x59: {  	_ =	swait.ge @!p0 [sflag:s0], s1  }
0x5a: {  	s1 =	ssub.s32 @!p0 $0x0, s1;
	[sflag:s0] =	ssyncset.done @!p0 $0x0  }
0x5b: {  	[sflag:s0] =	ssyncadd.s32 @!p0 s1  }
0x5c: {  	[bflag:$0x3] =	sbarrier.arrive $0xFFFF  }
0x5d: {  	_ =	shalt  }

// kernel: kernel.19.cloned.1.call-start
scs
__scs_entry_jumppad:
0x0: {  	(pc) =	sbr.rel $0x88, $3  }
0x1: {  	(tag) =	ssettag $0x0;
	lr =	simm.s32 $0x1  }
0x2: {  	[smem:$0x3F7F] =	sst lr;
	_ =	strace $0xD0000000  }
0x3: {  	_ = 	snop  }
0x4: {  	_ = 	snop  }
0x5: {  	_ = 	snop  }
0x6: {  	_ = 	snop  }
0x7: {  	_ = 	snop  }
__scs_overlays_trampoline_lowered:
0x8: {  	[smem:$0x3F8E] =	sst s0  }
0x9: {  	[smem:$0x3F8F] =	sst s1  }
0xa: {  	[smem:$0x3F90] =	sst s2  }
0xb: {  	[smem:$0x3F91] =	sst s3  }
0xc: {  	[smem:$0x3F92] =	sst s4  }
0xd: {  	[smem:$0x3F93] =	sst s5  }
0xe: {  	[smem:$0x3F94] =	sst s6  }
0xf: {  	[smem:$0x3F95] =	sst s7  }
0x10: {  	[smem:$0x3F96] =	sst s8  }
0x11: {  	[smem:$0x3F97] =	sst s9;
	s0 =	simm.s32 @!p0 $0x0  }
0x12: {  	s1 =	sld [smem:$0x3F7D];
	s0 =	simm.s32 @p0 $0x1  }
0x13: {  	[smem:$0x3F98] =	sst s0;
	s0 =	simm.s32 @!p1 $0x0  }
0x14: {  	s2 =	sld [smem:$0x3F7C];
	s0 =	simm.s32 @p1 $0x1  }
0x15: {  	[smem:$0x3F99] =	sst s0;
	s0 =	simm.s32 @!p2 $0x0  }
0x16: {  	s3 =	sld [smem:$0x3FDB];
	s0 =	simm.s32 @p2 $0x1  }
0x17: {  	s4 =	simm.s32 $0x1BF5;
	[smem:$0x3F9B] =	sst s0  }
0x18: {  	s0 =	sld [smem:$0x3F7E];
	_ =	swait.ge [sflag:s4], $0x0  }
0x19: {  	s7 =	sld [smem:$0x3F7F]  }
0x1a: {  	s8 =	sadd.s32 $0xFFFFE003, lr  }
0x1b: {  	s9 =	sadd.s32 $0xFFFFFEF7, lr;
	s5 =	simm.s32 $0xFFFFFFFF;
	p2 =	slt.u32 s8, $0xFFFFF086  }
0x1c: {  	p1 =	slt.u32 s9, $0xF7A;
	s5 =	simm.s32 @!p2 $0x0  }
0x1d: {  	s5 =	simm.s32 @p1 $0x1;
	p0 =	seq.s32 s7, s2  }
0x1e: {  	s7 =	smul.u32 @!p0 $0xF7A, s2;
	p2 =	seq.s32 @!p0 s5, $0x0  }
0x1f: {  	s9 =	smul.u32 $0xF7A, s1;
	s8 =	simm.s32 @!p0 $0x1BF5;
	p2 =	por !p2, p0  }
0x20: {  	[sflag:s8] =	ssyncset.s32 @!p0 $0xFFFFF086;
	s6 =	sadd.s32 @!p0 s3, s7;
	s7 =	simm.s32 @!p0 $0x108  }
0x21: {  	s3 =	sadd.s32 s3, s9;
	s6 =	sadd.s32 @!p0 $0x88, s6;
	s7 =	simm.s32 @p2 $0x1082  }
0x22: {  	[simem:s7], [sflag:s8] =	dma.local @!p0 [hbm:s6], $0xF7A  }
0x23: {  	s9 =	sor.u32 $0xD0000000, s2;
	s6 =	simm.s32 $0x108;
	_ =	swait.ge @!p0 [sflag:s8], $0x0  }
0x24: {  	s3 =	sadd.s32 $0x88, s3;
	s6 =	simm.s32 @!p1 $0x1082;
	[sflag:s4] =	ssyncset.s32 $0xFFFFF086  }
0x25: {  	[simem:s6], [sflag:s4] =	dma.local [hbm:s3], $0xF7A  }
0x26: {  	[smem:$0x3F7F] =	sst s1;
	(tag) =	ssettag s2;
	_ =	strace s9  }
0x27: {  	s1 =	sld [smem:$0x3F8F]  }
0x28: {  	s2 =	sld [smem:$0x3F90]  }
0x29: {  	s4 =	sld [smem:$0x3F92]  }
0x2a: {  	p0 =	seq.s32 s5, $0x0;
	s5 =	sld [smem:$0x3F93]  }
0x2b: {  	s6 =	sld [smem:$0x3F94]  }
0x2c: {  	s7 =	sld [smem:$0x3F95]  }
0x2d: {  	s3 =	simm.s32 $0x108;
	s8 =	sld [smem:$0x3F96]  }
0x2e: {  	s3 =	simm.s32 @!p0 $0x1082;
	s9 =	sld [smem:$0x3F97]  }
0x2f: {  	lr =	sadd.s32 s0, s3;
	s0 =	sld [smem:$0x3F8E]  }
0x30: {  	s3 =	sld [smem:$0x3F91]  }
0x31: {  	[smem:$0x3F9A] =	sst s10  }
0x32: {  	s10 =	sld [smem:$0x3F98];
	_ =	sdelay $0x3  }
0x33: {  	p0 =	seq.s32 s10, $0x1;
	s10 =	sld [smem:$0x3F9A];
	_ =	sdelay $0x3  }
0x34: {  	[smem:$0x3F9A] =	sst s10  }
0x35: {  	s10 =	sld [smem:$0x3F99];
	_ =	sdelay $0x3  }
0x36: {  	p1 =	seq.s32 s10, $0x1;
	s10 =	sld [smem:$0x3F9A];
	_ =	sdelay $0x3  }
0x37: {  	[smem:$0x3F9A] =	sst s10  }
0x38: {  	s10 =	sld [smem:$0x3F9B]  }
0x39: {  	_ = 	snop;
	(pc) =	sbr.ind lr, $3  }
0x3a: {  	_ = 	snop  }
0x3b: {  	_ = 	snop  }
0x3c: {  	p2 =	seq.s32 s10, $0x1;
	s10 =	sld [smem:$0x3F9A]  }
0x3d: {  	_ =	shalt  }
0x3e: {  	_ =	shalt  }
0x3f: {  	_ =	shalt  }
0x40: {  	_ =	shalt  }
0x41: {  	_ =	shalt  }
0x42: {  	_ =	shalt  }
0x43: {  	_ =	shalt  }
0x44: {  	_ =	shalt  }
0x45: {  	_ =	shalt  }
0x46: {  	_ =	shalt  }
0x47: {  	_ =	shalt  }
0x48: {  	_ =	shalt  }
0x49: {  	_ =	shalt  }
0x4a: {  	_ =	shalt  }
0x4b: {  	_ =	shalt  }
0x4c: {  	_ =	shalt  }
0x4d: {  	_ =	shalt  }
0x4e: {  	_ =	shalt  }
0x4f: {  	_ =	shalt  }
0x50: {  	_ =	shalt  }
0x51: {  	_ =	shalt  }
0x52: {  	_ =	shalt  }
0x53: {  	_ =	shalt  }
0x54: {  	_ =	shalt  }
0x55: {  	_ =	shalt  }
0x56: {  	_ =	shalt  }
0x57: {  	_ =	shalt  }
0x58: {  	_ =	shalt  }
0x59: {  	_ =	shalt  }
0x5a: {  	_ =	shalt  }
0x5b: {  	_ =	shalt  }
0x5c: {  	_ =	shalt  }
0x5d: {  	_ =	shalt  }
0x5e: {  	_ =	shalt  }
0x5f: {  	_ =	shalt  }
0x60: {  	_ =	shalt  }
0x61: {  	_ =	shalt  }
0x62: {  	_ =	shalt  }
0x63: {  	_ =	shalt  }
0x64: {  	_ =	shalt  }
0x65: {  	_ =	shalt  }
0x66: {  	_ =	shalt  }
0x67: {  	_ =	shalt  }
0x68: {  	_ =	shalt  }
0x69: {  	_ =	shalt  }
0x6a: {  	_ =	shalt  }
0x6b: {  	_ =	shalt  }
0x6c: {  	_ =	shalt  }
0x6d: {  	_ =	shalt  }
0x6e: {  	_ =	shalt  }
0x6f: {  	_ =	shalt  }
0x70: {  	_ =	shalt  }
0x71: {  	_ =	shalt  }
0x72: {  	_ =	shalt  }
0x73: {  	_ =	shalt  }
0x74: {  	_ =	shalt  }
0x75: {  	_ =	shalt  }
0x76: {  	_ =	shalt  }
0x77: {  	_ =	shalt  }
0x78: {  	_ =	shalt  }
0x79: {  	_ =	shalt  }
0x7a: {  	_ =	shalt  }
0x7b: {  	_ =	shalt  }
0x7c: {  	_ =	shalt  }
0x7d: {  	_ =	shalt  }
0x7e: {  	_ =	shalt  }
0x7f: {  	_ =	shalt  }
0x80: {  	_ =	shalt  }
0x81: {  	_ =	shalt  }
0x82: {  	_ =	shalt  }
0x83: {  	_ =	shalt  }
0x84: {  	_ =	shalt  }
0x85: {  	_ =	shalt  }
0x86: {  	_ =	shalt  }
0x87: {  	_ =	shalt  }
.Lfunc_end0:
.L_simem_size_0:
called_computation.1_lowered:
.L_overlay_start_0:
0x88: {  	s2 =	sld [smem:$0x3FD9]  }
0x89: {  	s3 =	sld [smem:$0x3FFE];
	_ =	sdelay $0x1  }
0x8a: {  	s1 =	srdreg.scid  }
0x8b: {  	s0 =	sand.u32 $0x1, s1  }
0x8c: {  	s16 =	sshll.u32 s0, $0xA;
	s2 =	sadd.s32 s3, s2  }
0x8d: {  	s2 =	sadd.s32 s2, s16  }
0x8e: {  	[smem:$0x3FA6] =	sst s2  }
0x8f: {  	_ = 	snop  }
0x90: {  	(tm) =	ssettm $0x1  }
0x91: {  	s17 =	sld [smem:$0x3FFB];
	_ =	sdelay $0x3  }
0x92: {  	_ =	strace s17  }
0x93: {  	s2 =	sld [smem:$0x3FFC];
	_ =	sdelay $0x3  }
0x94: {  	_ =	strace s2  }
0x95: {  	s2 =	sld [smem:$0x3FFD];
	_ =	sdelay $0x3  }
0x96: {  	_ =	strace s2  }
0x97: {  	_ =	strace $0x8FFFFFFF  }
0x98: {  	s18 =	sld [smem:$0x3FDB];
	_ =	sdelay $0x1  }
0x99: {  	s19 =	simm.s32 $_scs_section_size  }
0x9a: {  	s4 =	simm.s32 $_size__tile_overlayer_lowered;
	s5 =	simm.s32 $_tile_overlayer_lowered  }
0x9b: {  	s22 =	simm.s32 $0x1BFF;
	s21 =	sshll.u32 s5, $0x1;
	s2 =	sadd.s32 s19, s18  }
0x9c: {  	s6 =	simm.s32 $0x0;
	s20 =	sshll.u32 s4, $0x1;
	s4 =	sadd.s32 s21, s2  }
0x9d: {  	[timem:s6], [sflag:s22] =	dma.local [hbm:s4], s20  }
0x9e: {  	_ =	swait.ge [sflag:s22], s20  }
0x9f: {  	s3 =	ssub.s32 $0x0, s20;
	[sflag:s22] =	ssyncset.done $0x0  }
0xa0: {  	[sflag:s22] =	ssyncadd.s32 s3;
	_ =	sdelay $0x1  }
0xa1: {  	s23 =	simm.s32 $0x1B8B  }
0xa2: {  	_ =	swait.ge [sflag:s23], $0x1  }
0xa3: {  	[sflag:s23] =	ssyncset.done $0x0  }
0xa4: {  	s25 =	simm.s32 $0x1B8E;
	s24 =	sld [smem:$0x3FFE];
	[sflag:s23] =	ssyncadd.s32 $0xFFFFFFFF  }
0xa5: {  	s26 =	simm.s32 $execute0_lowered;
	[smem:$0x3FD2] =	sst s25  }
0xa6: {  	s4 =	sshll.u32 s26, $0x1;
	_ =	strace $0x80000049;
	[dreg:$0x1] =	wrdreg $0xFFFFFFFF  }
0xa7: {  	s28 =	simm.s32 $_size_execute0_lowered;
	s2 =	sadd.s32 s2, s4;
	[dreg:$0x0] =	wrdreg $0x0  }
0xa8: {  	s4 =	sshll.u32 s28, $0x1;
	[dreg:$0x2] =	wrdreg s2  }
0xa9: {  	[dreg:$0x3] =	wrdreg s4  }
0xaa: {  	[dreg:$0x4] =	wrdreg $0xC0  }
0xab: {  	_ =	task [dreg:s6], $0x5FFFF  }
0xac: {  	[dreg:$0x1] =	wrdreg $0xFFFFFFFF  }
0xad: {  	[dreg:$0x0] =	wrdreg $0x60  }
0xae: {  	[dreg:$0x2] =	wrdreg s24  }
0xaf: {  	[dreg:$0x3] =	wrdreg $0x9  }
0xb0: {  	_ =	task.clear_ibuf [dreg:s6], $0x4FFFF;
	_ =	strace $0x90000049  }
0xb1: {  	s29 =	simm.s32 $0x9;
	_ =	strace $0x8000004B  }
0xb2: {  	_ =	swait.ge [sflag:s29], $0x1  }
0xb3: {  	[sflag:s29] =	ssyncadd.s32 $0xFFFFFFFF  }
0xb4: {  	_ =	strace $0x9000004B  }
0xb5: {  	_ =	sfence  }
0xb6: {  	s30 =	sld [smem:$0x0];
	_ =	sdelay $0x2  }
0xb7: {  	s31 =	sshll.u32 s1, $0xD;
	s1 =	sshrl.u32 s1, $0x2  }
0xb8: {  	s3 =	sand.u32 $0x4000, s31;
	s1 =	sadd.s32 s1, s30  }
0xb9: {  	s0 =	sor.u32 s3, s0;
	s1 =	sshll.u32 s1, $0x11  }
0xba: {  	s0 =	sor.u32 s1, s0  }
0xbb: {  	s0 =	sadd.s32 $0x8F2B, s0  }
0xbc: {  	[sflag:s0] =	ssyncadd.remote.s32 $0x1  }
0xbd: {  	_ =	sfence.sel $0xFFFF  }
0xbe: {  	[dreg:$0x0] =	wrdreg $0xFFFFFFFF;
	(pc) =	sbr.abs _section_cstart, $3  }
0xbf: {  	[dreg:$0x1] =	wrdreg $0xFFFFFFFF  }
0xc0: {  	_ =	task.clear_ibuf [dreg:s6], $0x2FFFF;
	_ =	strace $0x9FFFFFFF  }
0xc1: {  	(tm) =	ssettm $0x7FFFFFFF  }
tec
execute0_lowered:
.L_overlay_start_1:
0x0: {  	(tag) =	ssettag $0x1  }
0x1: {  	s5 =	rddreg [dreg:$0x0];
	s1 =	simm.s32 $0x0  }
0x2: {  	[smem:$0x7FF] =	sst s1  }
0x3: {  	s0 =	rddreg [dreg:$0x1];
	v0 =	vimm.f32 $1.000000000e+00;
	_ =	strace $0x8000004A  }
0x4: {  	(xrf0) =	vmax.scan.msk.f32 $0xffff, v0;
	_ =	sdelay $0x5  }
0x5: {  	v0, _, _ =	vpop (xrf0)  }
0x6: {  	(v2sf) =	vpush v0, $0xF;
	_ =	sdelay $0x5  }
0x7: {  	s3 =	srdreg.scid  }
0x8: {  	s2 =	stileid.u32;
	s12 =	simm.s32 $0x9D00;
	s13 =	simm.s32 $0xA500  }
0x9: {  	s15 =	simm.s32 $0x7590;
	s6 =	sand.u32 $0x1, s3;
	s30 =	sshll.u32 s2, $0x1  }
0xa: {  	s16 =	simm.s32 $0x0;
	s9 =	sadd.s32 $0x2CE00, s5;
	s7 =	sor.u32 s6, s30  }
0xb: {  	s3 =	sadd.s32 $0x19400, s5;
	s4 =	sadd.s32 $0x5A00, s5;
	s8 =	smul.u32 $0x4E20, s7  }
0xc: {  	s10 =	sadd.s32 $0x40800, s5;
	s6 =	ssub.s32 $0x2, s6;
	s7 =	smul.u32 $0x9C4, s7  }
.Ltmp0:
0xd: {  	s31 =	sshrl.u32 s6, $0x1;
	s8 =	sshrl.u32 s8, $0x3;
	(pc) =	sbr.rel .LBB2_1-.Ltmp0, $4  }
0xe: {  	s11 =	ssub.s32 s6, s31;
	s5 =	sadd.s32 s9, s7;
	s8 =	sadd.s32 $0x4E2, s8  }
0xf: {  	s7 =	sadd.s32 s10, s7;
	s6 =	sadd.s32 s9, s8;
	s8 =	sadd.s32 s10, s8  }
0x10: {  	s9 =	smax.u32 s11, $0x1;
	s10 =	simm.s32 $0x1;
	s14 =	spop (v2sf)  }
0x11: {  	vm0 =	vmmov $0xffff;
	v1 =	vimm.f32 $0.0e+00;
	s11 =	simm.s32 $0x2710;
	v0 =	vimm.f32 $-Inf;
	p0 =	sgt.f32 s14, $0.0e+00;
	s14 =	simm.s32 $0x4E80  }
.LBB2_12:
0x12: {  	[hbm4b:s7+s1] =	stream.linear.scatter [tilespmem:s14], [sflag:$0x1], $0x2710, $0x38;
	[tilespmem:$0xAD00] =	vst v63  }
0x13: {  	s16 =	sadd.s32 $0x1, s16;
	_ =	swait.ge [sflag:s10], $0x2710  }
0x14: {  	p1 =	sne.s32 s16, s9;
	[sflag:s10] =	ssyncset.done $0x0  }
.Ltmp1:
0x15: {  	[sflag:s10] =	ssyncadd.s32 $0xFFFFD8F0;
	(pc) =	sbr.rel @!p1 .LBB2_13-.Ltmp1, $4  }
0x16: {  	[hbm4b:s8+s1] =	stream.linear.scatter [tilespmem:s15], [sflag:$0x1], $0x2710, $0x38;
	[tilespmem:$0xAD00] =	vst v63  }
0x17: {  	_ =	swait.ge [sflag:s10], $0x2710  }
0x18: {  	[sflag:s10] =	ssyncset.done $0x0  }
0x19: {  	[sflag:s10] =	ssyncadd.s32 $0xFFFFD8F0  }
.LBB2_1:
0x1a: {  	[tilespmem:s1], [sflag:$0x1] =	stream.linear.gather [hbm4b:s5+s1], $0x2710, $0x38;
	[tilespmem:$0xAD00] =	vst v63  }
0x1b: {  	_ =	swait.ge [sflag:s10], $0x2710  }
0x1c: {  	[sflag:s10] =	ssyncset.done $0x0  }
0x1d: {  	[sflag:s10] =	ssyncadd.s32 $0xFFFFD8F0  }
0x1e: {  	[tilespmem:s11], [sflag:$0x1] =	stream.linear.gather [hbm4b:s6+s1], $0x2710, $0x38;
	[tilespmem:$0xAD00] =	vst v63  }
0x1f: {  	_ =	swait.ge [sflag:s10], $0x2710  }
0x20: {  	[sflag:s10] =	ssyncset.done $0x0  }
0x21: {  	s17 =	simm.s32 $0x40;
	s18 =	simm.s32 $0x0;
	[sflag:s10] =	ssyncadd.s32 $0xFFFFD8F0  }
.LBB2_2:
0x22: {  	p1 =	sne.s32 s17, $0x9C00;
	[tilespmem:s18+$0x4E80] =	vst v0;
	s19 =	smov.u32 s17;
	s17 =	sadd.s32 $0x40, s17  }
.Ltmp2:
0x23: {  	[tilespmem:s18+$0x7590] =	vst v0;
	(pc) =	sbr.rel @p1 .LBB2_2-.Ltmp2, $2  }
0x24: {  	_ =	sdelay $0x2  }
0x25: {  	s18 =	sshra.s32 s19, $0x2  }
.Ltmp3:
0x26: {  	(pc) =	sbr.rel .LBB2_4-.Ltmp3, $3  }
0x27: {  	_ =	sdelay $0x1  }
0x28: {  	[tilespmem:s18+$0x4E80] =	vst v0  }
0x29: {  	s17 =	simm.s32 $0x0;
	[tilespmem:s18+$0x7590] =	vst v0;
	s18 =	simm.s32 $0x0  }
.LBB2_11:
0x2a: {  	s18 =	sadd.s32 $0x1, s18  }
0x2b: {  	p1 =	sne.s32 s18, $0x140  }
.Ltmp4:
0x2c: {  	_ = 	snop;
	(pc) =	sbr.rel @!p1 .LBB2_12-.Ltmp4, $1  }
0x2d: {  	_ =	sdelay $0x3  }
.LBB2_4:
0x2e: {  	s19 =	smul.u32 $0xFA, s18;
	_ =	sdelay $0x1  }
0x2f: {  	s20 =	sadd.s32 s3, s19  }
0x30: {  	[tilespmem:s12], [sflag:$0x1] =	stream.linear.gather [hbm4b:s20+s17], $0x7D0, $0x38;
	[tilespmem:$0xAD00] =	vst v63  }
0x31: {  	_ =	swait.ge [sflag:s10], $0x7D0  }
0x32: {  	[sflag:s10] =	ssyncset.done $0x0  }
.Ltmp5:
0x33: {  	s19 =	sadd.s32 s4, s19;
	[sflag:s10] =	ssyncadd.s32 $0xFFFFF830;
	(pc) =	sbr.rel .LBB2_5-.Ltmp5, $4  }
0x34: {  	[tilespmem:s13], [sflag:$0x1] =	stream.linear.gather [hbm4b:s19+s17], $0x7D0, $0x38;
	[tilespmem:$0xAD00] =	vst v63  }
0x35: {  	_ =	swait.ge [sflag:s10], $0x7D0  }
0x36: {  	[sflag:s10] =	ssyncset.done $0x0  }
0x37: {  	s19 =	simm.s32 $0x0;
	[sflag:s10] =	ssyncadd.s32 $0xFFFFF830  }
.LBB2_10:
0x38: {  	s19 =	sadd.s32 $0x1, s19  }
0x39: {  	p1 =	sne.s32 s19, $0x7D  }
.Ltmp6:
0x3a: {  	_ = 	snop;
	(pc) =	sbr.rel @!p1 .LBB2_11-.Ltmp6, $1  }
0x3b: {  	_ =	sdelay $0x3  }
.LBB2_5:
.Ltmp7:
0x3c: {  	(pc) =	sbr.rel @!p0 .LBB2_10-.Ltmp7, $1  }
0x3d: {  	_ =	sdelay $0x3  }
0x3e: {  	s20 =	sshll.u32 s19, $0x4  }
0x3f: {  	v2 =	vld [tilespmem:s20+$0x9D00]  }
0x40: {  	v3 =	vld [tilespmem:s20+$0xA500];
	_ =	sdelay $0x6  }
0x41: {  	vm1 =	vmmov vm0;
	v4 =	vld.idx.msk [tilespmem:v2+s1+$0x0], $0xffff  }
.LBB2_7:
0x42: {  	v5 =	vld.idx.msk [tilespmem:v3+s14+$0x0], $0xffff;
	_ =	sdelay $0x4  }
0x43: {  	v5 =	vmax.f32 v5, v4  }
0x44: {  	[tilespmem:v3+s14+$0x0] =	vst.idx.msk vm1, v5  }
0x45: {  	v5 =	vld.idx.msk [tilespmem:v3+s14+$0x0], $0xffff;
	_ =	sdelay $0x4  }
0x46: {  	vm2 =	vlt.f32 v5, v4  }
0x47: {  	vm1 =	vmand vm1, vm2  }
0x48: {  	v5 =	vsel vm1, $0x3F800000, v1  }
0x49: {  	(xrf0) =	vmax.scan.msk.f32 $0xffff, v5;
	_ =	sdelay $0x5  }
0x4a: {  	v5, _, _ =	vpop (xrf0)  }
0x4b: {  	(v2sf) =	vpush v5, $0xF;
	_ =	sdelay $0xe  }
0x4c: {  	s20 =	spop (v2sf)  }
0x4d: {  	p1 =	sgt.f32 s20, $0.0e+00  }
.Ltmp8:
0x4e: {  	_ = 	snop;
	(pc) =	sbr.rel @p1 .LBB2_7-.Ltmp8, $1  }
0x4f: {  	_ =	sdelay $0x3  }
0x50: {  	v4 =	vadd.s32 $0x2710, v2  }
0x51: {  	v2 =	vadd.s32 $0x2710, v3;
	_ =	sdelay $0x3  }
0x52: {  	vm1 =	vmmov vm0;
	v3 =	vld.idx.msk [tilespmem:v4+s1+$0x0], $0xffff  }
.LBB2_9:
0x53: {  	v4 =	vld.idx.msk [tilespmem:v2+s14+$0x0], $0xffff;
	_ =	sdelay $0x4  }
0x54: {  	v4 =	vmax.f32 v4, v3  }
0x55: {  	[tilespmem:v2+s14+$0x0] =	vst.idx.msk vm1, v4  }
0x56: {  	v4 =	vld.idx.msk [tilespmem:v2+s14+$0x0], $0xffff;
	_ =	sdelay $0x4  }
0x57: {  	vm2 =	vlt.f32 v4, v3  }
0x58: {  	vm1 =	vmand vm1, vm2  }
0x59: {  	v4 =	vsel vm1, $0x3F800000, v1  }
0x5a: {  	(xrf0) =	vmax.scan.msk.f32 $0xffff, v4;
	_ =	sdelay $0x5  }
0x5b: {  	v4, _, _ =	vpop (xrf0)  }
0x5c: {  	(v2sf) =	vpush v4, $0xF;
	_ =	sdelay $0xe  }
0x5d: {  	s20 =	spop (v2sf)  }
0x5e: {  	p1 =	sgt.f32 s20, $0.0e+00  }
.Ltmp9:
0x5f: {  	_ = 	snop;
	(pc) =	sbr.rel @p1 .LBB2_9-.Ltmp9, $1  }
0x60: {  	_ =	sdelay $0x3  }
.Ltmp10:
0x61: {  	_ = 	snop;
	(pc) =	sbr.rel .LBB2_10-.Ltmp10, $1  }
0x62: {  	_ =	sdelay $0x3  }
.LBB2_13:
0x63: {  	_ =	sfence.sel $0x180000  }
0x64: {  	[bflag:$0x0] =	sbarrier.arrive $0xFFFF  }
0x65: {  	p0 =	sne.s32 s2, $0x0;
	_ =	strace $0x9000004A  }
0x66: {  	s0 =	sadd.s32 @!p0 $0x100000, s0;
	[bflag:$0x2] =	sbarrier.arrive $0xFFFF  }
0x67: {  	[sflag:s0] =	ssyncadd.tile.s32 @!p0 $0x1;
	_ =	shalt  }
.Lfunc_end2:
_tile_overlayer_lowered:
.L_overlay_start_2:
0x68: {  	(tag) =	ssettag $0x2  }
0x69: {  	s0 =	rddreg [dreg:$0x0];
	s2 =	stileid.u32  }
0x6a: {  	s1 =	rddreg [dreg:$0x1];
	p0 =	sne.s32 s2, $0x0  }
0x6b: {  	s3 =	rddreg [dreg:$0x2];
	[bflag:$0x3] =	sbarrier.arrive $0xFFFF;
	s2 =	simm.s32 @!p0 $0x1C01  }
0x6c: {  	[timem:s3], [sflag:s2] =	dma.local @!p0 [hbm:s0], s1  }
0x6d: {  	s0 =	simm.s32 @!p0 $0x1  }
0x6e: {  	_ =	swait.ge @!p0 [sflag:s0], s1  }
0x6f: {  	s1 =	ssub.s32 @!p0 $0x0, s1;
	[sflag:s0] =	ssyncset.done @!p0 $0x0  }
0x70: {  	[sflag:s0] =	ssyncadd.s32 @!p0 s1  }
0x71: {  	[bflag:$0x3] =	sbarrier.arrive $0xFFFF  }
0x72: {  	_ =	shalt  }

// kernel: kernel.22.cloned.1.call-start
scs
__scs_entry_jumppad:
0x0: {  	(pc) =	sbr.rel $0x88, $3  }
0x1: {  	(tag) =	ssettag $0x0;
	lr =	simm.s32 $0x1  }
0x2: {  	[smem:$0x3F7F] =	sst lr;
	_ =	strace $0xD0000000  }
0x3: {  	_ = 	snop  }
0x4: {  	_ = 	snop  }
0x5: {  	_ = 	snop  }
0x6: {  	_ = 	snop  }
0x7: {  	_ = 	snop  }
__scs_overlays_trampoline_lowered:
0x8: {  	[smem:$0x3F8E] =	sst s0  }
0x9: {  	[smem:$0x3F8F] =	sst s1  }
0xa: {  	[smem:$0x3F90] =	sst s2  }
0xb: {  	[smem:$0x3F91] =	sst s3  }
0xc: {  	[smem:$0x3F92] =	sst s4  }
0xd: {  	[smem:$0x3F93] =	sst s5  }
0xe: {  	[smem:$0x3F94] =	sst s6  }
0xf: {  	[smem:$0x3F95] =	sst s7  }
0x10: {  	[smem:$0x3F96] =	sst s8  }
0x11: {  	[smem:$0x3F97] =	sst s9;
	s0 =	simm.s32 @!p0 $0x0  }
0x12: {  	s1 =	sld [smem:$0x3F7D];
	s0 =	simm.s32 @p0 $0x1  }
0x13: {  	[smem:$0x3F98] =	sst s0;
	s0 =	simm.s32 @!p1 $0x0  }
0x14: {  	s2 =	sld [smem:$0x3F7C];
	s0 =	simm.s32 @p1 $0x1  }
0x15: {  	[smem:$0x3F99] =	sst s0;
	s0 =	simm.s32 @!p2 $0x0  }
0x16: {  	s3 =	sld [smem:$0x3FDB];
	s0 =	simm.s32 @p2 $0x1  }
0x17: {  	s4 =	simm.s32 $0x1BF5;
	[smem:$0x3F9B] =	sst s0  }
0x18: {  	s0 =	sld [smem:$0x3F7E];
	_ =	swait.ge [sflag:s4], $0x0  }
0x19: {  	s7 =	sld [smem:$0x3F7F]  }
0x1a: {  	s8 =	sadd.s32 $0xFFFFE003, lr  }
0x1b: {  	s9 =	sadd.s32 $0xFFFFFEF7, lr;
	s5 =	simm.s32 $0xFFFFFFFF;
	p2 =	slt.u32 s8, $0xFFFFF086  }
0x1c: {  	p1 =	slt.u32 s9, $0xF7A;
	s5 =	simm.s32 @!p2 $0x0  }
0x1d: {  	s5 =	simm.s32 @p1 $0x1;
	p0 =	seq.s32 s7, s2  }
0x1e: {  	s7 =	smul.u32 @!p0 $0xF7A, s2;
	p2 =	seq.s32 @!p0 s5, $0x0  }
0x1f: {  	s9 =	smul.u32 $0xF7A, s1;
	s8 =	simm.s32 @!p0 $0x1BF5;
	p2 =	por !p2, p0  }
0x20: {  	[sflag:s8] =	ssyncset.s32 @!p0 $0xFFFFF086;
	s6 =	sadd.s32 @!p0 s3, s7;
	s7 =	simm.s32 @!p0 $0x108  }
0x21: {  	s3 =	sadd.s32 s3, s9;
	s6 =	sadd.s32 @!p0 $0x88, s6;
	s7 =	simm.s32 @p2 $0x1082  }
0x22: {  	[simem:s7], [sflag:s8] =	dma.local @!p0 [hbm:s6], $0xF7A  }
0x23: {  	s9 =	sor.u32 $0xD0000000, s2;
	s6 =	simm.s32 $0x108;
	_ =	swait.ge @!p0 [sflag:s8], $0x0  }
0x24: {  	s3 =	sadd.s32 $0x88, s3;
	s6 =	simm.s32 @!p1 $0x1082;
	[sflag:s4] =	ssyncset.s32 $0xFFFFF086  }
0x25: {  	[simem:s6], [sflag:s4] =	dma.local [hbm:s3], $0xF7A  }
0x26: {  	[smem:$0x3F7F] =	sst s1;
	(tag) =	ssettag s2;
	_ =	strace s9  }
0x27: {  	s1 =	sld [smem:$0x3F8F]  }
0x28: {  	s2 =	sld [smem:$0x3F90]  }
0x29: {  	s4 =	sld [smem:$0x3F92]  }
0x2a: {  	p0 =	seq.s32 s5, $0x0;
	s5 =	sld [smem:$0x3F93]  }
0x2b: {  	s6 =	sld [smem:$0x3F94]  }
0x2c: {  	s7 =	sld [smem:$0x3F95]  }
0x2d: {  	s3 =	simm.s32 $0x108;
	s8 =	sld [smem:$0x3F96]  }
0x2e: {  	s3 =	simm.s32 @!p0 $0x1082;
	s9 =	sld [smem:$0x3F97]  }
0x2f: {  	lr =	sadd.s32 s0, s3;
	s0 =	sld [smem:$0x3F8E]  }
0x30: {  	s3 =	sld [smem:$0x3F91]  }
0x31: {  	[smem:$0x3F9A] =	sst s10  }
0x32: {  	s10 =	sld [smem:$0x3F98];
	_ =	sdelay $0x3  }
0x33: {  	p0 =	seq.s32 s10, $0x1;
	s10 =	sld [smem:$0x3F9A];
	_ =	sdelay $0x3  }
0x34: {  	[smem:$0x3F9A] =	sst s10  }
0x35: {  	s10 =	sld [smem:$0x3F99];
	_ =	sdelay $0x3  }
0x36: {  	p1 =	seq.s32 s10, $0x1;
	s10 =	sld [smem:$0x3F9A];
	_ =	sdelay $0x3  }
0x37: {  	[smem:$0x3F9A] =	sst s10  }
0x38: {  	s10 =	sld [smem:$0x3F9B]  }
0x39: {  	_ = 	snop;
	(pc) =	sbr.ind lr, $3  }
0x3a: {  	_ = 	snop  }
0x3b: {  	_ = 	snop  }
0x3c: {  	p2 =	seq.s32 s10, $0x1;
	s10 =	sld [smem:$0x3F9A]  }
0x3d: {  	_ =	shalt  }
0x3e: {  	_ =	shalt  }
0x3f: {  	_ =	shalt  }
0x40: {  	_ =	shalt  }
0x41: {  	_ =	shalt  }
0x42: {  	_ =	shalt  }
0x43: {  	_ =	shalt  }
0x44: {  	_ =	shalt  }
0x45: {  	_ =	shalt  }
0x46: {  	_ =	shalt  }
0x47: {  	_ =	shalt  }
0x48: {  	_ =	shalt  }
0x49: {  	_ =	shalt  }
0x4a: {  	_ =	shalt  }
0x4b: {  	_ =	shalt  }
0x4c: {  	_ =	shalt  }
0x4d: {  	_ =	shalt  }
0x4e: {  	_ =	shalt  }
0x4f: {  	_ =	shalt  }
0x50: {  	_ =	shalt  }
0x51: {  	_ =	shalt  }
0x52: {  	_ =	shalt  }
0x53: {  	_ =	shalt  }
0x54: {  	_ =	shalt  }
0x55: {  	_ =	shalt  }
0x56: {  	_ =	shalt  }
0x57: {  	_ =	shalt  }
0x58: {  	_ =	shalt  }
0x59: {  	_ =	shalt  }
0x5a: {  	_ =	shalt  }
0x5b: {  	_ =	shalt  }
0x5c: {  	_ =	shalt  }
0x5d: {  	_ =	shalt  }
0x5e: {  	_ =	shalt  }
0x5f: {  	_ =	shalt  }
0x60: {  	_ =	shalt  }
0x61: {  	_ =	shalt  }
0x62: {  	_ =	shalt  }
0x63: {  	_ =	shalt  }
0x64: {  	_ =	shalt  }
0x65: {  	_ =	shalt  }
0x66: {  	_ =	shalt  }
0x67: {  	_ =	shalt  }
0x68: {  	_ =	shalt  }
0x69: {  	_ =	shalt  }
0x6a: {  	_ =	shalt  }
0x6b: {  	_ =	shalt  }
0x6c: {  	_ =	shalt  }
0x6d: {  	_ =	shalt  }
0x6e: {  	_ =	shalt  }
0x6f: {  	_ =	shalt  }
0x70: {  	_ =	shalt  }
0x71: {  	_ =	shalt  }
0x72: {  	_ =	shalt  }
0x73: {  	_ =	shalt  }
0x74: {  	_ =	shalt  }
0x75: {  	_ =	shalt  }
0x76: {  	_ =	shalt  }
0x77: {  	_ =	shalt  }
0x78: {  	_ =	shalt  }
0x79: {  	_ =	shalt  }
0x7a: {  	_ =	shalt  }
0x7b: {  	_ =	shalt  }
0x7c: {  	_ =	shalt  }
0x7d: {  	_ =	shalt  }
0x7e: {  	_ =	shalt  }
0x7f: {  	_ =	shalt  }
0x80: {  	_ =	shalt  }
0x81: {  	_ =	shalt  }
0x82: {  	_ =	shalt  }
0x83: {  	_ =	shalt  }
0x84: {  	_ =	shalt  }
0x85: {  	_ =	shalt  }
0x86: {  	_ =	shalt  }
0x87: {  	_ =	shalt  }
.Lfunc_end0:
.L_simem_size_0:
called_computation.2_lowered:
.L_overlay_start_0:
0x88: {  	s2 =	sld [smem:$0x3FD9]  }
0x89: {  	s3 =	sld [smem:$0x3FFE];
	_ =	sdelay $0x1  }
0x8a: {  	s1 =	srdreg.scid  }
0x8b: {  	s0 =	sand.u32 $0x1, s1  }
0x8c: {  	s16 =	sshll.u32 s0, $0xA;
	s2 =	sadd.s32 s3, s2  }
0x8d: {  	s2 =	sadd.s32 s2, s16  }
0x8e: {  	[smem:$0x3FA6] =	sst s2  }
0x8f: {  	_ = 	snop  }
0x90: {  	(tm) =	ssettm $0x1  }
0x91: {  	s17 =	sld [smem:$0x3FFB];
	_ =	sdelay $0x3  }
0x92: {  	_ =	strace s17  }
0x93: {  	s2 =	sld [smem:$0x3FFC];
	_ =	sdelay $0x3  }
0x94: {  	_ =	strace s2  }
0x95: {  	s2 =	sld [smem:$0x3FFD];
	_ =	sdelay $0x3  }
0x96: {  	_ =	strace s2  }
0x97: {  	_ =	strace $0x8FFFFFFF  }
0x98: {  	s18 =	sld [smem:$0x3FDB];
	_ =	sdelay $0x1  }
0x99: {  	s19 =	simm.s32 $_scs_section_size  }
0x9a: {  	s4 =	simm.s32 $_size__tile_overlayer_lowered;
	s5 =	simm.s32 $_tile_overlayer_lowered  }
0x9b: {  	s22 =	simm.s32 $0x1BFF;
	s21 =	sshll.u32 s5, $0x1;
	s2 =	sadd.s32 s19, s18  }
0x9c: {  	s6 =	simm.s32 $0x0;
	s20 =	sshll.u32 s4, $0x1;
	s4 =	sadd.s32 s21, s2  }
0x9d: {  	[timem:s6], [sflag:s22] =	dma.local [hbm:s4], s20  }
0x9e: {  	_ =	swait.ge [sflag:s22], s20  }
0x9f: {  	s3 =	ssub.s32 $0x0, s20;
	[sflag:s22] =	ssyncset.done $0x0  }
0xa0: {  	[sflag:s22] =	ssyncadd.s32 s3;
	_ =	sdelay $0x1  }
0xa1: {  	s23 =	simm.s32 $0x1B8B  }
0xa2: {  	_ =	swait.ge [sflag:s23], $0x1  }
0xa3: {  	[sflag:s23] =	ssyncset.done $0x0  }
0xa4: {  	s25 =	simm.s32 $0x1B8E;
	s24 =	sld [smem:$0x3FFE];
	[sflag:s23] =	ssyncadd.s32 $0xFFFFFFFF  }
0xa5: {  	s26 =	simm.s32 $execute0_lowered;
	[smem:$0x3FD2] =	sst s25  }
0xa6: {  	s4 =	sshll.u32 s26, $0x1;
	_ =	strace $0x8000004C;
	[dreg:$0x1] =	wrdreg $0xFFFFFFFF  }
0xa7: {  	s28 =	simm.s32 $_size_execute0_lowered;
	s2 =	sadd.s32 s2, s4;
	[dreg:$0x0] =	wrdreg $0x0  }
0xa8: {  	s4 =	sshll.u32 s28, $0x1;
	[dreg:$0x2] =	wrdreg s2  }
0xa9: {  	[dreg:$0x3] =	wrdreg s4  }
0xaa: {  	[dreg:$0x4] =	wrdreg $0xC0  }
0xab: {  	_ =	task [dreg:s6], $0x5FFFF  }
0xac: {  	[dreg:$0x1] =	wrdreg $0xFFFFFFFF  }
0xad: {  	[dreg:$0x0] =	wrdreg $0x60  }
0xae: {  	[dreg:$0x2] =	wrdreg s24  }
0xaf: {  	[dreg:$0x3] =	wrdreg $0x9  }
0xb0: {  	_ =	task.clear_ibuf [dreg:s6], $0x4FFFF;
	_ =	strace $0x9000004C  }
0xb1: {  	s29 =	simm.s32 $0x9;
	_ =	strace $0x8000004E  }
0xb2: {  	_ =	swait.ge [sflag:s29], $0x1  }
0xb3: {  	[sflag:s29] =	ssyncadd.s32 $0xFFFFFFFF  }
0xb4: {  	_ =	strace $0x9000004E  }
0xb5: {  	_ =	sfence  }
0xb6: {  	s30 =	sld [smem:$0x0];
	_ =	sdelay $0x2  }
0xb7: {  	s31 =	sshll.u32 s1, $0xD;
	s1 =	sshrl.u32 s1, $0x2  }
0xb8: {  	s3 =	sand.u32 $0x4000, s31;
	s1 =	sadd.s32 s1, s30  }
0xb9: {  	s0 =	sor.u32 s3, s0;
	s1 =	sshll.u32 s1, $0x11  }
0xba: {  	s0 =	sor.u32 s1, s0  }
0xbb: {  	s0 =	sadd.s32 $0x8F2B, s0  }
0xbc: {  	[sflag:s0] =	ssyncadd.remote.s32 $0x1  }
0xbd: {  	_ =	sfence.sel $0xFFFF  }
0xbe: {  	[dreg:$0x0] =	wrdreg $0xFFFFFFFF;
	(pc) =	sbr.abs _section_cstart, $3  }
0xbf: {  	[dreg:$0x1] =	wrdreg $0xFFFFFFFF  }
0xc0: {  	_ =	task.clear_ibuf [dreg:s6], $0x2FFFF;
	_ =	strace $0x9FFFFFFF  }
0xc1: {  	(tm) =	ssettm $0x7FFFFFFF  }
tec
execute0_lowered:
.L_overlay_start_1:
0x0: {  	(tag) =	ssettag $0x1  }
0x1: {  	s5 =	rddreg [dreg:$0x0];
	s1 =	simm.s32 $0x0  }
0x2: {  	[smem:$0x7FF] =	sst s1  }
0x3: {  	s0 =	rddreg [dreg:$0x1];
	v0 =	vimm.f32 $1.000000000e+00;
	_ =	strace $0x8000004D  }
0x4: {  	(xrf0) =	vmax.scan.msk.f32 $0xffff, v0;
	_ =	sdelay $0x5  }
0x5: {  	v0, _, _ =	vpop (xrf0)  }
0x6: {  	(v2sf) =	vpush v0, $0xF;
	_ =	sdelay $0x5  }
0x7: {  	s3 =	srdreg.scid  }
0x8: {  	s2 =	stileid.u32;
	s12 =	simm.s32 $0x9D00;
	s13 =	simm.s32 $0xA500  }
0x9: {  	s15 =	simm.s32 $0x7590;
	s6 =	sand.u32 $0x1, s3;
	s30 =	sshll.u32 s2, $0x1  }
0xa: {  	s16 =	simm.s32 $0x0;
	s9 =	sadd.s32 $0x2CE00, s5;
	s7 =	sor.u32 s6, s30  }
0xb: {  	s3 =	sadd.s32 $0x19400, s5;
	s4 =	sadd.s32 $0x5A00, s5;
	s8 =	smul.u32 $0x4E20, s7  }
0xc: {  	s10 =	sadd.s32 $0x40800, s5;
	s6 =	ssub.s32 $0x2, s6;
	s7 =	smul.u32 $0x9C4, s7  }
.Ltmp0:
0xd: {  	s31 =	sshrl.u32 s6, $0x1;
	s8 =	sshrl.u32 s8, $0x3;
	(pc) =	sbr.rel .LBB2_1-.Ltmp0, $4  }
0xe: {  	s11 =	ssub.s32 s6, s31;
	s5 =	sadd.s32 s9, s7;
	s8 =	sadd.s32 $0x4E2, s8  }
0xf: {  	s7 =	sadd.s32 s10, s7;
	s6 =	sadd.s32 s9, s8;
	s8 =	sadd.s32 s10, s8  }
0x10: {  	s9 =	smax.u32 s11, $0x1;
	s10 =	simm.s32 $0x1;
	s14 =	spop (v2sf)  }
0x11: {  	vm0 =	vmmov $0xffff;
	v1 =	vimm.f32 $0.0e+00;
	s11 =	simm.s32 $0x2710;
	v0 =	vimm.f32 $-Inf;
	p0 =	sgt.f32 s14, $0.0e+00;
	s14 =	simm.s32 $0x4E80  }
.LBB2_12:
0x12: {  	[hbm4b:s7+s1] =	stream.linear.scatter [tilespmem:s14], [sflag:$0x1], $0x2710, $0x38;
	[tilespmem:$0xAD00] =	vst v63  }
0x13: {  	s16 =	sadd.s32 $0x1, s16;
	_ =	swait.ge [sflag:s10], $0x2710  }
0x14: {  	p1 =	sne.s32 s16, s9;
	[sflag:s10] =	ssyncset.done $0x0  }
.Ltmp1:
0x15: {  	[sflag:s10] =	ssyncadd.s32 $0xFFFFD8F0;
	(pc) =	sbr.rel @!p1 .LBB2_13-.Ltmp1, $4  }
0x16: {  	[hbm4b:s8+s1] =	stream.linear.scatter [tilespmem:s15], [sflag:$0x1], $0x2710, $0x38;
	[tilespmem:$0xAD00] =	vst v63  }
0x17: {  	_ =	swait.ge [sflag:s10], $0x2710  }
0x18: {  	[sflag:s10] =	ssyncset.done $0x0  }
0x19: {  	[sflag:s10] =	ssyncadd.s32 $0xFFFFD8F0  }
.LBB2_1:
0x1a: {  	[tilespmem:s1], [sflag:$0x1] =	stream.linear.gather [hbm4b:s5+s1], $0x2710, $0x38;
	[tilespmem:$0xAD00] =	vst v63  }
0x1b: {  	_ =	swait.ge [sflag:s10], $0x2710  }
0x1c: {  	[sflag:s10] =	ssyncset.done $0x0  }
0x1d: {  	[sflag:s10] =	ssyncadd.s32 $0xFFFFD8F0  }
0x1e: {  	[tilespmem:s11], [sflag:$0x1] =	stream.linear.gather [hbm4b:s6+s1], $0x2710, $0x38;
	[tilespmem:$0xAD00] =	vst v63  }
0x1f: {  	_ =	swait.ge [sflag:s10], $0x2710  }
0x20: {  	[sflag:s10] =	ssyncset.done $0x0  }
0x21: {  	s17 =	simm.s32 $0x40;
	s18 =	simm.s32 $0x0;
	[sflag:s10] =	ssyncadd.s32 $0xFFFFD8F0  }
.LBB2_2:
0x22: {  	p1 =	sne.s32 s17, $0x9C00;
	[tilespmem:s18+$0x4E80] =	vst v0;
	s19 =	smov.u32 s17;
	s17 =	sadd.s32 $0x40, s17  }
.Ltmp2:
0x23: {  	[tilespmem:s18+$0x7590] =	vst v0;
	(pc) =	sbr.rel @p1 .LBB2_2-.Ltmp2, $2  }
0x24: {  	_ =	sdelay $0x2  }
0x25: {  	s18 =	sshra.s32 s19, $0x2  }
.Ltmp3:
0x26: {  	(pc) =	sbr.rel .LBB2_4-.Ltmp3, $3  }
0x27: {  	_ =	sdelay $0x1  }
0x28: {  	[tilespmem:s18+$0x4E80] =	vst v0  }
0x29: {  	s17 =	simm.s32 $0x0;
	[tilespmem:s18+$0x7590] =	vst v0;
	s18 =	simm.s32 $0x0  }
.LBB2_11:
0x2a: {  	s18 =	sadd.s32 $0x1, s18  }
0x2b: {  	p1 =	sne.s32 s18, $0x140  }
.Ltmp4:
0x2c: {  	_ = 	snop;
	(pc) =	sbr.rel @!p1 .LBB2_12-.Ltmp4, $1  }
0x2d: {  	_ =	sdelay $0x3  }
.LBB2_4:
0x2e: {  	s19 =	smul.u32 $0xFA, s18;
	_ =	sdelay $0x1  }
0x2f: {  	s20 =	sadd.s32 s3, s19  }
0x30: {  	[tilespmem:s12], [sflag:$0x1] =	stream.linear.gather [hbm4b:s20+s17], $0x7D0, $0x38;
	[tilespmem:$0xAD00] =	vst v63  }
0x31: {  	_ =	swait.ge [sflag:s10], $0x7D0  }
0x32: {  	[sflag:s10] =	ssyncset.done $0x0  }
.Ltmp5:
0x33: {  	s19 =	sadd.s32 s4, s19;
	[sflag:s10] =	ssyncadd.s32 $0xFFFFF830;
	(pc) =	sbr.rel .LBB2_5-.Ltmp5, $4  }
0x34: {  	[tilespmem:s13], [sflag:$0x1] =	stream.linear.gather [hbm4b:s19+s17], $0x7D0, $0x38;
	[tilespmem:$0xAD00] =	vst v63  }
0x35: {  	_ =	swait.ge [sflag:s10], $0x7D0  }
0x36: {  	[sflag:s10] =	ssyncset.done $0x0  }
0x37: {  	s19 =	simm.s32 $0x0;
	[sflag:s10] =	ssyncadd.s32 $0xFFFFF830  }
.LBB2_10:
0x38: {  	s19 =	sadd.s32 $0x1, s19  }
0x39: {  	p1 =	sne.s32 s19, $0x7D  }
.Ltmp6:
0x3a: {  	_ = 	snop;
	(pc) =	sbr.rel @!p1 .LBB2_11-.Ltmp6, $1  }
0x3b: {  	_ =	sdelay $0x3  }
.LBB2_5:
.Ltmp7:
0x3c: {  	(pc) =	sbr.rel @!p0 .LBB2_10-.Ltmp7, $1  }
0x3d: {  	_ =	sdelay $0x3  }
0x3e: {  	s20 =	sshll.u32 s19, $0x4  }
0x3f: {  	v2 =	vld [tilespmem:s20+$0x9D00]  }
0x40: {  	v3 =	vld [tilespmem:s20+$0xA500];
	_ =	sdelay $0x6  }
0x41: {  	vm1 =	vmmov vm0;
	v4 =	vld.idx.msk [tilespmem:v2+s1+$0x0], $0xffff  }
.LBB2_7:
0x42: {  	v5 =	vld.idx.msk [tilespmem:v3+s14+$0x0], $0xffff;
	_ =	sdelay $0x4  }
0x43: {  	v5 =	vmax.f32 v5, v4  }
0x44: {  	[tilespmem:v3+s14+$0x0] =	vst.idx.msk vm1, v5  }
0x45: {  	v5 =	vld.idx.msk [tilespmem:v3+s14+$0x0], $0xffff;
	_ =	sdelay $0x4  }
0x46: {  	vm2 =	vlt.f32 v5, v4  }
0x47: {  	vm1 =	vmand vm1, vm2  }
0x48: {  	v5 =	vsel vm1, $0x3F800000, v1  }
0x49: {  	(xrf0) =	vmax.scan.msk.f32 $0xffff, v5;
	_ =	sdelay $0x5  }
0x4a: {  	v5, _, _ =	vpop (xrf0)  }
0x4b: {  	(v2sf) =	vpush v5, $0xF;
	_ =	sdelay $0xe  }
0x4c: {  	s20 =	spop (v2sf)  }
0x4d: {  	p1 =	sgt.f32 s20, $0.0e+00  }
.Ltmp8:
0x4e: {  	_ = 	snop;
	(pc) =	sbr.rel @p1 .LBB2_7-.Ltmp8, $1  }
0x4f: {  	_ =	sdelay $0x3  }
0x50: {  	v4 =	vadd.s32 $0x2710, v2  }
0x51: {  	v2 =	vadd.s32 $0x2710, v3;
	_ =	sdelay $0x3  }
0x52: {  	vm1 =	vmmov vm0;
	v3 =	vld.idx.msk [tilespmem:v4+s1+$0x0], $0xffff  }
.LBB2_9:
0x53: {  	v4 =	vld.idx.msk [tilespmem:v2+s14+$0x0], $0xffff;
	_ =	sdelay $0x4  }
0x54: {  	v4 =	vmax.f32 v4, v3  }
0x55: {  	[tilespmem:v2+s14+$0x0] =	vst.idx.msk vm1, v4  }
0x56: {  	v4 =	vld.idx.msk [tilespmem:v2+s14+$0x0], $0xffff;
	_ =	sdelay $0x4  }
0x57: {  	vm2 =	vlt.f32 v4, v3  }
0x58: {  	vm1 =	vmand vm1, vm2  }
0x59: {  	v4 =	vsel vm1, $0x3F800000, v1  }
0x5a: {  	(xrf0) =	vmax.scan.msk.f32 $0xffff, v4;
	_ =	sdelay $0x5  }
0x5b: {  	v4, _, _ =	vpop (xrf0)  }
0x5c: {  	(v2sf) =	vpush v4, $0xF;
	_ =	sdelay $0xe  }
0x5d: {  	s20 =	spop (v2sf)  }
0x5e: {  	p1 =	sgt.f32 s20, $0.0e+00  }
.Ltmp9:
0x5f: {  	_ = 	snop;
	(pc) =	sbr.rel @p1 .LBB2_9-.Ltmp9, $1  }
0x60: {  	_ =	sdelay $0x3  }
.Ltmp10:
0x61: {  	_ = 	snop;
	(pc) =	sbr.rel .LBB2_10-.Ltmp10, $1  }
0x62: {  	_ =	sdelay $0x3  }
.LBB2_13:
0x63: {  	_ =	sfence.sel $0x180000  }
0x64: {  	[bflag:$0x0] =	sbarrier.arrive $0xFFFF  }
0x65: {  	p0 =	sne.s32 s2, $0x0;
	_ =	strace $0x9000004D  }
0x66: {  	s0 =	sadd.s32 @!p0 $0x100000, s0;
	[bflag:$0x2] =	sbarrier.arrive $0xFFFF  }
0x67: {  	[sflag:s0] =	ssyncadd.tile.s32 @!p0 $0x1;
	_ =	shalt  }
.Lfunc_end2:
_tile_overlayer_lowered:
.L_overlay_start_2:
0x68: {  	(tag) =	ssettag $0x2  }
0x69: {  	s0 =	rddreg [dreg:$0x0];
	s2 =	stileid.u32  }
0x6a: {  	s1 =	rddreg [dreg:$0x1];
	p0 =	sne.s32 s2, $0x0  }
0x6b: {  	s3 =	rddreg [dreg:$0x2];
	[bflag:$0x3] =	sbarrier.arrive $0xFFFF;
	s2 =	simm.s32 @!p0 $0x1C01  }
0x6c: {  	[timem:s3], [sflag:s2] =	dma.local @!p0 [hbm:s0], s1  }
0x6d: {  	s0 =	simm.s32 @!p0 $0x1  }
0x6e: {  	_ =	swait.ge @!p0 [sflag:s0], s1  }
0x6f: {  	s1 =	ssub.s32 @!p0 $0x0, s1;
	[sflag:s0] =	ssyncset.done @!p0 $0x0  }
0x70: {  	[sflag:s0] =	ssyncadd.s32 @!p0 s1  }
0x71: {  	[bflag:$0x3] =	sbarrier.arrive $0xFFFF  }
0x72: {  	_ =	shalt  }

// kernel: kernel.25.cloned.1.call-start
scs
__scs_entry_jumppad:
0x0: {  	(pc) =	sbr.rel $0x88, $3  }
0x1: {  	(tag) =	ssettag $0x0;
	lr =	simm.s32 $0x1  }
0x2: {  	[smem:$0x3F7F] =	sst lr;
	_ =	strace $0xD0000000  }
0x3: {  	_ = 	snop  }
0x4: {  	_ = 	snop  }
0x5: {  	_ = 	snop  }
0x6: {  	_ = 	snop  }
0x7: {  	_ = 	snop  }
__scs_overlays_trampoline_lowered:
0x8: {  	[smem:$0x3F8E] =	sst s0  }
0x9: {  	[smem:$0x3F8F] =	sst s1  }
0xa: {  	[smem:$0x3F90] =	sst s2  }
0xb: {  	[smem:$0x3F91] =	sst s3  }
0xc: {  	[smem:$0x3F92] =	sst s4  }
0xd: {  	[smem:$0x3F93] =	sst s5  }
0xe: {  	[smem:$0x3F94] =	sst s6  }
0xf: {  	[smem:$0x3F95] =	sst s7  }
0x10: {  	[smem:$0x3F96] =	sst s8  }
0x11: {  	[smem:$0x3F97] =	sst s9;
	s0 =	simm.s32 @!p0 $0x0  }
0x12: {  	s1 =	sld [smem:$0x3F7D];
	s0 =	simm.s32 @p0 $0x1  }
0x13: {  	[smem:$0x3F98] =	sst s0;
	s0 =	simm.s32 @!p1 $0x0  }
0x14: {  	s2 =	sld [smem:$0x3F7C];
	s0 =	simm.s32 @p1 $0x1  }
0x15: {  	[smem:$0x3F99] =	sst s0;
	s0 =	simm.s32 @!p2 $0x0  }
0x16: {  	s3 =	sld [smem:$0x3FDB];
	s0 =	simm.s32 @p2 $0x1  }
0x17: {  	s4 =	simm.s32 $0x1BF5;
	[smem:$0x3F9B] =	sst s0  }
0x18: {  	s0 =	sld [smem:$0x3F7E];
	_ =	swait.ge [sflag:s4], $0x0  }
0x19: {  	s7 =	sld [smem:$0x3F7F]  }
0x1a: {  	s8 =	sadd.s32 $0xFFFFE003, lr  }
0x1b: {  	s9 =	sadd.s32 $0xFFFFFEF7, lr;
	s5 =	simm.s32 $0xFFFFFFFF;
	p2 =	slt.u32 s8, $0xFFFFF086  }
0x1c: {  	p1 =	slt.u32 s9, $0xF7A;
	s5 =	simm.s32 @!p2 $0x0  }
0x1d: {  	s5 =	simm.s32 @p1 $0x1;
	p0 =	seq.s32 s7, s2  }
0x1e: {  	s7 =	smul.u32 @!p0 $0xF7A, s2;
	p2 =	seq.s32 @!p0 s5, $0x0  }
0x1f: {  	s9 =	smul.u32 $0xF7A, s1;
	s8 =	simm.s32 @!p0 $0x1BF5;
	p2 =	por !p2, p0  }
0x20: {  	[sflag:s8] =	ssyncset.s32 @!p0 $0xFFFFF086;
	s6 =	sadd.s32 @!p0 s3, s7;
	s7 =	simm.s32 @!p0 $0x108  }
0x21: {  	s3 =	sadd.s32 s3, s9;
	s6 =	sadd.s32 @!p0 $0x88, s6;
	s7 =	simm.s32 @p2 $0x1082  }
0x22: {  	[simem:s7], [sflag:s8] =	dma.local @!p0 [hbm:s6], $0xF7A  }
0x23: {  	s9 =	sor.u32 $0xD0000000, s2;
	s6 =	simm.s32 $0x108;
	_ =	swait.ge @!p0 [sflag:s8], $0x0  }
0x24: {  	s3 =	sadd.s32 $0x88, s3;
	s6 =	simm.s32 @!p1 $0x1082;
	[sflag:s4] =	ssyncset.s32 $0xFFFFF086  }
0x25: {  	[simem:s6], [sflag:s4] =	dma.local [hbm:s3], $0xF7A  }
0x26: {  	[smem:$0x3F7F] =	sst s1;
	(tag) =	ssettag s2;
	_ =	strace s9  }
0x27: {  	s1 =	sld [smem:$0x3F8F]  }
0x28: {  	s2 =	sld [smem:$0x3F90]  }
0x29: {  	s4 =	sld [smem:$0x3F92]  }
0x2a: {  	p0 =	seq.s32 s5, $0x0;
	s5 =	sld [smem:$0x3F93]  }
0x2b: {  	s6 =	sld [smem:$0x3F94]  }
0x2c: {  	s7 =	sld [smem:$0x3F95]  }
0x2d: {  	s3 =	simm.s32 $0x108;
	s8 =	sld [smem:$0x3F96]  }
0x2e: {  	s3 =	simm.s32 @!p0 $0x1082;
	s9 =	sld [smem:$0x3F97]  }
0x2f: {  	lr =	sadd.s32 s0, s3;
	s0 =	sld [smem:$0x3F8E]  }
0x30: {  	s3 =	sld [smem:$0x3F91]  }
0x31: {  	[smem:$0x3F9A] =	sst s10  }
0x32: {  	s10 =	sld [smem:$0x3F98];
	_ =	sdelay $0x3  }
0x33: {  	p0 =	seq.s32 s10, $0x1;
	s10 =	sld [smem:$0x3F9A];
	_ =	sdelay $0x3  }
0x34: {  	[smem:$0x3F9A] =	sst s10  }
0x35: {  	s10 =	sld [smem:$0x3F99];
	_ =	sdelay $0x3  }
0x36: {  	p1 =	seq.s32 s10, $0x1;
	s10 =	sld [smem:$0x3F9A];
	_ =	sdelay $0x3  }
0x37: {  	[smem:$0x3F9A] =	sst s10  }
0x38: {  	s10 =	sld [smem:$0x3F9B]  }
0x39: {  	_ = 	snop;
	(pc) =	sbr.ind lr, $3  }
0x3a: {  	_ = 	snop  }
0x3b: {  	_ = 	snop  }
0x3c: {  	p2 =	seq.s32 s10, $0x1;
	s10 =	sld [smem:$0x3F9A]  }
0x3d: {  	_ =	shalt  }
0x3e: {  	_ =	shalt  }
0x3f: {  	_ =	shalt  }
0x40: {  	_ =	shalt  }
0x41: {  	_ =	shalt  }
0x42: {  	_ =	shalt  }
0x43: {  	_ =	shalt  }
0x44: {  	_ =	shalt  }
0x45: {  	_ =	shalt  }
0x46: {  	_ =	shalt  }
0x47: {  	_ =	shalt  }
0x48: {  	_ =	shalt  }
0x49: {  	_ =	shalt  }
0x4a: {  	_ =	shalt  }
0x4b: {  	_ =	shalt  }
0x4c: {  	_ =	shalt  }
0x4d: {  	_ =	shalt  }
0x4e: {  	_ =	shalt  }
0x4f: {  	_ =	shalt  }
0x50: {  	_ =	shalt  }
0x51: {  	_ =	shalt  }
0x52: {  	_ =	shalt  }
0x53: {  	_ =	shalt  }
0x54: {  	_ =	shalt  }
0x55: {  	_ =	shalt  }
0x56: {  	_ =	shalt  }
0x57: {  	_ =	shalt  }
0x58: {  	_ =	shalt  }
0x59: {  	_ =	shalt  }
0x5a: {  	_ =	shalt  }
0x5b: {  	_ =	shalt  }
0x5c: {  	_ =	shalt  }
0x5d: {  	_ =	shalt  }
0x5e: {  	_ =	shalt  }
0x5f: {  	_ =	shalt  }
0x60: {  	_ =	shalt  }
0x61: {  	_ =	shalt  }
0x62: {  	_ =	shalt  }
0x63: {  	_ =	shalt  }
0x64: {  	_ =	shalt  }
0x65: {  	_ =	shalt  }
0x66: {  	_ =	shalt  }
0x67: {  	_ =	shalt  }
0x68: {  	_ =	shalt  }
0x69: {  	_ =	shalt  }
0x6a: {  	_ =	shalt  }
0x6b: {  	_ =	shalt  }
0x6c: {  	_ =	shalt  }
0x6d: {  	_ =	shalt  }
0x6e: {  	_ =	shalt  }
0x6f: {  	_ =	shalt  }
0x70: {  	_ =	shalt  }
0x71: {  	_ =	shalt  }
0x72: {  	_ =	shalt  }
0x73: {  	_ =	shalt  }
0x74: {  	_ =	shalt  }
0x75: {  	_ =	shalt  }
0x76: {  	_ =	shalt  }
0x77: {  	_ =	shalt  }
0x78: {  	_ =	shalt  }
0x79: {  	_ =	shalt  }
0x7a: {  	_ =	shalt  }
0x7b: {  	_ =	shalt  }
0x7c: {  	_ =	shalt  }
0x7d: {  	_ =	shalt  }
0x7e: {  	_ =	shalt  }
0x7f: {  	_ =	shalt  }
0x80: {  	_ =	shalt  }
0x81: {  	_ =	shalt  }
0x82: {  	_ =	shalt  }
0x83: {  	_ =	shalt  }
0x84: {  	_ =	shalt  }
0x85: {  	_ =	shalt  }
0x86: {  	_ =	shalt  }
0x87: {  	_ =	shalt  }
.Lfunc_end0:
.L_simem_size_0:
called_computation.3_lowered:
.L_overlay_start_0:
0x88: {  	s2 =	sld [smem:$0x3FD9]  }
0x89: {  	s3 =	sld [smem:$0x3FFE];
	_ =	sdelay $0x1  }
0x8a: {  	s1 =	srdreg.scid  }
0x8b: {  	s0 =	sand.u32 $0x1, s1  }
0x8c: {  	s16 =	sshll.u32 s0, $0xA;
	s2 =	sadd.s32 s3, s2  }
0x8d: {  	s2 =	sadd.s32 s2, s16  }
0x8e: {  	[smem:$0x3FA6] =	sst s2  }
0x8f: {  	_ = 	snop  }
0x90: {  	(tm) =	ssettm $0x1  }
0x91: {  	s17 =	sld [smem:$0x3FFB];
	_ =	sdelay $0x3  }
0x92: {  	_ =	strace s17  }
0x93: {  	s2 =	sld [smem:$0x3FFC];
	_ =	sdelay $0x3  }
0x94: {  	_ =	strace s2  }
0x95: {  	s2 =	sld [smem:$0x3FFD];
	_ =	sdelay $0x3  }
0x96: {  	_ =	strace s2  }
0x97: {  	_ =	strace $0x8FFFFFFF  }
0x98: {  	s18 =	sld [smem:$0x3FDB];
	_ =	sdelay $0x1  }
0x99: {  	s19 =	simm.s32 $_scs_section_size  }
0x9a: {  	s4 =	simm.s32 $_size__tile_overlayer_lowered;
	s5 =	simm.s32 $_tile_overlayer_lowered  }
0x9b: {  	s22 =	simm.s32 $0x1BFF;
	s21 =	sshll.u32 s5, $0x1;
	s2 =	sadd.s32 s19, s18  }
0x9c: {  	s6 =	simm.s32 $0x0;
	s20 =	sshll.u32 s4, $0x1;
	s4 =	sadd.s32 s21, s2  }
0x9d: {  	[timem:s6], [sflag:s22] =	dma.local [hbm:s4], s20  }
0x9e: {  	_ =	swait.ge [sflag:s22], s20  }
0x9f: {  	s3 =	ssub.s32 $0x0, s20;
	[sflag:s22] =	ssyncset.done $0x0  }
0xa0: {  	[sflag:s22] =	ssyncadd.s32 s3;
	_ =	sdelay $0x1  }
0xa1: {  	s23 =	simm.s32 $0x1B8B  }
0xa2: {  	_ =	swait.ge [sflag:s23], $0x1  }
0xa3: {  	[sflag:s23] =	ssyncset.done $0x0  }
0xa4: {  	s25 =	simm.s32 $0x1B8E;
	s24 =	sld [smem:$0x3FFE];
	[sflag:s23] =	ssyncadd.s32 $0xFFFFFFFF  }
0xa5: {  	s26 =	simm.s32 $execute0_lowered;
	[smem:$0x3FD2] =	sst s25  }
0xa6: {  	s4 =	sshll.u32 s26, $0x1;
	_ =	strace $0x8000004F;
	[dreg:$0x1] =	wrdreg $0xFFFFFFFF  }
0xa7: {  	s28 =	simm.s32 $_size_execute0_lowered;
	s2 =	sadd.s32 s2, s4;
	[dreg:$0x0] =	wrdreg $0x0  }
0xa8: {  	s4 =	sshll.u32 s28, $0x1;
	[dreg:$0x2] =	wrdreg s2  }
0xa9: {  	[dreg:$0x3] =	wrdreg s4  }
0xaa: {  	[dreg:$0x4] =	wrdreg $0xC0  }
0xab: {  	_ =	task [dreg:s6], $0x5FFFF  }
0xac: {  	[dreg:$0x1] =	wrdreg $0xFFFFFFFF  }
0xad: {  	[dreg:$0x0] =	wrdreg $0x60  }
0xae: {  	[dreg:$0x2] =	wrdreg s24  }
0xaf: {  	[dreg:$0x3] =	wrdreg $0x9  }
0xb0: {  	_ =	task.clear_ibuf [dreg:s6], $0x4FFFF;
	_ =	strace $0x9000004F  }
0xb1: {  	s29 =	simm.s32 $0x9;
	_ =	strace $0x80000051  }
0xb2: {  	_ =	swait.ge [sflag:s29], $0x1  }
0xb3: {  	[sflag:s29] =	ssyncadd.s32 $0xFFFFFFFF  }
0xb4: {  	_ =	strace $0x90000051  }
0xb5: {  	_ =	sfence  }
0xb6: {  	s30 =	sld [smem:$0x0];
	_ =	sdelay $0x2  }
0xb7: {  	s31 =	sshll.u32 s1, $0xD;
	s1 =	sshrl.u32 s1, $0x2  }
0xb8: {  	s3 =	sand.u32 $0x4000, s31;
	s1 =	sadd.s32 s1, s30  }
0xb9: {  	s0 =	sor.u32 s3, s0;
	s1 =	sshll.u32 s1, $0x11  }
0xba: {  	s0 =	sor.u32 s1, s0  }
0xbb: {  	s0 =	sadd.s32 $0x8F2B, s0  }
0xbc: {  	[sflag:s0] =	ssyncadd.remote.s32 $0x1  }
0xbd: {  	_ =	sfence.sel $0xFFFF  }
0xbe: {  	[dreg:$0x0] =	wrdreg $0xFFFFFFFF;
	(pc) =	sbr.abs _section_cstart, $3  }
0xbf: {  	[dreg:$0x1] =	wrdreg $0xFFFFFFFF  }
0xc0: {  	_ =	task.clear_ibuf [dreg:s6], $0x2FFFF;
	_ =	strace $0x9FFFFFFF  }
0xc1: {  	(tm) =	ssettm $0x7FFFFFFF  }
tec
execute0_lowered:
.L_overlay_start_1:
0x0: {  	(tag) =	ssettag $0x1  }
0x1: {  	s5 =	rddreg [dreg:$0x0];
	s1 =	simm.s32 $0x0  }
0x2: {  	[smem:$0x7FF] =	sst s1  }
0x3: {  	s0 =	rddreg [dreg:$0x1];
	v0 =	vimm.f32 $1.000000000e+00;
	_ =	strace $0x80000050  }
0x4: {  	(xrf0) =	vmax.scan.msk.f32 $0xffff, v0;
	_ =	sdelay $0x5  }
0x5: {  	v0, _, _ =	vpop (xrf0)  }
0x6: {  	(v2sf) =	vpush v0, $0xF;
	_ =	sdelay $0x5  }
0x7: {  	s3 =	srdreg.scid  }
0x8: {  	s2 =	stileid.u32;
	s12 =	simm.s32 $0x9D00;
	s13 =	simm.s32 $0xA500  }
0x9: {  	s15 =	simm.s32 $0x7590;
	s6 =	sand.u32 $0x1, s3;
	s30 =	sshll.u32 s2, $0x1  }
0xa: {  	s16 =	simm.s32 $0x0;
	s9 =	sadd.s32 $0x2CE00, s5;
	s7 =	sor.u32 s6, s30  }
0xb: {  	s3 =	sadd.s32 $0x19400, s5;
	s4 =	sadd.s32 $0x5A00, s5;
	s8 =	smul.u32 $0x4E20, s7  }
0xc: {  	s10 =	sadd.s32 $0x40800, s5;
	s6 =	ssub.s32 $0x2, s6;
	s7 =	smul.u32 $0x9C4, s7  }
.Ltmp0:
0xd: {  	s31 =	sshrl.u32 s6, $0x1;
	s8 =	sshrl.u32 s8, $0x3;
	(pc) =	sbr.rel .LBB2_1-.Ltmp0, $4  }
0xe: {  	s11 =	ssub.s32 s6, s31;
	s5 =	sadd.s32 s9, s7;
	s8 =	sadd.s32 $0x4E2, s8  }
0xf: {  	s7 =	sadd.s32 s10, s7;
	s6 =	sadd.s32 s9, s8;
	s8 =	sadd.s32 s10, s8  }
0x10: {  	s9 =	smax.u32 s11, $0x1;
	s10 =	simm.s32 $0x1;
	s14 =	spop (v2sf)  }
0x11: {  	vm0 =	vmmov $0xffff;
	v1 =	vimm.f32 $0.0e+00;
	s11 =	simm.s32 $0x2710;
	v0 =	vimm.f32 $-Inf;
	p0 =	sgt.f32 s14, $0.0e+00;
	s14 =	simm.s32 $0x4E80  }
.LBB2_12:
0x12: {  	[hbm4b:s7+s1] =	stream.linear.scatter [tilespmem:s14], [sflag:$0x1], $0x2710, $0x38;
	[tilespmem:$0xAD00] =	vst v63  }
0x13: {  	s16 =	sadd.s32 $0x1, s16;
	_ =	swait.ge [sflag:s10], $0x2710  }
0x14: {  	p1 =	sne.s32 s16, s9;
	[sflag:s10] =	ssyncset.done $0x0  }
.Ltmp1:
0x15: {  	[sflag:s10] =	ssyncadd.s32 $0xFFFFD8F0;
	(pc) =	sbr.rel @!p1 .LBB2_13-.Ltmp1, $4  }
0x16: {  	[hbm4b:s8+s1] =	stream.linear.scatter [tilespmem:s15], [sflag:$0x1], $0x2710, $0x38;
	[tilespmem:$0xAD00] =	vst v63  }
0x17: {  	_ =	swait.ge [sflag:s10], $0x2710  }
0x18: {  	[sflag:s10] =	ssyncset.done $0x0  }
0x19: {  	[sflag:s10] =	ssyncadd.s32 $0xFFFFD8F0  }
.LBB2_1:
0x1a: {  	[tilespmem:s1], [sflag:$0x1] =	stream.linear.gather [hbm4b:s5+s1], $0x2710, $0x38;
	[tilespmem:$0xAD00] =	vst v63  }
0x1b: {  	_ =	swait.ge [sflag:s10], $0x2710  }
0x1c: {  	[sflag:s10] =	ssyncset.done $0x0  }
0x1d: {  	[sflag:s10] =	ssyncadd.s32 $0xFFFFD8F0  }
0x1e: {  	[tilespmem:s11], [sflag:$0x1] =	stream.linear.gather [hbm4b:s6+s1], $0x2710, $0x38;
	[tilespmem:$0xAD00] =	vst v63  }
0x1f: {  	_ =	swait.ge [sflag:s10], $0x2710  }
0x20: {  	[sflag:s10] =	ssyncset.done $0x0  }
0x21: {  	s17 =	simm.s32 $0x40;
	s18 =	simm.s32 $0x0;
	[sflag:s10] =	ssyncadd.s32 $0xFFFFD8F0  }
.LBB2_2:
0x22: {  	p1 =	sne.s32 s17, $0x9C00;
	[tilespmem:s18+$0x4E80] =	vst v0;
	s19 =	smov.u32 s17;
	s17 =	sadd.s32 $0x40, s17  }
.Ltmp2:
0x23: {  	[tilespmem:s18+$0x7590] =	vst v0;
	(pc) =	sbr.rel @p1 .LBB2_2-.Ltmp2, $2  }
0x24: {  	_ =	sdelay $0x2  }
0x25: {  	s18 =	sshra.s32 s19, $0x2  }
.Ltmp3:
0x26: {  	(pc) =	sbr.rel .LBB2_4-.Ltmp3, $3  }
0x27: {  	_ =	sdelay $0x1  }
0x28: {  	[tilespmem:s18+$0x4E80] =	vst v0  }
0x29: {  	s17 =	simm.s32 $0x0;
	[tilespmem:s18+$0x7590] =	vst v0;
	s18 =	simm.s32 $0x0  }
.LBB2_11:
0x2a: {  	s18 =	sadd.s32 $0x1, s18  }
0x2b: {  	p1 =	sne.s32 s18, $0x140  }
.Ltmp4:
0x2c: {  	_ = 	snop;
	(pc) =	sbr.rel @!p1 .LBB2_12-.Ltmp4, $1  }
0x2d: {  	_ =	sdelay $0x3  }
.LBB2_4:
0x2e: {  	s19 =	smul.u32 $0xFA, s18;
	_ =	sdelay $0x1  }
0x2f: {  	s20 =	sadd.s32 s3, s19  }
0x30: {  	[tilespmem:s12], [sflag:$0x1] =	stream.linear.gather [hbm4b:s20+s17], $0x7D0, $0x38;
	[tilespmem:$0xAD00] =	vst v63  }
0x31: {  	_ =	swait.ge [sflag:s10], $0x7D0  }
0x32: {  	[sflag:s10] =	ssyncset.done $0x0  }
.Ltmp5:
0x33: {  	s19 =	sadd.s32 s4, s19;
	[sflag:s10] =	ssyncadd.s32 $0xFFFFF830;
	(pc) =	sbr.rel .LBB2_5-.Ltmp5, $4  }
0x34: {  	[tilespmem:s13], [sflag:$0x1] =	stream.linear.gather [hbm4b:s19+s17], $0x7D0, $0x38;
	[tilespmem:$0xAD00] =	vst v63  }
0x35: {  	_ =	swait.ge [sflag:s10], $0x7D0  }
0x36: {  	[sflag:s10] =	ssyncset.done $0x0  }
0x37: {  	s19 =	simm.s32 $0x0;
	[sflag:s10] =	ssyncadd.s32 $0xFFFFF830  }
.LBB2_10:
0x38: {  	s19 =	sadd.s32 $0x1, s19  }
0x39: {  	p1 =	sne.s32 s19, $0x7D  }
.Ltmp6:
0x3a: {  	_ = 	snop;
	(pc) =	sbr.rel @!p1 .LBB2_11-.Ltmp6, $1  }
0x3b: {  	_ =	sdelay $0x3  }
.LBB2_5:
.Ltmp7:
0x3c: {  	(pc) =	sbr.rel @!p0 .LBB2_10-.Ltmp7, $1  }
0x3d: {  	_ =	sdelay $0x3  }
0x3e: {  	s20 =	sshll.u32 s19, $0x4  }
0x3f: {  	v2 =	vld [tilespmem:s20+$0x9D00]  }
0x40: {  	v3 =	vld [tilespmem:s20+$0xA500];
	_ =	sdelay $0x6  }
0x41: {  	vm1 =	vmmov vm0;
	v4 =	vld.idx.msk [tilespmem:v2+s1+$0x0], $0xffff  }
.LBB2_7:
0x42: {  	v5 =	vld.idx.msk [tilespmem:v3+s14+$0x0], $0xffff;
	_ =	sdelay $0x4  }
0x43: {  	v5 =	vmax.f32 v5, v4  }
0x44: {  	[tilespmem:v3+s14+$0x0] =	vst.idx.msk vm1, v5  }
0x45: {  	v5 =	vld.idx.msk [tilespmem:v3+s14+$0x0], $0xffff;
	_ =	sdelay $0x4  }
0x46: {  	vm2 =	vlt.f32 v5, v4  }
0x47: {  	vm1 =	vmand vm1, vm2  }
0x48: {  	v5 =	vsel vm1, $0x3F800000, v1  }
0x49: {  	(xrf0) =	vmax.scan.msk.f32 $0xffff, v5;
	_ =	sdelay $0x5  }
0x4a: {  	v5, _, _ =	vpop (xrf0)  }
0x4b: {  	(v2sf) =	vpush v5, $0xF;
	_ =	sdelay $0xe  }
0x4c: {  	s20 =	spop (v2sf)  }
0x4d: {  	p1 =	sgt.f32 s20, $0.0e+00  }
.Ltmp8:
0x4e: {  	_ = 	snop;
	(pc) =	sbr.rel @p1 .LBB2_7-.Ltmp8, $1  }
0x4f: {  	_ =	sdelay $0x3  }
0x50: {  	v4 =	vadd.s32 $0x2710, v2  }
0x51: {  	v2 =	vadd.s32 $0x2710, v3;
	_ =	sdelay $0x3  }
0x52: {  	vm1 =	vmmov vm0;
	v3 =	vld.idx.msk [tilespmem:v4+s1+$0x0], $0xffff  }
.LBB2_9:
0x53: {  	v4 =	vld.idx.msk [tilespmem:v2+s14+$0x0], $0xffff;
	_ =	sdelay $0x4  }
0x54: {  	v4 =	vmax.f32 v4, v3  }
0x55: {  	[tilespmem:v2+s14+$0x0] =	vst.idx.msk vm1, v4  }
0x56: {  	v4 =	vld.idx.msk [tilespmem:v2+s14+$0x0], $0xffff;
	_ =	sdelay $0x4  }
0x57: {  	vm2 =	vlt.f32 v4, v3  }
0x58: {  	vm1 =	vmand vm1, vm2  }
0x59: {  	v4 =	vsel vm1, $0x3F800000, v1  }
0x5a: {  	(xrf0) =	vmax.scan.msk.f32 $0xffff, v4;
	_ =	sdelay $0x5  }
0x5b: {  	v4, _, _ =	vpop (xrf0)  }
0x5c: {  	(v2sf) =	vpush v4, $0xF;
	_ =	sdelay $0xe  }
0x5d: {  	s20 =	spop (v2sf)  }
0x5e: {  	p1 =	sgt.f32 s20, $0.0e+00  }
.Ltmp9:
0x5f: {  	_ = 	snop;
	(pc) =	sbr.rel @p1 .LBB2_9-.Ltmp9, $1  }
0x60: {  	_ =	sdelay $0x3  }
.Ltmp10:
0x61: {  	_ = 	snop;
	(pc) =	sbr.rel .LBB2_10-.Ltmp10, $1  }
0x62: {  	_ =	sdelay $0x3  }
.LBB2_13:
0x63: {  	_ =	sfence.sel $0x180000  }
0x64: {  	[bflag:$0x0] =	sbarrier.arrive $0xFFFF  }
0x65: {  	p0 =	sne.s32 s2, $0x0;
	_ =	strace $0x90000050  }
0x66: {  	s0 =	sadd.s32 @!p0 $0x100000, s0;
	[bflag:$0x2] =	sbarrier.arrive $0xFFFF  }
0x67: {  	[sflag:s0] =	ssyncadd.tile.s32 @!p0 $0x1;
	_ =	shalt  }
.Lfunc_end2:
_tile_overlayer_lowered:
.L_overlay_start_2:
0x68: {  	(tag) =	ssettag $0x2  }
0x69: {  	s0 =	rddreg [dreg:$0x0];
	s2 =	stileid.u32  }
0x6a: {  	s1 =	rddreg [dreg:$0x1];
	p0 =	sne.s32 s2, $0x0  }
0x6b: {  	s3 =	rddreg [dreg:$0x2];
	[bflag:$0x3] =	sbarrier.arrive $0xFFFF;
	s2 =	simm.s32 @!p0 $0x1C01  }
0x6c: {  	[timem:s3], [sflag:s2] =	dma.local @!p0 [hbm:s0], s1  }
0x6d: {  	s0 =	simm.s32 @!p0 $0x1  }
0x6e: {  	_ =	swait.ge @!p0 [sflag:s0], s1  }
0x6f: {  	s1 =	ssub.s32 @!p0 $0x0, s1;
	[sflag:s0] =	ssyncset.done @!p0 $0x0  }
0x70: {  	[sflag:s0] =	ssyncadd.s32 @!p0 s1  }
0x71: {  	[bflag:$0x3] =	sbarrier.arrive $0xFFFF  }
0x72: {  	_ =	shalt  }

</sc_bundles>
